<compile_context>
chip_gen: v7x
topology: tpu7x:2x2x1
jax: 0.10.2.dev20260603
libtpu: 0.0.44.dev20260713+nightly
codegen_flags: <defaults>
</compile_context>

<pallas_src>
import functools

import jax
import jax.numpy as jnp
from jax import lax
from jax.experimental import pallas as pl
from jax.experimental.pallas import tpu as pltpu
from jax.experimental.pallas import tpu_sc as plsc

N_FACES = 100000
N_EDGES = 150000
NNZ = 300000
D = 128

NTILES = 16
NNZP = 300032
PER_TILE = NNZP // NTILES
C = 4688
ROUNDS = 4
CHUNK = 8960
RPT = CHUNK // NTILES
TRASH = CHUNK
LROWS = 40
BPAD = 1 << 29


def _mm_body(a_ref, w_ref, o_ref, *, nb, sigmoid_in):
    a = a_ref[...]
    if sigmoid_in:
        a = jax.nn.sigmoid(a)
    sign = jnp.where(pl.program_id(0) >= nb, -1.0, 1.0)
    o_ref[...] = sign * jnp.dot(a, w_ref[...], preferred_element_type=jnp.float32)


def _matmul_pm(a, w, *, sigmoid_in=False, block=1000):
    n = a.shape[0]
    nb = n // block
    return pl.pallas_call(
        functools.partial(_mm_body, nb=nb, sigmoid_in=sigmoid_in),
        grid=(2 * nb,),
        in_specs=[
            pl.BlockSpec((block, D), lambda i, nb=nb: (lax.rem(i, nb), 0)),
            pl.BlockSpec((D, D), lambda i: (0, 0)),
        ],
        out_specs=pl.BlockSpec((block, D), lambda i: (i, 0)),
        out_shape=jax.ShapeDtypeStruct((2 * n, D), jnp.float32),
    )(a, w)


def _sigmoid_pallas(a, block=1000):
    n = a.shape[0]
    return pl.pallas_call(
        lambda a_ref, o_ref: o_ref.__setitem__(..., jax.nn.sigmoid(a_ref[...])),
        grid=(n // block,),
        in_specs=[pl.BlockSpec((block, D), lambda i: (i, 0))],
        out_specs=pl.BlockSpec((block, D), lambda i: (i, 0)),
        out_shape=jax.ShapeDtypeStruct((n, D), jnp.float32),
    )(a)


def _scatter_body(hcat, src_hbm, dst_hbm, val_hbm, zeros_hbm, out_hbm,
                  acc, dchunk, schunk, vchunk, ps, pd,
                  sstg0, sstg1, dstg0, dstg1, gb0, sem0, sem1, sem2,
                  *, NH, NSRC, W):
    c = lax.axis_index("c")
    s = lax.axis_index("s")
    my_flush = s * RPT

    pltpu.sync_copy(zeros_hbm.at[pl.ds(my_flush, RPT)], acc.at[pl.ds(my_flush, RPT)])
    plsc.subcore_barrier()

    zero16 = jnp.zeros((16,), jnp.int32)
    trash16 = jnp.full((16,), TRASH, jnp.int32)
    lane = lax.iota(jnp.int32, 16)

    def window_body(w, _):
        base = jnp.minimum(w * CHUNK, NH - CHUNK) + c * NH

        def round_body(r, _r):
            off = s * PER_TILE + r * C
            cp1 = pltpu.async_copy(dst_hbm.at[pl.ds(off, C)], dchunk, sem0)
            cp2 = pltpu.async_copy(src_hbm.at[pl.ds(off, C)], schunk, sem1)
            cp3 = pltpu.async_copy(val_hbm.at[pl.ds(off, C)], vchunk, sem2)
            cp1.wait()
            cp2.wait()
            cp3.wait()

            def grp(g, cnt):
                d16 = dchunk[pl.ds(g * 16, 16)]
                s16 = schunk[pl.ds(g * 16, 16)]
                v16 = vchunk[pl.ds(g * 16, 16)]
                loc = d16 - base
                m_in = (d16 >= base) & (d16 < base + CHUNK)
                sidx = jnp.where(v16 > 0.0, s16, s16 + NSRC)
                key = jnp.where(m_in, lane, 16 + lane)
                _, s_c = plsc.sort_key_val(key, sidx)
                _, l_c = plsc.sort_key_val(key, loc)
                ps[pl.ds(cnt, 16)] = s_c
                pd[pl.ds(cnt, 16)] = l_c
                return jnp.clip(
                    cnt + plsc.all_reduce_population_count(m_in)[0], 0, C)

            cnt = lax.fori_loop(0, C // 16, grp, jnp.int32(0))

            for k in range(16):
                ps[pl.ds(cnt + k * 16, 16)] = zero16
                pd[pl.ds(cnt + k * 16, 16)] = trash16

            nb2 = (cnt + 255) // 256

            def pair(k, _k):
                j = k * 256
                for t in range(16):
                    sstg0[pl.ds(t * 16, 16)] = jnp.clip(
                        ps[pl.ds(j + t * 16, 16)], 0, 2 * NSRC - 1)
                cpa = pltpu.async_copy(hcat.at[sstg0], gb0, sem0)
                for t in range(16):
                    dstg0[pl.ds(t * 16, 16)] = jnp.clip(
                        pd[pl.ds(j + t * 16, 16)], 0, TRASH)
                cpa.wait()
                pltpu.sync_copy(gb0, acc.at[dstg0], add=True)
                return 0

            lax.fori_loop(0, nb2, pair, 0)
            return 0

        lax.fori_loop(0, ROUNDS, round_body, 0)

        plsc.subcore_barrier()
        pltpu.sync_copy(acc.at[pl.ds(my_flush, RPT)],
                        out_hbm.at[pl.ds(base + my_flush, RPT)])
        pltpu.sync_copy(zeros_hbm.at[pl.ds(my_flush, RPT)],
                        acc.at[pl.ds(my_flush, RPT)])
        plsc.subcore_barrier()
        return 0

    lax.fori_loop(0, W, window_body, 0)


def _sc_scatter(hcat, src_idx, dst_idx, vals, zeros, n_out):
    NH = n_out // 2
    W = -(-NH // CHUNK)
    NSRC = hcat.shape[0] // 2
    mesh = plsc.VectorSubcoreMesh(core_axis_name="c", subcore_axis_name="s")
    f = pl.kernel(
        functools.partial(_scatter_body, NH=NH, NSRC=NSRC, W=W),
        out_type=jax.ShapeDtypeStruct((n_out, D), jnp.float32),
        mesh=mesh,
        compiler_params=pltpu.CompilerParams(needs_layout_passes=False),
        scratch_types=[
            pltpu.VMEM_SHARED((CHUNK + 8, D), jnp.float32),
            pltpu.VMEM((C,), jnp.int32),
            pltpu.VMEM((C,), jnp.int32),
            pltpu.VMEM((C,), jnp.float32),
            pltpu.VMEM((LROWS * 128,), jnp.int32),
            pltpu.VMEM((LROWS * 128,), jnp.int32),
            pltpu.VMEM((256,), jnp.int32),
            pltpu.VMEM((256,), jnp.int32),
            pltpu.VMEM((256,), jnp.int32),
            pltpu.VMEM((256,), jnp.int32),
            pltpu.VMEM((256, D), jnp.float32),
            pltpu.SemaphoreType.DMA,
            pltpu.SemaphoreType.DMA,
            pltpu.SemaphoreType.DMA,
        ],
    )
    return f(hcat, src_idx, dst_idx, vals, zeros)


def kernel(x, rows, cols, vals, W1, W2):
    pad = NNZP - NNZ
    rows_p = jnp.concatenate([rows.astype(jnp.int32),
                              jnp.full((pad,), BPAD, jnp.int32)])
    cols_p = jnp.concatenate([cols.astype(jnp.int32),
                              jnp.zeros((pad,), jnp.int32)])
    vals_p = jnp.concatenate([vals, jnp.ones((pad,), jnp.float32)])
    zeros = jnp.zeros((CHUNK, D), jnp.float32)

    h = _matmul_pm(x, W1)
    e = _sc_scatter(h, cols_p, rows_p, vals_p, zeros, N_EDGES)
    h2 = _matmul_pm(e, W2, sigmoid_in=True)
    o = _sc_scatter(h2, rows_p, cols_p, vals_p, zeros, N_FACES)
    return _sigmoid_pallas(o)

# --- scband reference (transcript-rebuilt; emitter-appended) ---
"""Pipeline reference for scband-template-layer-2516850835707 (READ-ONLY COPY).

The authoritative reference and input builder live on the scoring server;
editing this copy changes nothing except your own understanding.
"""

import jax, jax.numpy as jnp
import numpy as np

N_FACES = 100000
N_EDGES = 150000
NNZ = 300000
D_IN = 128
D_MID = 128
D_OUT = 128


def setup_inputs(seed: int = 0) -> dict:
    key = jax.random.key(seed)
    k1, k2, k3, k4, k5, k6 = jax.random.split(key, 6)
    x = jax.random.normal(k1, (N_FACES, D_IN), dtype=jnp.float32)
    # sparse incidence_matrix_2: shape [N_EDGES, N_FACES], COO with +/-1 values
    rows = jax.random.randint(k2, (NNZ,), 0, N_EDGES)
    cols = jax.random.randint(k3, (NNZ,), 0, N_FACES)
    vals = jnp.where(jax.random.bernoulli(k4, 0.5, (NNZ,)), 1.0, -1.0).astype(jnp.float32)
    lim1 = float(np.sqrt(6.0 / (D_IN + D_MID)))
    W1 = jax.random.uniform(k5, (D_IN, D_MID), minval=-lim1, maxval=lim1, dtype=jnp.float32)
    lim2 = float(np.sqrt(6.0 / (D_MID + D_OUT)))
    W2 = jax.random.uniform(k6, (D_MID, D_OUT), minval=-lim2, maxval=lim2, dtype=jnp.float32)
    return {"x": x, "rows": rows, "cols": cols, "vals": vals, "W1": W1, "W2": W2}


def _spmm(rows, cols, vals, mat, n_out):
    # (sparse [n_out, n_in]) @ (dense [n_in, d]) via gather + scatter-add
    gathered = jnp.take(mat, cols, axis=0) * vals[:, None]
    return jnp.zeros((n_out, mat.shape[1]), dtype=mat.dtype).at[rows].add(gathered)


def reference(x, rows, cols, vals, W1, W2):
    # level1: MessagePassingConv(in->mid, update='sigmoid') with neighborhood = incidence_matrix_2
    h = x @ W1
    h = _spmm(rows, cols, vals, h, N_EDGES)
    h = jax.nn.sigmoid(h)
    # level2: MessagePassingConv(mid->out, update='sigmoid') with neighborhood = incidence_matrix_2^T
    h2 = h @ W2
    out = _spmm(cols, rows, vals, h2, N_FACES)
    return jax.nn.sigmoid(out)

if __name__ == "__main__":
    import jax
    _d = setup_inputs()
    print(jax.jit(kernel)(*tuple(_d.values())))

</pallas_src>

<mosaic_0001>
#map = affine_map<(d0, d1) -> (0, 0)>
#map1 = affine_map<(d0, d1) -> (0)>
module attributes {stable_mosaic.version = 14 : i64} {
  func.func @_scatter_body(%arg0: i32, %arg1: i32, %arg2: memref<200000x128xf32, #tpu.memory_space<hbm>>, %arg3: memref<300032xi32, #tpu.memory_space<hbm>>, %arg4: memref<300032xi32, #tpu.memory_space<hbm>>, %arg5: memref<300032xf32, #tpu.memory_space<hbm>>, %arg6: memref<8960x128xf32, #tpu.memory_space<hbm>>, %arg7: memref<150000x128xf32, #tpu.memory_space<hbm>>, %arg8: memref<8968x128xf32, #tpu.memory_space<vmem_shared>>, %arg9: memref<4688xi32, #tpu.memory_space<vmem>>, %arg10: memref<4688xi32, #tpu.memory_space<vmem>>, %arg11: memref<4688xf32, #tpu.memory_space<vmem>>, %arg12: memref<5120xi32, #tpu.memory_space<vmem>>, %arg13: memref<5120xi32, #tpu.memory_space<vmem>>, %arg14: memref<256xi32, #tpu.memory_space<vmem>>, %arg15: memref<256xi32, #tpu.memory_space<vmem>>, %arg16: memref<256xi32, #tpu.memory_space<vmem>>, %arg17: memref<256xi32, #tpu.memory_space<vmem>>, %arg18: memref<256x128xf32, #tpu.memory_space<vmem>>, %arg19: memref<!tpu.dma_semaphore, #tpu.memory_space<semaphore_mem>>, %arg20: memref<!tpu.dma_semaphore, #tpu.memory_space<semaphore_mem>>, %arg21: memref<!tpu.dma_semaphore, #tpu.memory_space<semaphore_mem>>) attributes {dimension_semantics = [#tpu.dimension_semantics<core_parallel>, #tpu.dimension_semantics<subcore_parallel>], iteration_bounds = array<i64: 2, 16>, scalar_prefetch = 0 : i64, scratch_operands = 14 : i64, tpu.core_type = #tpu.core_type<sc_vector_subcore>, window_params = [{transform_indices = #map}, {transform_indices = #map1}, {transform_indices = #map1}, {transform_indices = #map1}, {transform_indices = #map}, {transform_indices = #map}]} {
    %mul3A = arith.constant 560 : i32
    %mul3A_0 = arith.muli %arg1, %mul3A : i32
    "tpu.region"() ({
      %run_scoped3A = tpu.sem_alloc : memref<!tpu.dma_semaphore, #tpu.memory_space<semaphore_mem>>
      %dma_start3A = arith.constant 0 : i32
      %dma_start3A_10 = tpu.memref_slice %arg8[%mul3A_0, %dma_start3A] : memref<8968x128xf32, #tpu.memory_space<vmem_shared>> -> memref<560x128xf32, #tpu.memory_space<vmem_shared>>
      %dma_start3A_11 = arith.constant 0 : i32
      %dma_start3A_12 = tpu.memref_slice %arg6[%mul3A_0, %dma_start3A_11] : memref<8960x128xf32, #tpu.memory_space<hbm>> -> memref<560x128xf32, #tpu.memory_space<hbm>>
      tpu.enqueue_dma source(%dma_start3A_12 : memref<560x128xf32, #tpu.memory_space<hbm>>) target(%dma_start3A_10 : memref<560x128xf32, #tpu.memory_space<vmem_shared>>) target_semaphore(%run_scoped3A : memref<!tpu.dma_semaphore, #tpu.memory_space<semaphore_mem>>)
      %dma_wait3A = arith.constant 0 : i32
      %dma_wait3A_13 = tpu.memref_slice %arg8[%mul3A_0, %dma_wait3A] : memref<8968x128xf32, #tpu.memory_space<vmem_shared>> -> memref<560x128xf32, #tpu.memory_space<vmem_shared>>
      %dma_wait3A_14 = arith.constant 0 : i32
      %dma_wait3A_15 = tpu.memref_slice %arg6[%mul3A_0, %dma_wait3A_14] : memref<8960x128xf32, #tpu.memory_space<hbm>> -> memref<560x128xf32, #tpu.memory_space<hbm>>
      tpu.wait_dma2 semaphore(%run_scoped3A : memref<!tpu.dma_semaphore, #tpu.memory_space<semaphore_mem>>) src(%dma_wait3A_15 : memref<560x128xf32, #tpu.memory_space<hbm>>) dst(%dma_wait3A_13 : memref<560x128xf32, #tpu.memory_space<vmem_shared>>)
      tpu.yield
    }) : () -> ()
    %barrier3A = arith.constant 0 : index
    tpu.barrier barrier_id(%barrier3A)
    %broadcast_in_dim3A = arith.constant 0 : i32
    %broadcast_in_dim3A_1 = vector.broadcast %broadcast_in_dim3A : i32 to vector<16xi32>
    %broadcast_in_dim3A_2 = arith.constant 8960 : i32
    %broadcast_in_dim3A_3 = vector.broadcast %broadcast_in_dim3A_2 : i32 to vector<16xi32>
    %iota3A = tpu.iota {dimensions = array<i32: 0>} : vector<16xi32>
    %scan3A = arith.constant 0 : i32
    %scan3A_4 = arith.constant 0 : i32
    %scan3A_5 = arith.constant 9 : i32
    %scan3A_6 = arith.addi %scan3A_4, %scan3A_5 : i32
    %scan3A_7 = arith.constant 1 : i32
    %scan3A_8 = scf.for %scan3A_10 = %scan3A_4 to %scan3A_6 step %scan3A_7 iter_args(%scan3A_11 = %scan3A) -> (i32)  : i32 {
      %mul3A_12 = arith.constant 8960 : i32
      %mul3A_13 = arith.muli %scan3A_10, %mul3A_12 : i32
      %min3A = arith.constant 66040 : i32
      %min3A_14 = arith.minsi %mul3A_13, %min3A : i32
      %mul3A_15 = arith.constant 75000 : i32
      %mul3A_16 = arith.muli %arg0, %mul3A_15 : i32
      %add3A = arith.addi %min3A_14, %mul3A_16 : i32
      %scan3A_17 = arith.constant 0 : i32
      %scan3A_18 = arith.constant 0 : i32
      %scan3A_19 = arith.constant 4 : i32
      %scan3A_20 = arith.addi %scan3A_18, %scan3A_19 : i32
      %scan3A_21 = arith.constant 1 : i32
      %scan3A_22 = scf.for %scan3A_28 = %scan3A_18 to %scan3A_20 step %scan3A_21 iter_args(%scan3A_29 = %scan3A_17) -> (i32)  : i32 {
        %mul3A_30 = arith.constant 18752 : i32
        %mul3A_31 = arith.muli %arg1, %mul3A_30 : i32
        %mul3A_32 = arith.constant 4688 : i32
        %mul3A_33 = arith.muli %scan3A_28, %mul3A_32 : i32
        %add3A_34 = arith.addi %mul3A_31, %mul3A_33 : i32
        %dma_start3A = tpu.memref_slice %arg4[%add3A_34] : memref<300032xi32, #tpu.memory_space<hbm>> -> memref<4688xi32, #tpu.memory_space<hbm>>
        %dma_start3A_35 = tpu.memref_slice %arg4[%add3A_34] : memref<300032xi32, #tpu.memory_space<hbm>> -> memref<4688xi32, #tpu.memory_space<hbm>>
        tpu.enqueue_dma source(%dma_start3A_35 : memref<4688xi32, #tpu.memory_space<hbm>>) target(%arg9 : memref<4688xi32, #tpu.memory_space<vmem>>) target_semaphore(%arg19 : memref<!tpu.dma_semaphore, #tpu.memory_space<semaphore_mem>>)
        %dma_start3A_36 = tpu.memref_slice %arg3[%add3A_34] : memref<300032xi32, #tpu.memory_space<hbm>> -> memref<4688xi32, #tpu.memory_space<hbm>>
        %dma_start3A_37 = tpu.memref_slice %arg3[%add3A_34] : memref<300032xi32, #tpu.memory_space<hbm>> -> memref<4688xi32, #tpu.memory_space<hbm>>
        tpu.enqueue_dma source(%dma_start3A_37 : memref<4688xi32, #tpu.memory_space<hbm>>) target(%arg10 : memref<4688xi32, #tpu.memory_space<vmem>>) target_semaphore(%arg20 : memref<!tpu.dma_semaphore, #tpu.memory_space<semaphore_mem>>)
        %dma_start3A_38 = tpu.memref_slice %arg5[%add3A_34] : memref<300032xf32, #tpu.memory_space<hbm>> -> memref<4688xf32, #tpu.memory_space<hbm>>
        %dma_start3A_39 = tpu.memref_slice %arg5[%add3A_34] : memref<300032xf32, #tpu.memory_space<hbm>> -> memref<4688xf32, #tpu.memory_space<hbm>>
        tpu.enqueue_dma source(%dma_start3A_39 : memref<4688xf32, #tpu.memory_space<hbm>>) target(%arg11 : memref<4688xf32, #tpu.memory_space<vmem>>) target_semaphore(%arg21 : memref<!tpu.dma_semaphore, #tpu.memory_space<semaphore_mem>>)
        %dma_wait3A = tpu.memref_slice %arg4[%add3A_34] : memref<300032xi32, #tpu.memory_space<hbm>> -> memref<4688xi32, #tpu.memory_space<hbm>>
        %dma_wait3A_40 = tpu.memref_slice %arg4[%add3A_34] : memref<300032xi32, #tpu.memory_space<hbm>> -> memref<4688xi32, #tpu.memory_space<hbm>>
        tpu.wait_dma2 semaphore(%arg19 : memref<!tpu.dma_semaphore, #tpu.memory_space<semaphore_mem>>) src(%dma_wait3A_40 : memref<4688xi32, #tpu.memory_space<hbm>>) dst(%arg9 : memref<4688xi32, #tpu.memory_space<vmem>>)
        %dma_wait3A_41 = tpu.memref_slice %arg3[%add3A_34] : memref<300032xi32, #tpu.memory_space<hbm>> -> memref<4688xi32, #tpu.memory_space<hbm>>
        %dma_wait3A_42 = tpu.memref_slice %arg3[%add3A_34] : memref<300032xi32, #tpu.memory_space<hbm>> -> memref<4688xi32, #tpu.memory_space<hbm>>
        tpu.wait_dma2 semaphore(%arg20 : memref<!tpu.dma_semaphore, #tpu.memory_space<semaphore_mem>>) src(%dma_wait3A_42 : memref<4688xi32, #tpu.memory_space<hbm>>) dst(%arg10 : memref<4688xi32, #tpu.memory_space<vmem>>)
        %dma_wait3A_43 = tpu.memref_slice %arg5[%add3A_34] : memref<300032xf32, #tpu.memory_space<hbm>> -> memref<4688xf32, #tpu.memory_space<hbm>>
        %dma_wait3A_44 = tpu.memref_slice %arg5[%add3A_34] : memref<300032xf32, #tpu.memory_space<hbm>> -> memref<4688xf32, #tpu.memory_space<hbm>>
        tpu.wait_dma2 semaphore(%arg21 : memref<!tpu.dma_semaphore, #tpu.memory_space<semaphore_mem>>) src(%dma_wait3A_44 : memref<4688xf32, #tpu.memory_space<hbm>>) dst(%arg11 : memref<4688xf32, #tpu.memory_space<vmem>>)
        %scan3A_45 = arith.constant 0 : i32
        %scan3A_46 = arith.constant 0 : i32
        %scan3A_47 = arith.constant 293 : i32
        %scan3A_48 = arith.addi %scan3A_46, %scan3A_47 : i32
        %scan3A_49 = arith.constant 1 : i32
        %scan3A_50 = scf.for %scan3A_209 = %scan3A_46 to %scan3A_48 step %scan3A_49 iter_args(%scan3A_210 = %scan3A_45) -> (i32)  : i32 {
          %mul3A_211 = arith.constant 16 : i32
          %mul3A_212 = arith.muli %scan3A_209, %mul3A_211 : i32
          %get3A = arith.index_cast %mul3A_212 : i32 to index
          %get3A_213 = tpu.vector_load %arg9[%get3A] {strides = array<i32>} : memref<4688xi32, #tpu.memory_space<vmem>>, vector<16xi32>,
          %mul3A_214 = arith.constant 16 : i32
          %mul3A_215 = arith.muli %scan3A_209, %mul3A_214 : i32
          %get3A_216 = arith.index_cast %mul3A_215 : i32 to index
          %get3A_217 = tpu.vector_load %arg10[%get3A_216] {strides = array<i32>} : memref<4688xi32, #tpu.memory_space<vmem>>, vector<16xi32>,
          %mul3A_218 = arith.constant 16 : i32
          %mul3A_219 = arith.muli %scan3A_209, %mul3A_218 : i32
          %get3A_220 = arith.index_cast %mul3A_219 : i32 to index
          %get3A_221 = tpu.vector_load %arg11[%get3A_220] {strides = array<i32>} : memref<4688xf32, #tpu.memory_space<vmem>>, vector<16xf32>,
          %sub3A_222 = vector.broadcast %add3A : i32 to vector<16xi32>
          %sub3A_223 = arith.subi %get3A_213, %sub3A_222 : vector<16xi32>
          %ge3A = vector.broadcast %add3A : i32 to vector<16xi32>
          %ge3A_224 = arith.cmpi sge, %get3A_213, %ge3A : vector<16xi32>
          %add3A_225 = arith.constant 8960 : i32
          %add3A_226 = arith.addi %add3A, %add3A_225 : i32
          %lt3A = vector.broadcast %add3A_226 : i32 to vector<16xi32>
          %lt3A_227 = arith.cmpi slt, %get3A_213, %lt3A : vector<16xi32>
          %and3A_228 = arith.andi %ge3A_224, %lt3A_227 : vector<16xi1>
          %gt3A = arith.constant 0.000000e+00 : f32
          %gt3A_229 = vector.broadcast %gt3A : f32 to vector<16xf32>
          %gt3A_230 = arith.cmpf ogt, %get3A_221, %gt3A_229 : vector<16xf32>
          %add3A_231 = arith.constant 100000 : i32
          %add3A_232 = vector.broadcast %add3A_231 : i32 to vector<16xi32>
          %add3A_233 = arith.addi %get3A_217, %add3A_232 : vector<16xi32>
          %select_n3A_234 = arith.select %gt3A_230, %get3A_217, %add3A_233 : vector<16xi1>, vector<16xi32>
          %add3A_235 = arith.constant 16 : i32
          %add3A_236 = vector.broadcast %add3A_235 : i32 to vector<16xi32>
          %add3A_237 = arith.addi %add3A_236, %iota3A : vector<16xi32>
          %select_n3A_238 = arith.select %and3A_228, %iota3A, %add3A_237 : vector<16xi1>, vector<16xi32>
          %masked_sort3A = arith.constant dense<true> : vector<16xi1>
          %masked_sort3A_239 = arith.constant -2147483648 : i32
          %masked_sort3A_240 = vector.broadcast %masked_sort3A_239 : i32 to vector<16xi32>
          %masked_sort3A_241 = arith.xori %select_n3A_238, %masked_sort3A_240 : vector<16xi32>
          %masked_sort3A_242, %masked_sort3A_243, %masked_sort3A_244 = tpu.sort %masked_sort3A_241, %select_n3A_234 masked %masked_sort3A : (vector<16xi32>, vector<16xi32>, vector<16xi1>) -> (vector<16xi1>, vector<16xi32>, vector<16xi32>)
          %masked_sort3A_245 = arith.xori %masked_sort3A_243, %masked_sort3A_240 : vector<16xi32>
          %masked_sort3A_246 = arith.constant dense<true> : vector<16xi1>
          %masked_sort3A_247 = arith.constant -2147483648 : i32
          %masked_sort3A_248 = vector.broadcast %masked_sort3A_247 : i32 to vector<16xi32>
          %masked_sort3A_249 = arith.xori %select_n3A_238, %masked_sort3A_248 : vector<16xi32>
          %masked_sort3A_250, %masked_sort3A_251, %masked_sort3A_252 = tpu.sort %masked_sort3A_249, %sub3A_223 masked %masked_sort3A_246 : (vector<16xi32>, vector<16xi32>, vector<16xi1>) -> (vector<16xi1>, vector<16xi32>, vector<16xi32>)
          %masked_sort3A_253 = arith.xori %masked_sort3A_251, %masked_sort3A_248 : vector<16xi32>
          %swap3A_254 = arith.index_cast %scan3A_210 : i32 to index
          %swap3A_255 = tpu.vector_load %arg12[%swap3A_254] {strides = array<i32>} : memref<5120xi32, #tpu.memory_space<vmem>>, vector<16xi32>,
          tpu.vector_store %arg12[%swap3A_254], %masked_sort3A_244 {strides = array<i32>} : memref<5120xi32, #tpu.memory_space<vmem>>, vector<16xi32>,
          %swap3A_256 = arith.index_cast %scan3A_210 : i32 to index
          %swap3A_257 = tpu.vector_load %arg13[%swap3A_256] {strides = array<i32>} : memref<5120xi32, #tpu.memory_space<vmem>>, vector<16xi32>,
          tpu.vector_store %arg13[%swap3A_256], %masked_sort3A_252 {strides = array<i32>} : memref<5120xi32, #tpu.memory_space<vmem>>, vector<16xi32>,
          %all_reduce_population_count3A = tpu.all_reduce %and3A_228 {dim = 0 : i64, kind = #tpu.reduction_kind<sum>} : vector<16xi1> -> vector<16xi32>
          %slice3A = vector.extract_strided_slice %all_reduce_population_count3A {offsets = [0], sizes = [1], strides = [1]} : vector<16xi32> to vector<1xi32>
          %squeeze3A = vector.extract %slice3A[0] : i32 from vector<1xi32>
          %add3A_258 = arith.addi %scan3A_210, %squeeze3A : i32
          %jit3A_259 = arith.constant 0 : i32
          %jit3A_260 = arith.constant 4688 : i32
          %max3A = arith.maxsi %jit3A_259, %add3A_258 : i32
          %min3A_261 = arith.minsi %jit3A_260, %max3A : i32
          scf.yield %min3A_261 : i32
        }
        %scan3A_51 = arith.constant 293 : i32
        %add3A_52 = arith.constant 0 : i32
        %add3A_53 = arith.addi %scan3A_50, %add3A_52 : i32
        %swap3A = arith.index_cast %add3A_53 : i32 to index
        %swap3A_54 = tpu.vector_load %arg12[%swap3A] {strides = array<i32>} : memref<5120xi32, #tpu.memory_space<vmem>>, vector<16xi32>,
        tpu.vector_store %arg12[%swap3A], %broadcast_in_dim3A_1 {strides = array<i32>} : memref<5120xi32, #tpu.memory_space<vmem>>, vector<16xi32>,
        %add3A_55 = arith.constant 0 : i32
        %add3A_56 = arith.addi %scan3A_50, %add3A_55 : i32
        %swap3A_57 = arith.index_cast %add3A_56 : i32 to index
        %swap3A_58 = tpu.vector_load %arg13[%swap3A_57] {strides = array<i32>} : memref<5120xi32, #tpu.memory_space<vmem>>, vector<16xi32>,
        tpu.vector_store %arg13[%swap3A_57], %broadcast_in_dim3A_3 {strides = array<i32>} : memref<5120xi32, #tpu.memory_space<vmem>>, vector<16xi32>,
        %add3A_59 = arith.constant 16 : i32
        %add3A_60 = arith.addi %scan3A_50, %add3A_59 : i32
        %swap3A_61 = arith.index_cast %add3A_60 : i32 to index
        %swap3A_62 = tpu.vector_load %arg12[%swap3A_61] {strides = array<i32>} : memref<5120xi32, #tpu.memory_space<vmem>>, vector<16xi32>,
        tpu.vector_store %arg12[%swap3A_61], %broadcast_in_dim3A_1 {strides = array<i32>} : memref<5120xi32, #tpu.memory_space<vmem>>, vector<16xi32>,
        %add3A_63 = arith.constant 16 : i32
        %add3A_64 = arith.addi %scan3A_50, %add3A_63 : i32
        %swap3A_65 = arith.index_cast %add3A_64 : i32 to index
        %swap3A_66 = tpu.vector_load %arg13[%swap3A_65] {strides = array<i32>} : memref<5120xi32, #tpu.memory_space<vmem>>, vector<16xi32>,
        tpu.vector_store %arg13[%swap3A_65], %broadcast_in_dim3A_3 {strides = array<i32>} : memref<5120xi32, #tpu.memory_space<vmem>>, vector<16xi32>,
        %add3A_67 = arith.constant 32 : i32
        %add3A_68 = arith.addi %scan3A_50, %add3A_67 : i32
        %swap3A_69 = arith.index_cast %add3A_68 : i32 to index
        %swap3A_70 = tpu.vector_load %arg12[%swap3A_69] {strides = array<i32>} : memref<5120xi32, #tpu.memory_space<vmem>>, vector<16xi32>,
        tpu.vector_store %arg12[%swap3A_69], %broadcast_in_dim3A_1 {strides = array<i32>} : memref<5120xi32, #tpu.memory_space<vmem>>, vector<16xi32>,
        %add3A_71 = arith.constant 32 : i32
        %add3A_72 = arith.addi %scan3A_50, %add3A_71 : i32
        %swap3A_73 = arith.index_cast %add3A_72 : i32 to index
        %swap3A_74 = tpu.vector_load %arg13[%swap3A_73] {strides = array<i32>} : memref<5120xi32, #tpu.memory_space<vmem>>, vector<16xi32>,
        tpu.vector_store %arg13[%swap3A_73], %broadcast_in_dim3A_3 {strides = array<i32>} : memref<5120xi32, #tpu.memory_space<vmem>>, vector<16xi32>,
        %add3A_75 = arith.constant 48 : i32
        %add3A_76 = arith.addi %scan3A_50, %add3A_75 : i32
        %swap3A_77 = arith.index_cast %add3A_76 : i32 to index
        %swap3A_78 = tpu.vector_load %arg12[%swap3A_77] {strides = array<i32>} : memref<5120xi32, #tpu.memory_space<vmem>>, vector<16xi32>,
        tpu.vector_store %arg12[%swap3A_77], %broadcast_in_dim3A_1 {strides = array<i32>} : memref<5120xi32, #tpu.memory_space<vmem>>, vector<16xi32>,
        %add3A_79 = arith.constant 48 : i32
        %add3A_80 = arith.addi %scan3A_50, %add3A_79 : i32
        %swap3A_81 = arith.index_cast %add3A_80 : i32 to index
        %swap3A_82 = tpu.vector_load %arg13[%swap3A_81] {strides = array<i32>} : memref<5120xi32, #tpu.memory_space<vmem>>, vector<16xi32>,
        tpu.vector_store %arg13[%swap3A_81], %broadcast_in_dim3A_3 {strides = array<i32>} : memref<5120xi32, #tpu.memory_space<vmem>>, vector<16xi32>,
        %add3A_83 = arith.constant 64 : i32
        %add3A_84 = arith.addi %scan3A_50, %add3A_83 : i32
        %swap3A_85 = arith.index_cast %add3A_84 : i32 to index
        %swap3A_86 = tpu.vector_load %arg12[%swap3A_85] {strides = array<i32>} : memref<5120xi32, #tpu.memory_space<vmem>>, vector<16xi32>,
        tpu.vector_store %arg12[%swap3A_85], %broadcast_in_dim3A_1 {strides = array<i32>} : memref<5120xi32, #tpu.memory_space<vmem>>, vector<16xi32>,
        %add3A_87 = arith.constant 64 : i32
        %add3A_88 = arith.addi %scan3A_50, %add3A_87 : i32
        %swap3A_89 = arith.index_cast %add3A_88 : i32 to index
        %swap3A_90 = tpu.vector_load %arg13[%swap3A_89] {strides = array<i32>} : memref<5120xi32, #tpu.memory_space<vmem>>, vector<16xi32>,
        tpu.vector_store %arg13[%swap3A_89], %broadcast_in_dim3A_3 {strides = array<i32>} : memref<5120xi32, #tpu.memory_space<vmem>>, vector<16xi32>,
        %add3A_91 = arith.constant 80 : i32
        %add3A_92 = arith.addi %scan3A_50, %add3A_91 : i32
        %swap3A_93 = arith.index_cast %add3A_92 : i32 to index
        %swap3A_94 = tpu.vector_load %arg12[%swap3A_93] {strides = array<i32>} : memref<5120xi32, #tpu.memory_space<vmem>>, vector<16xi32>,
        tpu.vector_store %arg12[%swap3A_93], %broadcast_in_dim3A_1 {strides = array<i32>} : memref<5120xi32, #tpu.memory_space<vmem>>, vector<16xi32>,
        %add3A_95 = arith.constant 80 : i32
        %add3A_96 = arith.addi %scan3A_50, %add3A_95 : i32
        %swap3A_97 = arith.index_cast %add3A_96 : i32 to index
        %swap3A_98 = tpu.vector_load %arg13[%swap3A_97] {strides = array<i32>} : memref<5120xi32, #tpu.memory_space<vmem>>, vector<16xi32>,
        tpu.vector_store %arg13[%swap3A_97], %broadcast_in_dim3A_3 {strides = array<i32>} : memref<5120xi32, #tpu.memory_space<vmem>>, vector<16xi32>,
        %add3A_99 = arith.constant 96 : i32
        %add3A_100 = arith.addi %scan3A_50, %add3A_99 : i32
        %swap3A_101 = arith.index_cast %add3A_100 : i32 to index
        %swap3A_102 = tpu.vector_load %arg12[%swap3A_101] {strides = array<i32>} : memref<5120xi32, #tpu.memory_space<vmem>>, vector<16xi32>,
        tpu.vector_store %arg12[%swap3A_101], %broadcast_in_dim3A_1 {strides = array<i32>} : memref<5120xi32, #tpu.memory_space<vmem>>, vector<16xi32>,
        %add3A_103 = arith.constant 96 : i32
        %add3A_104 = arith.addi %scan3A_50, %add3A_103 : i32
        %swap3A_105 = arith.index_cast %add3A_104 : i32 to index
        %swap3A_106 = tpu.vector_load %arg13[%swap3A_105] {strides = array<i32>} : memref<5120xi32, #tpu.memory_space<vmem>>, vector<16xi32>,
        tpu.vector_store %arg13[%swap3A_105], %broadcast_in_dim3A_3 {strides = array<i32>} : memref<5120xi32, #tpu.memory_space<vmem>>, vector<16xi32>,
        %add3A_107 = arith.constant 112 : i32
        %add3A_108 = arith.addi %scan3A_50, %add3A_107 : i32
        %swap3A_109 = arith.index_cast %add3A_108 : i32 to index
        %swap3A_110 = tpu.vector_load %arg12[%swap3A_109] {strides = array<i32>} : memref<5120xi32, #tpu.memory_space<vmem>>, vector<16xi32>,
        tpu.vector_store %arg12[%swap3A_109], %broadcast_in_dim3A_1 {strides = array<i32>} : memref<5120xi32, #tpu.memory_space<vmem>>, vector<16xi32>,
        %add3A_111 = arith.constant 112 : i32
        %add3A_112 = arith.addi %scan3A_50, %add3A_111 : i32
        %swap3A_113 = arith.index_cast %add3A_112 : i32 to index
        %swap3A_114 = tpu.vector_load %arg13[%swap3A_113] {strides = array<i32>} : memref<5120xi32, #tpu.memory_space<vmem>>, vector<16xi32>,
        tpu.vector_store %arg13[%swap3A_113], %broadcast_in_dim3A_3 {strides = array<i32>} : memref<5120xi32, #tpu.memory_space<vmem>>, vector<16xi32>,
        %add3A_115 = arith.constant 128 : i32
        %add3A_116 = arith.addi %scan3A_50, %add3A_115 : i32
        %swap3A_117 = arith.index_cast %add3A_116 : i32 to index
        %swap3A_118 = tpu.vector_load %arg12[%swap3A_117] {strides = array<i32>} : memref<5120xi32, #tpu.memory_space<vmem>>, vector<16xi32>,
        tpu.vector_store %arg12[%swap3A_117], %broadcast_in_dim3A_1 {strides = array<i32>} : memref<5120xi32, #tpu.memory_space<vmem>>, vector<16xi32>,
        %add3A_119 = arith.constant 128 : i32
        %add3A_120 = arith.addi %scan3A_50, %add3A_119 : i32
        %swap3A_121 = arith.index_cast %add3A_120 : i32 to index
        %swap3A_122 = tpu.vector_load %arg13[%swap3A_121] {strides = array<i32>} : memref<5120xi32, #tpu.memory_space<vmem>>, vector<16xi32>,
        tpu.vector_store %arg13[%swap3A_121], %broadcast_in_dim3A_3 {strides = array<i32>} : memref<5120xi32, #tpu.memory_space<vmem>>, vector<16xi32>,
        %add3A_123 = arith.constant 144 : i32
        %add3A_124 = arith.addi %scan3A_50, %add3A_123 : i32
        %swap3A_125 = arith.index_cast %add3A_124 : i32 to index
        %swap3A_126 = tpu.vector_load %arg12[%swap3A_125] {strides = array<i32>} : memref<5120xi32, #tpu.memory_space<vmem>>, vector<16xi32>,
        tpu.vector_store %arg12[%swap3A_125], %broadcast_in_dim3A_1 {strides = array<i32>} : memref<5120xi32, #tpu.memory_space<vmem>>, vector<16xi32>,
        %add3A_127 = arith.constant 144 : i32
        %add3A_128 = arith.addi %scan3A_50, %add3A_127 : i32
        %swap3A_129 = arith.index_cast %add3A_128 : i32 to index
        %swap3A_130 = tpu.vector_load %arg13[%swap3A_129] {strides = array<i32>} : memref<5120xi32, #tpu.memory_space<vmem>>, vector<16xi32>,
        tpu.vector_store %arg13[%swap3A_129], %broadcast_in_dim3A_3 {strides = array<i32>} : memref<5120xi32, #tpu.memory_space<vmem>>, vector<16xi32>,
        %add3A_131 = arith.constant 160 : i32
        %add3A_132 = arith.addi %scan3A_50, %add3A_131 : i32
        %swap3A_133 = arith.index_cast %add3A_132 : i32 to index
        %swap3A_134 = tpu.vector_load %arg12[%swap3A_133] {strides = array<i32>} : memref<5120xi32, #tpu.memory_space<vmem>>, vector<16xi32>,
        tpu.vector_store %arg12[%swap3A_133], %broadcast_in_dim3A_1 {strides = array<i32>} : memref<5120xi32, #tpu.memory_space<vmem>>, vector<16xi32>,
        %add3A_135 = arith.constant 160 : i32
        %add3A_136 = arith.addi %scan3A_50, %add3A_135 : i32
        %swap3A_137 = arith.index_cast %add3A_136 : i32 to index
        %swap3A_138 = tpu.vector_load %arg13[%swap3A_137] {strides = array<i32>} : memref<5120xi32, #tpu.memory_space<vmem>>, vector<16xi32>,
        tpu.vector_store %arg13[%swap3A_137], %broadcast_in_dim3A_3 {strides = array<i32>} : memref<5120xi32, #tpu.memory_space<vmem>>, vector<16xi32>,
        %add3A_139 = arith.constant 176 : i32
        %add3A_140 = arith.addi %scan3A_50, %add3A_139 : i32
        %swap3A_141 = arith.index_cast %add3A_140 : i32 to index
        %swap3A_142 = tpu.vector_load %arg12[%swap3A_141] {strides = array<i32>} : memref<5120xi32, #tpu.memory_space<vmem>>, vector<16xi32>,
        tpu.vector_store %arg12[%swap3A_141], %broadcast_in_dim3A_1 {strides = array<i32>} : memref<5120xi32, #tpu.memory_space<vmem>>, vector<16xi32>,
        %add3A_143 = arith.constant 176 : i32
        %add3A_144 = arith.addi %scan3A_50, %add3A_143 : i32
        %swap3A_145 = arith.index_cast %add3A_144 : i32 to index
        %swap3A_146 = tpu.vector_load %arg13[%swap3A_145] {strides = array<i32>} : memref<5120xi32, #tpu.memory_space<vmem>>, vector<16xi32>,
        tpu.vector_store %arg13[%swap3A_145], %broadcast_in_dim3A_3 {strides = array<i32>} : memref<5120xi32, #tpu.memory_space<vmem>>, vector<16xi32>,
        %add3A_147 = arith.constant 192 : i32
        %add3A_148 = arith.addi %scan3A_50, %add3A_147 : i32
        %swap3A_149 = arith.index_cast %add3A_148 : i32 to index
        %swap3A_150 = tpu.vector_load %arg12[%swap3A_149] {strides = array<i32>} : memref<5120xi32, #tpu.memory_space<vmem>>, vector<16xi32>,
        tpu.vector_store %arg12[%swap3A_149], %broadcast_in_dim3A_1 {strides = array<i32>} : memref<5120xi32, #tpu.memory_space<vmem>>, vector<16xi32>,
        %add3A_151 = arith.constant 192 : i32
        %add3A_152 = arith.addi %scan3A_50, %add3A_151 : i32
        %swap3A_153 = arith.index_cast %add3A_152 : i32 to index
        %swap3A_154 = tpu.vector_load %arg13[%swap3A_153] {strides = array<i32>} : memref<5120xi32, #tpu.memory_space<vmem>>, vector<16xi32>,
        tpu.vector_store %arg13[%swap3A_153], %broadcast_in_dim3A_3 {strides = array<i32>} : memref<5120xi32, #tpu.memory_space<vmem>>, vector<16xi32>,
        %add3A_155 = arith.constant 208 : i32
        %add3A_156 = arith.addi %scan3A_50, %add3A_155 : i32
        %swap3A_157 = arith.index_cast %add3A_156 : i32 to index
        %swap3A_158 = tpu.vector_load %arg12[%swap3A_157] {strides = array<i32>} : memref<5120xi32, #tpu.memory_space<vmem>>, vector<16xi32>,
        tpu.vector_store %arg12[%swap3A_157], %broadcast_in_dim3A_1 {strides = array<i32>} : memref<5120xi32, #tpu.memory_space<vmem>>, vector<16xi32>,
        %add3A_159 = arith.constant 208 : i32
        %add3A_160 = arith.addi %scan3A_50, %add3A_159 : i32
        %swap3A_161 = arith.index_cast %add3A_160 : i32 to index
        %swap3A_162 = tpu.vector_load %arg13[%swap3A_161] {strides = array<i32>} : memref<5120xi32, #tpu.memory_space<vmem>>, vector<16xi32>,
        tpu.vector_store %arg13[%swap3A_161], %broadcast_in_dim3A_3 {strides = array<i32>} : memref<5120xi32, #tpu.memory_space<vmem>>, vector<16xi32>,
        %add3A_163 = arith.constant 224 : i32
        %add3A_164 = arith.addi %scan3A_50, %add3A_163 : i32
        %swap3A_165 = arith.index_cast %add3A_164 : i32 to index
        %swap3A_166 = tpu.vector_load %arg12[%swap3A_165] {strides = array<i32>} : memref<5120xi32, #tpu.memory_space<vmem>>, vector<16xi32>,
        tpu.vector_store %arg12[%swap3A_165], %broadcast_in_dim3A_1 {strides = array<i32>} : memref<5120xi32, #tpu.memory_space<vmem>>, vector<16xi32>,
        %add3A_167 = arith.constant 224 : i32
        %add3A_168 = arith.addi %scan3A_50, %add3A_167 : i32
        %swap3A_169 = arith.index_cast %add3A_168 : i32 to index
        %swap3A_170 = tpu.vector_load %arg13[%swap3A_169] {strides = array<i32>} : memref<5120xi32, #tpu.memory_space<vmem>>, vector<16xi32>,
        tpu.vector_store %arg13[%swap3A_169], %broadcast_in_dim3A_3 {strides = array<i32>} : memref<5120xi32, #tpu.memory_space<vmem>>, vector<16xi32>,
        %add3A_171 = arith.constant 240 : i32
        %add3A_172 = arith.addi %scan3A_50, %add3A_171 : i32
        %swap3A_173 = arith.index_cast %add3A_172 : i32 to index
        %swap3A_174 = tpu.vector_load %arg12[%swap3A_173] {strides = array<i32>} : memref<5120xi32, #tpu.memory_space<vmem>>, vector<16xi32>,
        tpu.vector_store %arg12[%swap3A_173], %broadcast_in_dim3A_1 {strides = array<i32>} : memref<5120xi32, #tpu.memory_space<vmem>>, vector<16xi32>,
        %add3A_175 = arith.constant 240 : i32
        %add3A_176 = arith.addi %scan3A_50, %add3A_175 : i32
        %swap3A_177 = arith.index_cast %add3A_176 : i32 to index
        %swap3A_178 = tpu.vector_load %arg13[%swap3A_177] {strides = array<i32>} : memref<5120xi32, #tpu.memory_space<vmem>>, vector<16xi32>,
        tpu.vector_store %arg13[%swap3A_177], %broadcast_in_dim3A_3 {strides = array<i32>} : memref<5120xi32, #tpu.memory_space<vmem>>, vector<16xi32>,
        %add3A_179 = arith.constant 255 : i32
        %add3A_180 = arith.addi %scan3A_50, %add3A_179 : i32
        %jit3A = arith.constant 256 : i32
        %div3A = arith.divsi %add3A_180, %jit3A : i32
        %sign3A = arith.constant 0 : i32
        %sign3A_181 = arith.cmpi sgt, %add3A_180, %sign3A : i32
        %sign3A_182 = arith.extui %sign3A_181 : i1 to i32
        %sign3A_183 = arith.constant 0 : i32
        %sign3A_184 = arith.cmpi slt, %add3A_180, %sign3A_183 : i32
        %sign3A_185 = arith.extui %sign3A_184 : i1 to i32
        %sign3A_186 = arith.subi %sign3A_182, %sign3A_185 : i32
        %sign3A_187 = arith.constant 0 : i32
        %sign3A_188 = arith.cmpi sgt, %jit3A, %sign3A_187 : i32
        %sign3A_189 = arith.extui %sign3A_188 : i1 to i32
        %sign3A_190 = arith.constant 0 : i32
        %sign3A_191 = arith.cmpi slt, %jit3A, %sign3A_190 : i32
        %sign3A_192 = arith.extui %sign3A_191 : i1 to i32
        %sign3A_193 = arith.subi %sign3A_189, %sign3A_192 : i32
        %ne3A = arith.cmpi ne, %sign3A_186, %sign3A_193 : i32
        %rem3A = arith.remsi %add3A_180, %jit3A : i32
        %ne3A_194 = arith.constant 0 : i32
        %ne3A_195 = arith.cmpi ne, %rem3A, %ne3A_194 : i32
        %and3A = arith.andi %ne3A, %ne3A_195 : i1
        %sub3A = arith.constant 1 : i32
        %sub3A_196 = arith.subi %div3A, %sub3A : i32
        %select_n3A = arith.select %and3A, %sub3A_196, %div3A : i32
        %while3A = arith.constant 0 : i32
        %while3A_197 = arith.constant 0 : i32
        %while3A_198 = arith.subi %select_n3A, %while3A : i32
        %while3A_199 = arith.addi %while3A, %while3A_198 : i32
        %while3A_200 = arith.constant 1 : i32
        %while3A_201 = arith.divsi %while3A_198, %while3A_200 : i32
        %while3A_202 = arith.muli %while3A_201, %while3A_200 : i32
        %while3A_203 = arith.addi %while3A, %while3A_202 : i32
        %while3A_204 = arith.constant 1 : i32
        %while3A_205 = scf.for %while3A_209 = %while3A to %while3A_203 step %while3A_204 iter_args(%while3A_210 = %while3A_197) -> (i32)  : i32 {
          %mul3A_211 = arith.constant 256 : i32
          %mul3A_212 = arith.muli %while3A_209, %mul3A_211 : i32
          %add3A_213 = arith.constant 0 : i32
          %add3A_214 = arith.addi %mul3A_212, %add3A_213 : i32
          %get3A = arith.index_cast %add3A_214 : i32 to index
          %get3A_215 = tpu.vector_load %arg12[%get3A] {strides = array<i32>} : memref<5120xi32, #tpu.memory_space<vmem>>, vector<16xi32>,
          %jit3A_216 = arith.constant 0 : i32
          %jit3A_217 = arith.constant 199999 : i32
          %max3A = vector.broadcast %jit3A_216 : i32 to vector<16xi32>
          %max3A_218 = arith.maxsi %max3A, %get3A_215 : vector<16xi32>
          %min3A_219 = vector.broadcast %jit3A_217 : i32 to vector<16xi32>
          %min3A_220 = arith.minsi %min3A_219, %max3A_218 : vector<16xi32>
          %swap3A_221 = arith.constant 0 : index
          %swap3A_222 = tpu.vector_load %arg14[%swap3A_221] {strides = array<i32>} : memref<256xi32, #tpu.memory_space<vmem>>, vector<16xi32>,
          tpu.vector_store %arg14[%swap3A_221], %min3A_220 {strides = array<i32>} : memref<256xi32, #tpu.memory_space<vmem>>, vector<16xi32>,
          %add3A_223 = arith.constant 16 : i32
          %add3A_224 = arith.addi %mul3A_212, %add3A_223 : i32
          %get3A_225 = arith.index_cast %add3A_224 : i32 to index
          %get3A_226 = tpu.vector_load %arg12[%get3A_225] {strides = array<i32>} : memref<5120xi32, #tpu.memory_space<vmem>>, vector<16xi32>,
          %jit3A_227 = arith.constant 0 : i32
          %jit3A_228 = arith.constant 199999 : i32
          %max3A_229 = vector.broadcast %jit3A_227 : i32 to vector<16xi32>
          %max3A_230 = arith.maxsi %max3A_229, %get3A_226 : vector<16xi32>
          %min3A_231 = vector.broadcast %jit3A_228 : i32 to vector<16xi32>
          %min3A_232 = arith.minsi %min3A_231, %max3A_230 : vector<16xi32>
          %swap3A_233 = arith.constant 16 : index
          %swap3A_234 = tpu.vector_load %arg14[%swap3A_233] {strides = array<i32>} : memref<256xi32, #tpu.memory_space<vmem>>, vector<16xi32>,
          tpu.vector_store %arg14[%swap3A_233], %min3A_232 {strides = array<i32>} : memref<256xi32, #tpu.memory_space<vmem>>, vector<16xi32>,
          %add3A_235 = arith.constant 32 : i32
          %add3A_236 = arith.addi %mul3A_212, %add3A_235 : i32
          %get3A_237 = arith.index_cast %add3A_236 : i32 to index
          %get3A_238 = tpu.vector_load %arg12[%get3A_237] {strides = array<i32>} : memref<5120xi32, #tpu.memory_space<vmem>>, vector<16xi32>,
          %jit3A_239 = arith.constant 0 : i32
          %jit3A_240 = arith.constant 199999 : i32
          %max3A_241 = vector.broadcast %jit3A_239 : i32 to vector<16xi32>
          %max3A_242 = arith.maxsi %max3A_241, %get3A_238 : vector<16xi32>
          %min3A_243 = vector.broadcast %jit3A_240 : i32 to vector<16xi32>
          %min3A_244 = arith.minsi %min3A_243, %max3A_242 : vector<16xi32>
          %swap3A_245 = arith.constant 32 : index
          %swap3A_246 = tpu.vector_load %arg14[%swap3A_245] {strides = array<i32>} : memref<256xi32, #tpu.memory_space<vmem>>, vector<16xi32>,
          tpu.vector_store %arg14[%swap3A_245], %min3A_244 {strides = array<i32>} : memref<256xi32, #tpu.memory_space<vmem>>, vector<16xi32>,
          %add3A_247 = arith.constant 48 : i32
          %add3A_248 = arith.addi %mul3A_212, %add3A_247 : i32
          %get3A_249 = arith.index_cast %add3A_248 : i32 to index
          %get3A_250 = tpu.vector_load %arg12[%get3A_249] {strides = array<i32>} : memref<5120xi32, #tpu.memory_space<vmem>>, vector<16xi32>,
          %jit3A_251 = arith.constant 0 : i32
          %jit3A_252 = arith.constant 199999 : i32
          %max3A_253 = vector.broadcast %jit3A_251 : i32 to vector<16xi32>
          %max3A_254 = arith.maxsi %max3A_253, %get3A_250 : vector<16xi32>
          %min3A_255 = vector.broadcast %jit3A_252 : i32 to vector<16xi32>
          %min3A_256 = arith.minsi %min3A_255, %max3A_254 : vector<16xi32>
          %swap3A_257 = arith.constant 48 : index
          %swap3A_258 = tpu.vector_load %arg14[%swap3A_257] {strides = array<i32>} : memref<256xi32, #tpu.memory_space<vmem>>, vector<16xi32>,
          tpu.vector_store %arg14[%swap3A_257], %min3A_256 {strides = array<i32>} : memref<256xi32, #tpu.memory_space<vmem>>, vector<16xi32>,
          %add3A_259 = arith.constant 64 : i32
          %add3A_260 = arith.addi %mul3A_212, %add3A_259 : i32
          %get3A_261 = arith.index_cast %add3A_260 : i32 to index
          %get3A_262 = tpu.vector_load %arg12[%get3A_261] {strides = array<i32>} : memref<5120xi32, #tpu.memory_space<vmem>>, vector<16xi32>,
          %jit3A_263 = arith.constant 0 : i32
          %jit3A_264 = arith.constant 199999 : i32
          %max3A_265 = vector.broadcast %jit3A_263 : i32 to vector<16xi32>
          %max3A_266 = arith.maxsi %max3A_265, %get3A_262 : vector<16xi32>
          %min3A_267 = vector.broadcast %jit3A_264 : i32 to vector<16xi32>
          %min3A_268 = arith.minsi %min3A_267, %max3A_266 : vector<16xi32>
          %swap3A_269 = arith.constant 64 : index
          %swap3A_270 = tpu.vector_load %arg14[%swap3A_269] {strides = array<i32>} : memref<256xi32, #tpu.memory_space<vmem>>, vector<16xi32>,
          tpu.vector_store %arg14[%swap3A_269], %min3A_268 {strides = array<i32>} : memref<256xi32, #tpu.memory_space<vmem>>, vector<16xi32>,
          %add3A_271 = arith.constant 80 : i32
          %add3A_272 = arith.addi %mul3A_212, %add3A_271 : i32
          %get3A_273 = arith.index_cast %add3A_272 : i32 to index
          %get3A_274 = tpu.vector_load %arg12[%get3A_273] {strides = array<i32>} : memref<5120xi32, #tpu.memory_space<vmem>>, vector<16xi32>,
          %jit3A_275 = arith.constant 0 : i32
          %jit3A_276 = arith.constant 199999 : i32
          %max3A_277 = vector.broadcast %jit3A_275 : i32 to vector<16xi32>
          %max3A_278 = arith.maxsi %max3A_277, %get3A_274 : vector<16xi32>
          %min3A_279 = vector.broadcast %jit3A_276 : i32 to vector<16xi32>
          %min3A_280 = arith.minsi %min3A_279, %max3A_278 : vector<16xi32>
          %swap3A_281 = arith.constant 80 : index
          %swap3A_282 = tpu.vector_load %arg14[%swap3A_281] {strides = array<i32>} : memref<256xi32, #tpu.memory_space<vmem>>, vector<16xi32>,
          tpu.vector_store %arg14[%swap3A_281], %min3A_280 {strides = array<i32>} : memref<256xi32, #tpu.memory_space<vmem>>, vector<16xi32>,
          %add3A_283 = arith.constant 96 : i32
          %add3A_284 = arith.addi %mul3A_212, %add3A_283 : i32
          %get3A_285 = arith.index_cast %add3A_284 : i32 to index
          %get3A_286 = tpu.vector_load %arg12[%get3A_285] {strides = array<i32>} : memref<5120xi32, #tpu.memory_space<vmem>>, vector<16xi32>,
          %jit3A_287 = arith.constant 0 : i32
          %jit3A_288 = arith.constant 199999 : i32
          %max3A_289 = vector.broadcast %jit3A_287 : i32 to vector<16xi32>
          %max3A_290 = arith.maxsi %max3A_289, %get3A_286 : vector<16xi32>
          %min3A_291 = vector.broadcast %jit3A_288 : i32 to vector<16xi32>
          %min3A_292 = arith.minsi %min3A_291, %max3A_290 : vector<16xi32>
          %swap3A_293 = arith.constant 96 : index
          %swap3A_294 = tpu.vector_load %arg14[%swap3A_293] {strides = array<i32>} : memref<256xi32, #tpu.memory_space<vmem>>, vector<16xi32>,
          tpu.vector_store %arg14[%swap3A_293], %min3A_292 {strides = array<i32>} : memref<256xi32, #tpu.memory_space<vmem>>, vector<16xi32>,
          %add3A_295 = arith.constant 112 : i32
          %add3A_296 = arith.addi %mul3A_212, %add3A_295 : i32
          %get3A_297 = arith.index_cast %add3A_296 : i32 to index
          %get3A_298 = tpu.vector_load %arg12[%get3A_297] {strides = array<i32>} : memref<5120xi32, #tpu.memory_space<vmem>>, vector<16xi32>,
          %jit3A_299 = arith.constant 0 : i32
          %jit3A_300 = arith.constant 199999 : i32
          %max3A_301 = vector.broadcast %jit3A_299 : i32 to vector<16xi32>
          %max3A_302 = arith.maxsi %max3A_301, %get3A_298 : vector<16xi32>
          %min3A_303 = vector.broadcast %jit3A_300 : i32 to vector<16xi32>
          %min3A_304 = arith.minsi %min3A_303, %max3A_302 : vector<16xi32>
          %swap3A_305 = arith.constant 112 : index
          %swap3A_306 = tpu.vector_load %arg14[%swap3A_305] {strides = array<i32>} : memref<256xi32, #tpu.memory_space<vmem>>, vector<16xi32>,
          tpu.vector_store %arg14[%swap3A_305], %min3A_304 {strides = array<i32>} : memref<256xi32, #tpu.memory_space<vmem>>, vector<16xi32>,
          %add3A_307 = arith.constant 128 : i32
          %add3A_308 = arith.addi %mul3A_212, %add3A_307 : i32
          %get3A_309 = arith.index_cast %add3A_308 : i32 to index
          %get3A_310 = tpu.vector_load %arg12[%get3A_309] {strides = array<i32>} : memref<5120xi32, #tpu.memory_space<vmem>>, vector<16xi32>,
          %jit3A_311 = arith.constant 0 : i32
          %jit3A_312 = arith.constant 199999 : i32
          %max3A_313 = vector.broadcast %jit3A_311 : i32 to vector<16xi32>
          %max3A_314 = arith.maxsi %max3A_313, %get3A_310 : vector<16xi32>
          %min3A_315 = vector.broadcast %jit3A_312 : i32 to vector<16xi32>
          %min3A_316 = arith.minsi %min3A_315, %max3A_314 : vector<16xi32>
          %swap3A_317 = arith.constant 128 : index
          %swap3A_318 = tpu.vector_load %arg14[%swap3A_317] {strides = array<i32>} : memref<256xi32, #tpu.memory_space<vmem>>, vector<16xi32>,
          tpu.vector_store %arg14[%swap3A_317], %min3A_316 {strides = array<i32>} : memref<256xi32, #tpu.memory_space<vmem>>, vector<16xi32>,
          %add3A_319 = arith.constant 144 : i32
          %add3A_320 = arith.addi %mul3A_212, %add3A_319 : i32
          %get3A_321 = arith.index_cast %add3A_320 : i32 to index
          %get3A_322 = tpu.vector_load %arg12[%get3A_321] {strides = array<i32>} : memref<5120xi32, #tpu.memory_space<vmem>>, vector<16xi32>,
          %jit3A_323 = arith.constant 0 : i32
          %jit3A_324 = arith.constant 199999 : i32
          %max3A_325 = vector.broadcast %jit3A_323 : i32 to vector<16xi32>
          %max3A_326 = arith.maxsi %max3A_325, %get3A_322 : vector<16xi32>
          %min3A_327 = vector.broadcast %jit3A_324 : i32 to vector<16xi32>
          %min3A_328 = arith.minsi %min3A_327, %max3A_326 : vector<16xi32>
          %swap3A_329 = arith.constant 144 : index
          %swap3A_330 = tpu.vector_load %arg14[%swap3A_329] {strides = array<i32>} : memref<256xi32, #tpu.memory_space<vmem>>, vector<16xi32>,
          tpu.vector_store %arg14[%swap3A_329], %min3A_328 {strides = array<i32>} : memref<256xi32, #tpu.memory_space<vmem>>, vector<16xi32>,
          %add3A_331 = arith.constant 160 : i32
          %add3A_332 = arith.addi %mul3A_212, %add3A_331 : i32
          %get3A_333 = arith.index_cast %add3A_332 : i32 to index
          %get3A_334 = tpu.vector_load %arg12[%get3A_333] {strides = array<i32>} : memref<5120xi32, #tpu.memory_space<vmem>>, vector<16xi32>,
          %jit3A_335 = arith.constant 0 : i32
          %jit3A_336 = arith.constant 199999 : i32
          %max3A_337 = vector.broadcast %jit3A_335 : i32 to vector<16xi32>
          %max3A_338 = arith.maxsi %max3A_337, %get3A_334 : vector<16xi32>
          %min3A_339 = vector.broadcast %jit3A_336 : i32 to vector<16xi32>
          %min3A_340 = arith.minsi %min3A_339, %max3A_338 : vector<16xi32>
          %swap3A_341 = arith.constant 160 : index
          %swap3A_342 = tpu.vector_load %arg14[%swap3A_341] {strides = array<i32>} : memref<256xi32, #tpu.memory_space<vmem>>, vector<16xi32>,
          tpu.vector_store %arg14[%swap3A_341], %min3A_340 {strides = array<i32>} : memref<256xi32, #tpu.memory_space<vmem>>, vector<16xi32>,
          %add3A_343 = arith.constant 176 : i32
          %add3A_344 = arith.addi %mul3A_212, %add3A_343 : i32
          %get3A_345 = arith.index_cast %add3A_344 : i32 to index
          %get3A_346 = tpu.vector_load %arg12[%get3A_345] {strides = array<i32>} : memref<5120xi32, #tpu.memory_space<vmem>>, vector<16xi32>,
          %jit3A_347 = arith.constant 0 : i32
          %jit3A_348 = arith.constant 199999 : i32
          %max3A_349 = vector.broadcast %jit3A_347 : i32 to vector<16xi32>
          %max3A_350 = arith.maxsi %max3A_349, %get3A_346 : vector<16xi32>
          %min3A_351 = vector.broadcast %jit3A_348 : i32 to vector<16xi32>
          %min3A_352 = arith.minsi %min3A_351, %max3A_350 : vector<16xi32>
          %swap3A_353 = arith.constant 176 : index
          %swap3A_354 = tpu.vector_load %arg14[%swap3A_353] {strides = array<i32>} : memref<256xi32, #tpu.memory_space<vmem>>, vector<16xi32>,
          tpu.vector_store %arg14[%swap3A_353], %min3A_352 {strides = array<i32>} : memref<256xi32, #tpu.memory_space<vmem>>, vector<16xi32>,
          %add3A_355 = arith.constant 192 : i32
          %add3A_356 = arith.addi %mul3A_212, %add3A_355 : i32
          %get3A_357 = arith.index_cast %add3A_356 : i32 to index
          %get3A_358 = tpu.vector_load %arg12[%get3A_357] {strides = array<i32>} : memref<5120xi32, #tpu.memory_space<vmem>>, vector<16xi32>,
          %jit3A_359 = arith.constant 0 : i32
          %jit3A_360 = arith.constant 199999 : i32
          %max3A_361 = vector.broadcast %jit3A_359 : i32 to vector<16xi32>
          %max3A_362 = arith.maxsi %max3A_361, %get3A_358 : vector<16xi32>
          %min3A_363 = vector.broadcast %jit3A_360 : i32 to vector<16xi32>
          %min3A_364 = arith.minsi %min3A_363, %max3A_362 : vector<16xi32>
          %swap3A_365 = arith.constant 192 : index
          %swap3A_366 = tpu.vector_load %arg14[%swap3A_365] {strides = array<i32>} : memref<256xi32, #tpu.memory_space<vmem>>, vector<16xi32>,
          tpu.vector_store %arg14[%swap3A_365], %min3A_364 {strides = array<i32>} : memref<256xi32, #tpu.memory_space<vmem>>, vector<16xi32>,
          %add3A_367 = arith.constant 208 : i32
          %add3A_368 = arith.addi %mul3A_212, %add3A_367 : i32
          %get3A_369 = arith.index_cast %add3A_368 : i32 to index
          %get3A_370 = tpu.vector_load %arg12[%get3A_369] {strides = array<i32>} : memref<5120xi32, #tpu.memory_space<vmem>>, vector<16xi32>,
          %jit3A_371 = arith.constant 0 : i32
          %jit3A_372 = arith.constant 199999 : i32
          %max3A_373 = vector.broadcast %jit3A_371 : i32 to vector<16xi32>
          %max3A_374 = arith.maxsi %max3A_373, %get3A_370 : vector<16xi32>
          %min3A_375 = vector.broadcast %jit3A_372 : i32 to vector<16xi32>
          %min3A_376 = arith.minsi %min3A_375, %max3A_374 : vector<16xi32>
          %swap3A_377 = arith.constant 208 : index
          %swap3A_378 = tpu.vector_load %arg14[%swap3A_377] {strides = array<i32>} : memref<256xi32, #tpu.memory_space<vmem>>, vector<16xi32>,
          tpu.vector_store %arg14[%swap3A_377], %min3A_376 {strides = array<i32>} : memref<256xi32, #tpu.memory_space<vmem>>, vector<16xi32>,
          %add3A_379 = arith.constant 224 : i32
          %add3A_380 = arith.addi %mul3A_212, %add3A_379 : i32
          %get3A_381 = arith.index_cast %add3A_380 : i32 to index
          %get3A_382 = tpu.vector_load %arg12[%get3A_381] {strides = array<i32>} : memref<5120xi32, #tpu.memory_space<vmem>>, vector<16xi32>,
          %jit3A_383 = arith.constant 0 : i32
          %jit3A_384 = arith.constant 199999 : i32
          %max3A_385 = vector.broadcast %jit3A_383 : i32 to vector<16xi32>
          %max3A_386 = arith.maxsi %max3A_385, %get3A_382 : vector<16xi32>
          %min3A_387 = vector.broadcast %jit3A_384 : i32 to vector<16xi32>
          %min3A_388 = arith.minsi %min3A_387, %max3A_386 : vector<16xi32>
          %swap3A_389 = arith.constant 224 : index
          %swap3A_390 = tpu.vector_load %arg14[%swap3A_389] {strides = array<i32>} : memref<256xi32, #tpu.memory_space<vmem>>, vector<16xi32>,
          tpu.vector_store %arg14[%swap3A_389], %min3A_388 {strides = array<i32>} : memref<256xi32, #tpu.memory_space<vmem>>, vector<16xi32>,
          %add3A_391 = arith.constant 240 : i32
          %add3A_392 = arith.addi %mul3A_212, %add3A_391 : i32
          %get3A_393 = arith.index_cast %add3A_392 : i32 to index
          %get3A_394 = tpu.vector_load %arg12[%get3A_393] {strides = array<i32>} : memref<5120xi32, #tpu.memory_space<vmem>>, vector<16xi32>,
          %jit3A_395 = arith.constant 0 : i32
          %jit3A_396 = arith.constant 199999 : i32
          %max3A_397 = vector.broadcast %jit3A_395 : i32 to vector<16xi32>
          %max3A_398 = arith.maxsi %max3A_397, %get3A_394 : vector<16xi32>
          %min3A_399 = vector.broadcast %jit3A_396 : i32 to vector<16xi32>
          %min3A_400 = arith.minsi %min3A_399, %max3A_398 : vector<16xi32>
          %swap3A_401 = arith.constant 240 : index
          %swap3A_402 = tpu.vector_load %arg14[%swap3A_401] {strides = array<i32>} : memref<256xi32, #tpu.memory_space<vmem>>, vector<16xi32>,
          tpu.vector_store %arg14[%swap3A_401], %min3A_400 {strides = array<i32>} : memref<256xi32, #tpu.memory_space<vmem>>, vector<16xi32>,
          %dma_start3A_403 = arith.constant 0 : i32
          %dma_start3A_404 = arith.constant 0 : i32
          %dma_start3A_405 = tpu.memref_slice %arg2[%dma_start3A_403, %dma_start3A_404] : memref<200000x128xf32, #tpu.memory_space<hbm>> -> memref<200000x128xf32, #tpu.memory_space<hbm>>
          tpu.enqueue_indirect_dma source(%dma_start3A_405 : memref<200000x128xf32, #tpu.memory_space<hbm>>) target(%arg18 : memref<256x128xf32, #tpu.memory_space<vmem>>) offsets(%arg14 : memref<256xi32, #tpu.memory_space<vmem>>) semaphore(%arg19 : memref<!tpu.dma_semaphore, #tpu.memory_space<semaphore_mem>>)
          %add3A_406 = arith.constant 0 : i32
          %add3A_407 = arith.addi %mul3A_212, %add3A_406 : i32
          %get3A_408 = arith.index_cast %add3A_407 : i32 to index
          %get3A_409 = tpu.vector_load %arg13[%get3A_408] {strides = array<i32>} : memref<5120xi32, #tpu.memory_space<vmem>>, vector<16xi32>,
          %jit3A_410 = arith.constant 0 : i32
          %jit3A_411 = arith.constant 8960 : i32
          %max3A_412 = vector.broadcast %jit3A_410 : i32 to vector<16xi32>
          %max3A_413 = arith.maxsi %max3A_412, %get3A_409 : vector<16xi32>
          %min3A_414 = vector.broadcast %jit3A_411 : i32 to vector<16xi32>
          %min3A_415 = arith.minsi %min3A_414, %max3A_413 : vector<16xi32>
          %swap3A_416 = arith.constant 0 : index
          %swap3A_417 = tpu.vector_load %arg16[%swap3A_416] {strides = array<i32>} : memref<256xi32, #tpu.memory_space<vmem>>, vector<16xi32>,
          tpu.vector_store %arg16[%swap3A_416], %min3A_415 {strides = array<i32>} : memref<256xi32, #tpu.memory_space<vmem>>, vector<16xi32>,
          %add3A_418 = arith.constant 16 : i32
          %add3A_419 = arith.addi %mul3A_212, %add3A_418 : i32
          %get3A_420 = arith.index_cast %add3A_419 : i32 to index
          %get3A_421 = tpu.vector_load %arg13[%get3A_420] {strides = array<i32>} : memref<5120xi32, #tpu.memory_space<vmem>>, vector<16xi32>,
          %jit3A_422 = arith.constant 0 : i32
          %jit3A_423 = arith.constant 8960 : i32
          %max3A_424 = vector.broadcast %jit3A_422 : i32 to vector<16xi32>
          %max3A_425 = arith.maxsi %max3A_424, %get3A_421 : vector<16xi32>
          %min3A_426 = vector.broadcast %jit3A_423 : i32 to vector<16xi32>
          %min3A_427 = arith.minsi %min3A_426, %max3A_425 : vector<16xi32>
          %swap3A_428 = arith.constant 16 : index
          %swap3A_429 = tpu.vector_load %arg16[%swap3A_428] {strides = array<i32>} : memref<256xi32, #tpu.memory_space<vmem>>, vector<16xi32>,
          tpu.vector_store %arg16[%swap3A_428], %min3A_427 {strides = array<i32>} : memref<256xi32, #tpu.memory_space<vmem>>, vector<16xi32>,
          %add3A_430 = arith.constant 32 : i32
          %add3A_431 = arith.addi %mul3A_212, %add3A_430 : i32
          %get3A_432 = arith.index_cast %add3A_431 : i32 to index
          %get3A_433 = tpu.vector_load %arg13[%get3A_432] {strides = array<i32>} : memref<5120xi32, #tpu.memory_space<vmem>>, vector<16xi32>,
          %jit3A_434 = arith.constant 0 : i32
          %jit3A_435 = arith.constant 8960 : i32
          %max3A_436 = vector.broadcast %jit3A_434 : i32 to vector<16xi32>
          %max3A_437 = arith.maxsi %max3A_436, %get3A_433 : vector<16xi32>
          %min3A_438 = vector.broadcast %jit3A_435 : i32 to vector<16xi32>
          %min3A_439 = arith.minsi %min3A_438, %max3A_437 : vector<16xi32>
          %swap3A_440 = arith.constant 32 : index
          %swap3A_441 = tpu.vector_load %arg16[%swap3A_440] {strides = array<i32>} : memref<256xi32, #tpu.memory_space<vmem>>, vector<16xi32>,
          tpu.vector_store %arg16[%swap3A_440], %min3A_439 {strides = array<i32>} : memref<256xi32, #tpu.memory_space<vmem>>, vector<16xi32>,
          %add3A_442 = arith.constant 48 : i32
          %add3A_443 = arith.addi %mul3A_212, %add3A_442 : i32
          %get3A_444 = arith.index_cast %add3A_443 : i32 to index
          %get3A_445 = tpu.vector_load %arg13[%get3A_444] {strides = array<i32>} : memref<5120xi32, #tpu.memory_space<vmem>>, vector<16xi32>,
          %jit3A_446 = arith.constant 0 : i32
          %jit3A_447 = arith.constant 8960 : i32
          %max3A_448 = vector.broadcast %jit3A_446 : i32 to vector<16xi32>
          %max3A_449 = arith.maxsi %max3A_448, %get3A_445 : vector<16xi32>
          %min3A_450 = vector.broadcast %jit3A_447 : i32 to vector<16xi32>
          %min3A_451 = arith.minsi %min3A_450, %max3A_449 : vector<16xi32>
          %swap3A_452 = arith.constant 48 : index
          %swap3A_453 = tpu.vector_load %arg16[%swap3A_452] {strides = array<i32>} : memref<256xi32, #tpu.memory_space<vmem>>, vector<16xi32>,
          tpu.vector_store %arg16[%swap3A_452], %min3A_451 {strides = array<i32>} : memref<256xi32, #tpu.memory_space<vmem>>, vector<16xi32>,
          %add3A_454 = arith.constant 64 : i32
          %add3A_455 = arith.addi %mul3A_212, %add3A_454 : i32
          %get3A_456 = arith.index_cast %add3A_455 : i32 to index
          %get3A_457 = tpu.vector_load %arg13[%get3A_456] {strides = array<i32>} : memref<5120xi32, #tpu.memory_space<vmem>>, vector<16xi32>,
          %jit3A_458 = arith.constant 0 : i32
          %jit3A_459 = arith.constant 8960 : i32
          %max3A_460 = vector.broadcast %jit3A_458 : i32 to vector<16xi32>
          %max3A_461 = arith.maxsi %max3A_460, %get3A_457 : vector<16xi32>
          %min3A_462 = vector.broadcast %jit3A_459 : i32 to vector<16xi32>
          %min3A_463 = arith.minsi %min3A_462, %max3A_461 : vector<16xi32>
          %swap3A_464 = arith.constant 64 : index
          %swap3A_465 = tpu.vector_load %arg16[%swap3A_464] {strides = array<i32>} : memref<256xi32, #tpu.memory_space<vmem>>, vector<16xi32>,
          tpu.vector_store %arg16[%swap3A_464], %min3A_463 {strides = array<i32>} : memref<256xi32, #tpu.memory_space<vmem>>, vector<16xi32>,
          %add3A_466 = arith.constant 80 : i32
          %add3A_467 = arith.addi %mul3A_212, %add3A_466 : i32
          %get3A_468 = arith.index_cast %add3A_467 : i32 to index
          %get3A_469 = tpu.vector_load %arg13[%get3A_468] {strides = array<i32>} : memref<5120xi32, #tpu.memory_space<vmem>>, vector<16xi32>,
          %jit3A_470 = arith.constant 0 : i32
          %jit3A_471 = arith.constant 8960 : i32
          %max3A_472 = vector.broadcast %jit3A_470 : i32 to vector<16xi32>
          %max3A_473 = arith.maxsi %max3A_472, %get3A_469 : vector<16xi32>
          %min3A_474 = vector.broadcast %jit3A_471 : i32 to vector<16xi32>
          %min3A_475 = arith.minsi %min3A_474, %max3A_473 : vector<16xi32>
          %swap3A_476 = arith.constant 80 : index
          %swap3A_477 = tpu.vector_load %arg16[%swap3A_476] {strides = array<i32>} : memref<256xi32, #tpu.memory_space<vmem>>, vector<16xi32>,
          tpu.vector_store %arg16[%swap3A_476], %min3A_475 {strides = array<i32>} : memref<256xi32, #tpu.memory_space<vmem>>, vector<16xi32>,
          %add3A_478 = arith.constant 96 : i32
          %add3A_479 = arith.addi %mul3A_212, %add3A_478 : i32
          %get3A_480 = arith.index_cast %add3A_479 : i32 to index
          %get3A_481 = tpu.vector_load %arg13[%get3A_480] {strides = array<i32>} : memref<5120xi32, #tpu.memory_space<vmem>>, vector<16xi32>,
          %jit3A_482 = arith.constant 0 : i32
          %jit3A_483 = arith.constant 8960 : i32
          %max3A_484 = vector.broadcast %jit3A_482 : i32 to vector<16xi32>
          %max3A_485 = arith.maxsi %max3A_484, %get3A_481 : vector<16xi32>
          %min3A_486 = vector.broadcast %jit3A_483 : i32 to vector<16xi32>
          %min3A_487 = arith.minsi %min3A_486, %max3A_485 : vector<16xi32>
          %swap3A_488 = arith.constant 96 : index
          %swap3A_489 = tpu.vector_load %arg16[%swap3A_488] {strides = array<i32>} : memref<256xi32, #tpu.memory_space<vmem>>, vector<16xi32>,
          tpu.vector_store %arg16[%swap3A_488], %min3A_487 {strides = array<i32>} : memref<256xi32, #tpu.memory_space<vmem>>, vector<16xi32>,
          %add3A_490 = arith.constant 112 : i32
          %add3A_491 = arith.addi %mul3A_212, %add3A_490 : i32
          %get3A_492 = arith.index_cast %add3A_491 : i32 to index
          %get3A_493 = tpu.vector_load %arg13[%get3A_492] {strides = array<i32>} : memref<5120xi32, #tpu.memory_space<vmem>>, vector<16xi32>,
          %jit3A_494 = arith.constant 0 : i32
          %jit3A_495 = arith.constant 8960 : i32
          %max3A_496 = vector.broadcast %jit3A_494 : i32 to vector<16xi32>
          %max3A_497 = arith.maxsi %max3A_496, %get3A_493 : vector<16xi32>
          %min3A_498 = vector.broadcast %jit3A_495 : i32 to vector<16xi32>
          %min3A_499 = arith.minsi %min3A_498, %max3A_497 : vector<16xi32>
          %swap3A_500 = arith.constant 112 : index
          %swap3A_501 = tpu.vector_load %arg16[%swap3A_500] {strides = array<i32>} : memref<256xi32, #tpu.memory_space<vmem>>, vector<16xi32>,
          tpu.vector_store %arg16[%swap3A_500], %min3A_499 {strides = array<i32>} : memref<256xi32, #tpu.memory_space<vmem>>, vector<16xi32>,
          %add3A_502 = arith.constant 128 : i32
          %add3A_503 = arith.addi %mul3A_212, %add3A_502 : i32
          %get3A_504 = arith.index_cast %add3A_503 : i32 to index
          %get3A_505 = tpu.vector_load %arg13[%get3A_504] {strides = array<i32>} : memref<5120xi32, #tpu.memory_space<vmem>>, vector<16xi32>,
          %jit3A_506 = arith.constant 0 : i32
          %jit3A_507 = arith.constant 8960 : i32
          %max3A_508 = vector.broadcast %jit3A_506 : i32 to vector<16xi32>
          %max3A_509 = arith.maxsi %max3A_508, %get3A_505 : vector<16xi32>
          %min3A_510 = vector.broadcast %jit3A_507 : i32 to vector<16xi32>
          %min3A_511 = arith.minsi %min3A_510, %max3A_509 : vector<16xi32>
          %swap3A_512 = arith.constant 128 : index
          %swap3A_513 = tpu.vector_load %arg16[%swap3A_512] {strides = array<i32>} : memref<256xi32, #tpu.memory_space<vmem>>, vector<16xi32>,
          tpu.vector_store %arg16[%swap3A_512], %min3A_511 {strides = array<i32>} : memref<256xi32, #tpu.memory_space<vmem>>, vector<16xi32>,
          %add3A_514 = arith.constant 144 : i32
          %add3A_515 = arith.addi %mul3A_212, %add3A_514 : i32
          %get3A_516 = arith.index_cast %add3A_515 : i32 to index
          %get3A_517 = tpu.vector_load %arg13[%get3A_516] {strides = array<i32>} : memref<5120xi32, #tpu.memory_space<vmem>>, vector<16xi32>,
          %jit3A_518 = arith.constant 0 : i32
          %jit3A_519 = arith.constant 8960 : i32
          %max3A_520 = vector.broadcast %jit3A_518 : i32 to vector<16xi32>
          %max3A_521 = arith.maxsi %max3A_520, %get3A_517 : vector<16xi32>
          %min3A_522 = vector.broadcast %jit3A_519 : i32 to vector<16xi32>
          %min3A_523 = arith.minsi %min3A_522, %max3A_521 : vector<16xi32>
          %swap3A_524 = arith.constant 144 : index
          %swap3A_525 = tpu.vector_load %arg16[%swap3A_524] {strides = array<i32>} : memref<256xi32, #tpu.memory_space<vmem>>, vector<16xi32>,
          tpu.vector_store %arg16[%swap3A_524], %min3A_523 {strides = array<i32>} : memref<256xi32, #tpu.memory_space<vmem>>, vector<16xi32>,
          %add3A_526 = arith.constant 160 : i32
          %add3A_527 = arith.addi %mul3A_212, %add3A_526 : i32
          %get3A_528 = arith.index_cast %add3A_527 : i32 to index
          %get3A_529 = tpu.vector_load %arg13[%get3A_528] {strides = array<i32>} : memref<5120xi32, #tpu.memory_space<vmem>>, vector<16xi32>,
          %jit3A_530 = arith.constant 0 : i32
          %jit3A_531 = arith.constant 8960 : i32
          %max3A_532 = vector.broadcast %jit3A_530 : i32 to vector<16xi32>
          %max3A_533 = arith.maxsi %max3A_532, %get3A_529 : vector<16xi32>
          %min3A_534 = vector.broadcast %jit3A_531 : i32 to vector<16xi32>
          %min3A_535 = arith.minsi %min3A_534, %max3A_533 : vector<16xi32>
          %swap3A_536 = arith.constant 160 : index
          %swap3A_537 = tpu.vector_load %arg16[%swap3A_536] {strides = array<i32>} : memref<256xi32, #tpu.memory_space<vmem>>, vector<16xi32>,
          tpu.vector_store %arg16[%swap3A_536], %min3A_535 {strides = array<i32>} : memref<256xi32, #tpu.memory_space<vmem>>, vector<16xi32>,
          %add3A_538 = arith.constant 176 : i32
          %add3A_539 = arith.addi %mul3A_212, %add3A_538 : i32
          %get3A_540 = arith.index_cast %add3A_539 : i32 to index
          %get3A_541 = tpu.vector_load %arg13[%get3A_540] {strides = array<i32>} : memref<5120xi32, #tpu.memory_space<vmem>>, vector<16xi32>,
          %jit3A_542 = arith.constant 0 : i32
          %jit3A_543 = arith.constant 8960 : i32
          %max3A_544 = vector.broadcast %jit3A_542 : i32 to vector<16xi32>
          %max3A_545 = arith.maxsi %max3A_544, %get3A_541 : vector<16xi32>
          %min3A_546 = vector.broadcast %jit3A_543 : i32 to vector<16xi32>
          %min3A_547 = arith.minsi %min3A_546, %max3A_545 : vector<16xi32>
          %swap3A_548 = arith.constant 176 : index
          %swap3A_549 = tpu.vector_load %arg16[%swap3A_548] {strides = array<i32>} : memref<256xi32, #tpu.memory_space<vmem>>, vector<16xi32>,
          tpu.vector_store %arg16[%swap3A_548], %min3A_547 {strides = array<i32>} : memref<256xi32, #tpu.memory_space<vmem>>, vector<16xi32>,
          %add3A_550 = arith.constant 192 : i32
          %add3A_551 = arith.addi %mul3A_212, %add3A_550 : i32
          %get3A_552 = arith.index_cast %add3A_551 : i32 to index
          %get3A_553 = tpu.vector_load %arg13[%get3A_552] {strides = array<i32>} : memref<5120xi32, #tpu.memory_space<vmem>>, vector<16xi32>,
          %jit3A_554 = arith.constant 0 : i32
          %jit3A_555 = arith.constant 8960 : i32
          %max3A_556 = vector.broadcast %jit3A_554 : i32 to vector<16xi32>
          %max3A_557 = arith.maxsi %max3A_556, %get3A_553 : vector<16xi32>
          %min3A_558 = vector.broadcast %jit3A_555 : i32 to vector<16xi32>
          %min3A_559 = arith.minsi %min3A_558, %max3A_557 : vector<16xi32>
          %swap3A_560 = arith.constant 192 : index
          %swap3A_561 = tpu.vector_load %arg16[%swap3A_560] {strides = array<i32>} : memref<256xi32, #tpu.memory_space<vmem>>, vector<16xi32>,
          tpu.vector_store %arg16[%swap3A_560], %min3A_559 {strides = array<i32>} : memref<256xi32, #tpu.memory_space<vmem>>, vector<16xi32>,
          %add3A_562 = arith.constant 208 : i32
          %add3A_563 = arith.addi %mul3A_212, %add3A_562 : i32
          %get3A_564 = arith.index_cast %add3A_563 : i32 to index
          %get3A_565 = tpu.vector_load %arg13[%get3A_564] {strides = array<i32>} : memref<5120xi32, #tpu.memory_space<vmem>>, vector<16xi32>,
          %jit3A_566 = arith.constant 0 : i32
          %jit3A_567 = arith.constant 8960 : i32
          %max3A_568 = vector.broadcast %jit3A_566 : i32 to vector<16xi32>
          %max3A_569 = arith.maxsi %max3A_568, %get3A_565 : vector<16xi32>
          %min3A_570 = vector.broadcast %jit3A_567 : i32 to vector<16xi32>
          %min3A_571 = arith.minsi %min3A_570, %max3A_569 : vector<16xi32>
          %swap3A_572 = arith.constant 208 : index
          %swap3A_573 = tpu.vector_load %arg16[%swap3A_572] {strides = array<i32>} : memref<256xi32, #tpu.memory_space<vmem>>, vector<16xi32>,
          tpu.vector_store %arg16[%swap3A_572], %min3A_571 {strides = array<i32>} : memref<256xi32, #tpu.memory_space<vmem>>, vector<16xi32>,
          %add3A_574 = arith.constant 224 : i32
          %add3A_575 = arith.addi %mul3A_212, %add3A_574 : i32
          %get3A_576 = arith.index_cast %add3A_575 : i32 to index
          %get3A_577 = tpu.vector_load %arg13[%get3A_576] {strides = array<i32>} : memref<5120xi32, #tpu.memory_space<vmem>>, vector<16xi32>,
          %jit3A_578 = arith.constant 0 : i32
          %jit3A_579 = arith.constant 8960 : i32
          %max3A_580 = vector.broadcast %jit3A_578 : i32 to vector<16xi32>
          %max3A_581 = arith.maxsi %max3A_580, %get3A_577 : vector<16xi32>
          %min3A_582 = vector.broadcast %jit3A_579 : i32 to vector<16xi32>
          %min3A_583 = arith.minsi %min3A_582, %max3A_581 : vector<16xi32>
          %swap3A_584 = arith.constant 224 : index
          %swap3A_585 = tpu.vector_load %arg16[%swap3A_584] {strides = array<i32>} : memref<256xi32, #tpu.memory_space<vmem>>, vector<16xi32>,
          tpu.vector_store %arg16[%swap3A_584], %min3A_583 {strides = array<i32>} : memref<256xi32, #tpu.memory_space<vmem>>, vector<16xi32>,
          %add3A_586 = arith.constant 240 : i32
          %add3A_587 = arith.addi %mul3A_212, %add3A_586 : i32
          %get3A_588 = arith.index_cast %add3A_587 : i32 to index
          %get3A_589 = tpu.vector_load %arg13[%get3A_588] {strides = array<i32>} : memref<5120xi32, #tpu.memory_space<vmem>>, vector<16xi32>,
          %jit3A_590 = arith.constant 0 : i32
          %jit3A_591 = arith.constant 8960 : i32
          %max3A_592 = vector.broadcast %jit3A_590 : i32 to vector<16xi32>
          %max3A_593 = arith.maxsi %max3A_592, %get3A_589 : vector<16xi32>
          %min3A_594 = vector.broadcast %jit3A_591 : i32 to vector<16xi32>
          %min3A_595 = arith.minsi %min3A_594, %max3A_593 : vector<16xi32>
          %swap3A_596 = arith.constant 240 : index
          %swap3A_597 = tpu.vector_load %arg16[%swap3A_596] {strides = array<i32>} : memref<256xi32, #tpu.memory_space<vmem>>, vector<16xi32>,
          tpu.vector_store %arg16[%swap3A_596], %min3A_595 {strides = array<i32>} : memref<256xi32, #tpu.memory_space<vmem>>, vector<16xi32>,
          %dma_wait3A_598 = arith.constant 0 : i32
          %dma_wait3A_599 = arith.constant 0 : i32
          %dma_wait3A_600 = tpu.memref_slice %arg2[%dma_wait3A_598, %dma_wait3A_599] : memref<200000x128xf32, #tpu.memory_space<hbm>> -> memref<200000x128xf32, #tpu.memory_space<hbm>>
          tpu.wait_indirect_dma semaphore(%arg19 : memref<!tpu.dma_semaphore, #tpu.memory_space<semaphore_mem>>) src(%dma_wait3A_600 : memref<200000x128xf32, #tpu.memory_space<hbm>>) dst(%arg18 : memref<256x128xf32, #tpu.memory_space<vmem>>)
          "tpu.region"() ({
            %run_scoped3A = tpu.sem_alloc : memref<!tpu.dma_semaphore, #tpu.memory_space<semaphore_mem>>
            %dma_start3A_602 = arith.constant 0 : i32
            %dma_start3A_603 = arith.constant 0 : i32
            %dma_start3A_604 = tpu.memref_slice %arg8[%dma_start3A_602, %dma_start3A_603] : memref<8968x128xf32, #tpu.memory_space<vmem_shared>> -> memref<8968x128xf32, #tpu.memory_space<vmem_shared>>
            tpu.enqueue_indirect_dma source(%arg18 : memref<256x128xf32, #tpu.memory_space<vmem>>) target(%dma_start3A_604 : memref<8968x128xf32, #tpu.memory_space<vmem_shared>>) offsets(%arg16 : memref<256xi32, #tpu.memory_space<vmem>>) semaphore(%run_scoped3A : memref<!tpu.dma_semaphore, #tpu.memory_space<semaphore_mem>>) {add = true}
            %dma_wait3A_605 = arith.constant 0 : i32
            %dma_wait3A_606 = arith.constant 0 : i32
            %dma_wait3A_607 = tpu.memref_slice %arg8[%dma_wait3A_605, %dma_wait3A_606] : memref<8968x128xf32, #tpu.memory_space<vmem_shared>> -> memref<8968x128xf32, #tpu.memory_space<vmem_shared>>
            tpu.wait_indirect_dma semaphore(%run_scoped3A : memref<!tpu.dma_semaphore, #tpu.memory_space<semaphore_mem>>) src(%arg18 : memref<256x128xf32, #tpu.memory_space<vmem>>) dst(%dma_wait3A_607 : memref<8968x128xf32, #tpu.memory_space<vmem_shared>>)
            tpu.yield
          }) : () -> ()
          %while3A_601 = arith.constant 0 : i32
          scf.yield %while3A_601 : i32
        }
        %while3A_206 = arith.constant 1 : i32
        %while3A_207 = scf.for %while3A_209 = %while3A_203 to %while3A_199 step %while3A_206 iter_args(%while3A_210 = %while3A_205) -> (i32)  : i32 {
          %mul3A_211 = arith.constant 256 : i32
          %mul3A_212 = arith.muli %while3A_209, %mul3A_211 : i32
          %add3A_213 = arith.constant 0 : i32
          %add3A_214 = arith.addi %mul3A_212, %add3A_213 : i32
          %get3A = arith.index_cast %add3A_214 : i32 to index
          %get3A_215 = tpu.vector_load %arg12[%get3A] {strides = array<i32>} : memref<5120xi32, #tpu.memory_space<vmem>>, vector<16xi32>,
          %jit3A_216 = arith.constant 0 : i32
          %jit3A_217 = arith.constant 199999 : i32
          %max3A = vector.broadcast %jit3A_216 : i32 to vector<16xi32>
          %max3A_218 = arith.maxsi %max3A, %get3A_215 : vector<16xi32>
          %min3A_219 = vector.broadcast %jit3A_217 : i32 to vector<16xi32>
          %min3A_220 = arith.minsi %min3A_219, %max3A_218 : vector<16xi32>
          %swap3A_221 = arith.constant 0 : index
          %swap3A_222 = tpu.vector_load %arg14[%swap3A_221] {strides = array<i32>} : memref<256xi32, #tpu.memory_space<vmem>>, vector<16xi32>,
          tpu.vector_store %arg14[%swap3A_221], %min3A_220 {strides = array<i32>} : memref<256xi32, #tpu.memory_space<vmem>>, vector<16xi32>,
          %add3A_223 = arith.constant 16 : i32
          %add3A_224 = arith.addi %mul3A_212, %add3A_223 : i32
          %get3A_225 = arith.index_cast %add3A_224 : i32 to index
          %get3A_226 = tpu.vector_load %arg12[%get3A_225] {strides = array<i32>} : memref<5120xi32, #tpu.memory_space<vmem>>, vector<16xi32>,
          %jit3A_227 = arith.constant 0 : i32
          %jit3A_228 = arith.constant 199999 : i32
          %max3A_229 = vector.broadcast %jit3A_227 : i32 to vector<16xi32>
          %max3A_230 = arith.maxsi %max3A_229, %get3A_226 : vector<16xi32>
          %min3A_231 = vector.broadcast %jit3A_228 : i32 to vector<16xi32>
          %min3A_232 = arith.minsi %min3A_231, %max3A_230 : vector<16xi32>
          %swap3A_233 = arith.constant 16 : index
          %swap3A_234 = tpu.vector_load %arg14[%swap3A_233] {strides = array<i32>} : memref<256xi32, #tpu.memory_space<vmem>>, vector<16xi32>,
          tpu.vector_store %arg14[%swap3A_233], %min3A_232 {strides = array<i32>} : memref<256xi32, #tpu.memory_space<vmem>>, vector<16xi32>,
          %add3A_235 = arith.constant 32 : i32
          %add3A_236 = arith.addi %mul3A_212, %add3A_235 : i32
          %get3A_237 = arith.index_cast %add3A_236 : i32 to index
          %get3A_238 = tpu.vector_load %arg12[%get3A_237] {strides = array<i32>} : memref<5120xi32, #tpu.memory_space<vmem>>, vector<16xi32>,
          %jit3A_239 = arith.constant 0 : i32
          %jit3A_240 = arith.constant 199999 : i32
          %max3A_241 = vector.broadcast %jit3A_239 : i32 to vector<16xi32>
          %max3A_242 = arith.maxsi %max3A_241, %get3A_238 : vector<16xi32>
          %min3A_243 = vector.broadcast %jit3A_240 : i32 to vector<16xi32>
          %min3A_244 = arith.minsi %min3A_243, %max3A_242 : vector<16xi32>
          %swap3A_245 = arith.constant 32 : index
          %swap3A_246 = tpu.vector_load %arg14[%swap3A_245] {strides = array<i32>} : memref<256xi32, #tpu.memory_space<vmem>>, vector<16xi32>,
          tpu.vector_store %arg14[%swap3A_245], %min3A_244 {strides = array<i32>} : memref<256xi32, #tpu.memory_space<vmem>>, vector<16xi32>,
          %add3A_247 = arith.constant 48 : i32
          %add3A_248 = arith.addi %mul3A_212, %add3A_247 : i32
          %get3A_249 = arith.index_cast %add3A_248 : i32 to index
          %get3A_250 = tpu.vector_load %arg12[%get3A_249] {strides = array<i32>} : memref<5120xi32, #tpu.memory_space<vmem>>, vector<16xi32>,
          %jit3A_251 = arith.constant 0 : i32
          %jit3A_252 = arith.constant 199999 : i32
          %max3A_253 = vector.broadcast %jit3A_251 : i32 to vector<16xi32>
          %max3A_254 = arith.maxsi %max3A_253, %get3A_250 : vector<16xi32>
          %min3A_255 = vector.broadcast %jit3A_252 : i32 to vector<16xi32>
          %min3A_256 = arith.minsi %min3A_255, %max3A_254 : vector<16xi32>
          %swap3A_257 = arith.constant 48 : index
          %swap3A_258 = tpu.vector_load %arg14[%swap3A_257] {strides = array<i32>} : memref<256xi32, #tpu.memory_space<vmem>>, vector<16xi32>,
          tpu.vector_store %arg14[%swap3A_257], %min3A_256 {strides = array<i32>} : memref<256xi32, #tpu.memory_space<vmem>>, vector<16xi32>,
          %add3A_259 = arith.constant 64 : i32
          %add3A_260 = arith.addi %mul3A_212, %add3A_259 : i32
          %get3A_261 = arith.index_cast %add3A_260 : i32 to index
          %get3A_262 = tpu.vector_load %arg12[%get3A_261] {strides = array<i32>} : memref<5120xi32, #tpu.memory_space<vmem>>, vector<16xi32>,
          %jit3A_263 = arith.constant 0 : i32
          %jit3A_264 = arith.constant 199999 : i32
          %max3A_265 = vector.broadcast %jit3A_263 : i32 to vector<16xi32>
          %max3A_266 = arith.maxsi %max3A_265, %get3A_262 : vector<16xi32>
          %min3A_267 = vector.broadcast %jit3A_264 : i32 to vector<16xi32>
          %min3A_268 = arith.minsi %min3A_267, %max3A_266 : vector<16xi32>
          %swap3A_269 = arith.constant 64 : index
          %swap3A_270 = tpu.vector_load %arg14[%swap3A_269] {strides = array<i32>} : memref<256xi32, #tpu.memory_space<vmem>>, vector<16xi32>,
          tpu.vector_store %arg14[%swap3A_269], %min3A_268 {strides = array<i32>} : memref<256xi32, #tpu.memory_space<vmem>>, vector<16xi32>,
          %add3A_271 = arith.constant 80 : i32
          %add3A_272 = arith.addi %mul3A_212, %add3A_271 : i32
          %get3A_273 = arith.index_cast %add3A_272 : i32 to index
          %get3A_274 = tpu.vector_load %arg12[%get3A_273] {strides = array<i32>} : memref<5120xi32, #tpu.memory_space<vmem>>, vector<16xi32>,
          %jit3A_275 = arith.constant 0 : i32
          %jit3A_276 = arith.constant 199999 : i32
          %max3A_277 = vector.broadcast %jit3A_275 : i32 to vector<16xi32>
          %max3A_278 = arith.maxsi %max3A_277, %get3A_274 : vector<16xi32>
          %min3A_279 = vector.broadcast %jit3A_276 : i32 to vector<16xi32>
          %min3A_280 = arith.minsi %min3A_279, %max3A_278 : vector<16xi32>
          %swap3A_281 = arith.constant 80 : index
          %swap3A_282 = tpu.vector_load %arg14[%swap3A_281] {strides = array<i32>} : memref<256xi32, #tpu.memory_space<vmem>>, vector<16xi32>,
          tpu.vector_store %arg14[%swap3A_281], %min3A_280 {strides = array<i32>} : memref<256xi32, #tpu.memory_space<vmem>>, vector<16xi32>,
          %add3A_283 = arith.constant 96 : i32
          %add3A_284 = arith.addi %mul3A_212, %add3A_283 : i32
          %get3A_285 = arith.index_cast %add3A_284 : i32 to index
          %get3A_286 = tpu.vector_load %arg12[%get3A_285] {strides = array<i32>} : memref<5120xi32, #tpu.memory_space<vmem>>, vector<16xi32>,
          %jit3A_287 = arith.constant 0 : i32
          %jit3A_288 = arith.constant 199999 : i32
          %max3A_289 = vector.broadcast %jit3A_287 : i32 to vector<16xi32>
          %max3A_290 = arith.maxsi %max3A_289, %get3A_286 : vector<16xi32>
          %min3A_291 = vector.broadcast %jit3A_288 : i32 to vector<16xi32>
          %min3A_292 = arith.minsi %min3A_291, %max3A_290 : vector<16xi32>
          %swap3A_293 = arith.constant 96 : index
          %swap3A_294 = tpu.vector_load %arg14[%swap3A_293] {strides = array<i32>} : memref<256xi32, #tpu.memory_space<vmem>>, vector<16xi32>,
          tpu.vector_store %arg14[%swap3A_293], %min3A_292 {strides = array<i32>} : memref<256xi32, #tpu.memory_space<vmem>>, vector<16xi32>,
          %add3A_295 = arith.constant 112 : i32
          %add3A_296 = arith.addi %mul3A_212, %add3A_295 : i32
          %get3A_297 = arith.index_cast %add3A_296 : i32 to index
          %get3A_298 = tpu.vector_load %arg12[%get3A_297] {strides = array<i32>} : memref<5120xi32, #tpu.memory_space<vmem>>, vector<16xi32>,
          %jit3A_299 = arith.constant 0 : i32
          %jit3A_300 = arith.constant 199999 : i32
          %max3A_301 = vector.broadcast %jit3A_299 : i32 to vector<16xi32>
          %max3A_302 = arith.maxsi %max3A_301, %get3A_298 : vector<16xi32>
          %min3A_303 = vector.broadcast %jit3A_300 : i32 to vector<16xi32>
          %min3A_304 = arith.minsi %min3A_303, %max3A_302 : vector<16xi32>
          %swap3A_305 = arith.constant 112 : index
          %swap3A_306 = tpu.vector_load %arg14[%swap3A_305] {strides = array<i32>} : memref<256xi32, #tpu.memory_space<vmem>>, vector<16xi32>,
          tpu.vector_store %arg14[%swap3A_305], %min3A_304 {strides = array<i32>} : memref<256xi32, #tpu.memory_space<vmem>>, vector<16xi32>,
          %add3A_307 = arith.constant 128 : i32
          %add3A_308 = arith.addi %mul3A_212, %add3A_307 : i32
          %get3A_309 = arith.index_cast %add3A_308 : i32 to index
          %get3A_310 = tpu.vector_load %arg12[%get3A_309] {strides = array<i32>} : memref<5120xi32, #tpu.memory_space<vmem>>, vector<16xi32>,
          %jit3A_311 = arith.constant 0 : i32
          %jit3A_312 = arith.constant 199999 : i32
          %max3A_313 = vector.broadcast %jit3A_311 : i32 to vector<16xi32>
          %max3A_314 = arith.maxsi %max3A_313, %get3A_310 : vector<16xi32>
          %min3A_315 = vector.broadcast %jit3A_312 : i32 to vector<16xi32>
          %min3A_316 = arith.minsi %min3A_315, %max3A_314 : vector<16xi32>
          %swap3A_317 = arith.constant 128 : index
          %swap3A_318 = tpu.vector_load %arg14[%swap3A_317] {strides = array<i32>} : memref<256xi32, #tpu.memory_space<vmem>>, vector<16xi32>,
          tpu.vector_store %arg14[%swap3A_317], %min3A_316 {strides = array<i32>} : memref<256xi32, #tpu.memory_space<vmem>>, vector<16xi32>,
          %add3A_319 = arith.constant 144 : i32
          %add3A_320 = arith.addi %mul3A_212, %add3A_319 : i32
          %get3A_321 = arith.index_cast %add3A_320 : i32 to index
          %get3A_322 = tpu.vector_load %arg12[%get3A_321] {strides = array<i32>} : memref<5120xi32, #tpu.memory_space<vmem>>, vector<16xi32>,
          %jit3A_323 = arith.constant 0 : i32
          %jit3A_324 = arith.constant 199999 : i32
          %max3A_325 = vector.broadcast %jit3A_323 : i32 to vector<16xi32>
          %max3A_326 = arith.maxsi %max3A_325, %get3A_322 : vector<16xi32>
          %min3A_327 = vector.broadcast %jit3A_324 : i32 to vector<16xi32>
          %min3A_328 = arith.minsi %min3A_327, %max3A_326 : vector<16xi32>
          %swap3A_329 = arith.constant 144 : index
          %swap3A_330 = tpu.vector_load %arg14[%swap3A_329] {strides = array<i32>} : memref<256xi32, #tpu.memory_space<vmem>>, vector<16xi32>,
          tpu.vector_store %arg14[%swap3A_329], %min3A_328 {strides = array<i32>} : memref<256xi32, #tpu.memory_space<vmem>>, vector<16xi32>,
          %add3A_331 = arith.constant 160 : i32
          %add3A_332 = arith.addi %mul3A_212, %add3A_331 : i32
          %get3A_333 = arith.index_cast %add3A_332 : i32 to index
          %get3A_334 = tpu.vector_load %arg12[%get3A_333] {strides = array<i32>} : memref<5120xi32, #tpu.memory_space<vmem>>, vector<16xi32>,
          %jit3A_335 = arith.constant 0 : i32
          %jit3A_336 = arith.constant 199999 : i32
          %max3A_337 = vector.broadcast %jit3A_335 : i32 to vector<16xi32>
          %max3A_338 = arith.maxsi %max3A_337, %get3A_334 : vector<16xi32>
          %min3A_339 = vector.broadcast %jit3A_336 : i32 to vector<16xi32>
          %min3A_340 = arith.minsi %min3A_339, %max3A_338 : vector<16xi32>
          %swap3A_341 = arith.constant 160 : index
          %swap3A_342 = tpu.vector_load %arg14[%swap3A_341] {strides = array<i32>} : memref<256xi32, #tpu.memory_space<vmem>>, vector<16xi32>,
          tpu.vector_store %arg14[%swap3A_341], %min3A_340 {strides = array<i32>} : memref<256xi32, #tpu.memory_space<vmem>>, vector<16xi32>,
          %add3A_343 = arith.constant 176 : i32
          %add3A_344 = arith.addi %mul3A_212, %add3A_343 : i32
          %get3A_345 = arith.index_cast %add3A_344 : i32 to index
          %get3A_346 = tpu.vector_load %arg12[%get3A_345] {strides = array<i32>} : memref<5120xi32, #tpu.memory_space<vmem>>, vector<16xi32>,
          %jit3A_347 = arith.constant 0 : i32
          %jit3A_348 = arith.constant 199999 : i32
          %max3A_349 = vector.broadcast %jit3A_347 : i32 to vector<16xi32>
          %max3A_350 = arith.maxsi %max3A_349, %get3A_346 : vector<16xi32>
          %min3A_351 = vector.broadcast %jit3A_348 : i32 to vector<16xi32>
          %min3A_352 = arith.minsi %min3A_351, %max3A_350 : vector<16xi32>
          %swap3A_353 = arith.constant 176 : index
          %swap3A_354 = tpu.vector_load %arg14[%swap3A_353] {strides = array<i32>} : memref<256xi32, #tpu.memory_space<vmem>>, vector<16xi32>,
          tpu.vector_store %arg14[%swap3A_353], %min3A_352 {strides = array<i32>} : memref<256xi32, #tpu.memory_space<vmem>>, vector<16xi32>,
          %add3A_355 = arith.constant 192 : i32
          %add3A_356 = arith.addi %mul3A_212, %add3A_355 : i32
          %get3A_357 = arith.index_cast %add3A_356 : i32 to index
          %get3A_358 = tpu.vector_load %arg12[%get3A_357] {strides = array<i32>} : memref<5120xi32, #tpu.memory_space<vmem>>, vector<16xi32>,
          %jit3A_359 = arith.constant 0 : i32
          %jit3A_360 = arith.constant 199999 : i32
          %max3A_361 = vector.broadcast %jit3A_359 : i32 to vector<16xi32>
          %max3A_362 = arith.maxsi %max3A_361, %get3A_358 : vector<16xi32>
          %min3A_363 = vector.broadcast %jit3A_360 : i32 to vector<16xi32>
          %min3A_364 = arith.minsi %min3A_363, %max3A_362 : vector<16xi32>
          %swap3A_365 = arith.constant 192 : index
          %swap3A_366 = tpu.vector_load %arg14[%swap3A_365] {strides = array<i32>} : memref<256xi32, #tpu.memory_space<vmem>>, vector<16xi32>,
          tpu.vector_store %arg14[%swap3A_365], %min3A_364 {strides = array<i32>} : memref<256xi32, #tpu.memory_space<vmem>>, vector<16xi32>,
          %add3A_367 = arith.constant 208 : i32
          %add3A_368 = arith.addi %mul3A_212, %add3A_367 : i32
          %get3A_369 = arith.index_cast %add3A_368 : i32 to index
          %get3A_370 = tpu.vector_load %arg12[%get3A_369] {strides = array<i32>} : memref<5120xi32, #tpu.memory_space<vmem>>, vector<16xi32>,
          %jit3A_371 = arith.constant 0 : i32
          %jit3A_372 = arith.constant 199999 : i32
          %max3A_373 = vector.broadcast %jit3A_371 : i32 to vector<16xi32>
          %max3A_374 = arith.maxsi %max3A_373, %get3A_370 : vector<16xi32>
          %min3A_375 = vector.broadcast %jit3A_372 : i32 to vector<16xi32>
          %min3A_376 = arith.minsi %min3A_375, %max3A_374 : vector<16xi32>
          %swap3A_377 = arith.constant 208 : index
          %swap3A_378 = tpu.vector_load %arg14[%swap3A_377] {strides = array<i32>} : memref<256xi32, #tpu.memory_space<vmem>>, vector<16xi32>,
          tpu.vector_store %arg14[%swap3A_377], %min3A_376 {strides = array<i32>} : memref<256xi32, #tpu.memory_space<vmem>>, vector<16xi32>,
          %add3A_379 = arith.constant 224 : i32
          %add3A_380 = arith.addi %mul3A_212, %add3A_379 : i32
          %get3A_381 = arith.index_cast %add3A_380 : i32 to index
          %get3A_382 = tpu.vector_load %arg12[%get3A_381] {strides = array<i32>} : memref<5120xi32, #tpu.memory_space<vmem>>, vector<16xi32>,
          %jit3A_383 = arith.constant 0 : i32
          %jit3A_384 = arith.constant 199999 : i32
          %max3A_385 = vector.broadcast %jit3A_383 : i32 to vector<16xi32>
          %max3A_386 = arith.maxsi %max3A_385, %get3A_382 : vector<16xi32>
          %min3A_387 = vector.broadcast %jit3A_384 : i32 to vector<16xi32>
          %min3A_388 = arith.minsi %min3A_387, %max3A_386 : vector<16xi32>
          %swap3A_389 = arith.constant 224 : index
          %swap3A_390 = tpu.vector_load %arg14[%swap3A_389] {strides = array<i32>} : memref<256xi32, #tpu.memory_space<vmem>>, vector<16xi32>,
          tpu.vector_store %arg14[%swap3A_389], %min3A_388 {strides = array<i32>} : memref<256xi32, #tpu.memory_space<vmem>>, vector<16xi32>,
          %add3A_391 = arith.constant 240 : i32
          %add3A_392 = arith.addi %mul3A_212, %add3A_391 : i32
          %get3A_393 = arith.index_cast %add3A_392 : i32 to index
          %get3A_394 = tpu.vector_load %arg12[%get3A_393] {strides = array<i32>} : memref<5120xi32, #tpu.memory_space<vmem>>, vector<16xi32>,
          %jit3A_395 = arith.constant 0 : i32
          %jit3A_396 = arith.constant 199999 : i32
          %max3A_397 = vector.broadcast %jit3A_395 : i32 to vector<16xi32>
          %max3A_398 = arith.maxsi %max3A_397, %get3A_394 : vector<16xi32>
          %min3A_399 = vector.broadcast %jit3A_396 : i32 to vector<16xi32>
          %min3A_400 = arith.minsi %min3A_399, %max3A_398 : vector<16xi32>
          %swap3A_401 = arith.constant 240 : index
          %swap3A_402 = tpu.vector_load %arg14[%swap3A_401] {strides = array<i32>} : memref<256xi32, #tpu.memory_space<vmem>>, vector<16xi32>,
          tpu.vector_store %arg14[%swap3A_401], %min3A_400 {strides = array<i32>} : memref<256xi32, #tpu.memory_space<vmem>>, vector<16xi32>,
          %dma_start3A_403 = arith.constant 0 : i32
          %dma_start3A_404 = arith.constant 0 : i32
          %dma_start3A_405 = tpu.memref_slice %arg2[%dma_start3A_403, %dma_start3A_404] : memref<200000x128xf32, #tpu.memory_space<hbm>> -> memref<200000x128xf32, #tpu.memory_space<hbm>>
          tpu.enqueue_indirect_dma source(%dma_start3A_405 : memref<200000x128xf32, #tpu.memory_space<hbm>>) target(%arg18 : memref<256x128xf32, #tpu.memory_space<vmem>>) offsets(%arg14 : memref<256xi32, #tpu.memory_space<vmem>>) semaphore(%arg19 : memref<!tpu.dma_semaphore, #tpu.memory_space<semaphore_mem>>)
          %add3A_406 = arith.constant 0 : i32
          %add3A_407 = arith.addi %mul3A_212, %add3A_406 : i32
          %get3A_408 = arith.index_cast %add3A_407 : i32 to index
          %get3A_409 = tpu.vector_load %arg13[%get3A_408] {strides = array<i32>} : memref<5120xi32, #tpu.memory_space<vmem>>, vector<16xi32>,
          %jit3A_410 = arith.constant 0 : i32
          %jit3A_411 = arith.constant 8960 : i32
          %max3A_412 = vector.broadcast %jit3A_410 : i32 to vector<16xi32>
          %max3A_413 = arith.maxsi %max3A_412, %get3A_409 : vector<16xi32>
          %min3A_414 = vector.broadcast %jit3A_411 : i32 to vector<16xi32>
          %min3A_415 = arith.minsi %min3A_414, %max3A_413 : vector<16xi32>
          %swap3A_416 = arith.constant 0 : index
          %swap3A_417 = tpu.vector_load %arg16[%swap3A_416] {strides = array<i32>} : memref<256xi32, #tpu.memory_space<vmem>>, vector<16xi32>,
          tpu.vector_store %arg16[%swap3A_416], %min3A_415 {strides = array<i32>} : memref<256xi32, #tpu.memory_space<vmem>>, vector<16xi32>,
          %add3A_418 = arith.constant 16 : i32
          %add3A_419 = arith.addi %mul3A_212, %add3A_418 : i32
          %get3A_420 = arith.index_cast %add3A_419 : i32 to index
          %get3A_421 = tpu.vector_load %arg13[%get3A_420] {strides = array<i32>} : memref<5120xi32, #tpu.memory_space<vmem>>, vector<16xi32>,
          %jit3A_422 = arith.constant 0 : i32
          %jit3A_423 = arith.constant 8960 : i32
          %max3A_424 = vector.broadcast %jit3A_422 : i32 to vector<16xi32>
          %max3A_425 = arith.maxsi %max3A_424, %get3A_421 : vector<16xi32>
          %min3A_426 = vector.broadcast %jit3A_423 : i32 to vector<16xi32>
          %min3A_427 = arith.minsi %min3A_426, %max3A_425 : vector<16xi32>
          %swap3A_428 = arith.constant 16 : index
          %swap3A_429 = tpu.vector_load %arg16[%swap3A_428] {strides = array<i32>} : memref<256xi32, #tpu.memory_space<vmem>>, vector<16xi32>,
          tpu.vector_store %arg16[%swap3A_428], %min3A_427 {strides = array<i32>} : memref<256xi32, #tpu.memory_space<vmem>>, vector<16xi32>,
          %add3A_430 = arith.constant 32 : i32
          %add3A_431 = arith.addi %mul3A_212, %add3A_430 : i32
          %get3A_432 = arith.index_cast %add3A_431 : i32 to index
          %get3A_433 = tpu.vector_load %arg13[%get3A_432] {strides = array<i32>} : memref<5120xi32, #tpu.memory_space<vmem>>, vector<16xi32>,
          %jit3A_434 = arith.constant 0 : i32
          %jit3A_435 = arith.constant 8960 : i32
          %max3A_436 = vector.broadcast %jit3A_434 : i32 to vector<16xi32>
          %max3A_437 = arith.maxsi %max3A_436, %get3A_433 : vector<16xi32>
          %min3A_438 = vector.broadcast %jit3A_435 : i32 to vector<16xi32>
          %min3A_439 = arith.minsi %min3A_438, %max3A_437 : vector<16xi32>
          %swap3A_440 = arith.constant 32 : index
          %swap3A_441 = tpu.vector_load %arg16[%swap3A_440] {strides = array<i32>} : memref<256xi32, #tpu.memory_space<vmem>>, vector<16xi32>,
          tpu.vector_store %arg16[%swap3A_440], %min3A_439 {strides = array<i32>} : memref<256xi32, #tpu.memory_space<vmem>>, vector<16xi32>,
          %add3A_442 = arith.constant 48 : i32
          %add3A_443 = arith.addi %mul3A_212, %add3A_442 : i32
          %get3A_444 = arith.index_cast %add3A_443 : i32 to index
          %get3A_445 = tpu.vector_load %arg13[%get3A_444] {strides = array<i32>} : memref<5120xi32, #tpu.memory_space<vmem>>, vector<16xi32>,
          %jit3A_446 = arith.constant 0 : i32
          %jit3A_447 = arith.constant 8960 : i32
          %max3A_448 = vector.broadcast %jit3A_446 : i32 to vector<16xi32>
          %max3A_449 = arith.maxsi %max3A_448, %get3A_445 : vector<16xi32>
          %min3A_450 = vector.broadcast %jit3A_447 : i32 to vector<16xi32>
          %min3A_451 = arith.minsi %min3A_450, %max3A_449 : vector<16xi32>
          %swap3A_452 = arith.constant 48 : index
          %swap3A_453 = tpu.vector_load %arg16[%swap3A_452] {strides = array<i32>} : memref<256xi32, #tpu.memory_space<vmem>>, vector<16xi32>,
          tpu.vector_store %arg16[%swap3A_452], %min3A_451 {strides = array<i32>} : memref<256xi32, #tpu.memory_space<vmem>>, vector<16xi32>,
          %add3A_454 = arith.constant 64 : i32
          %add3A_455 = arith.addi %mul3A_212, %add3A_454 : i32
          %get3A_456 = arith.index_cast %add3A_455 : i32 to index
          %get3A_457 = tpu.vector_load %arg13[%get3A_456] {strides = array<i32>} : memref<5120xi32, #tpu.memory_space<vmem>>, vector<16xi32>,
          %jit3A_458 = arith.constant 0 : i32
          %jit3A_459 = arith.constant 8960 : i32
          %max3A_460 = vector.broadcast %jit3A_458 : i32 to vector<16xi32>
          %max3A_461 = arith.maxsi %max3A_460, %get3A_457 : vector<16xi32>
          %min3A_462 = vector.broadcast %jit3A_459 : i32 to vector<16xi32>
          %min3A_463 = arith.minsi %min3A_462, %max3A_461 : vector<16xi32>
          %swap3A_464 = arith.constant 64 : index
          %swap3A_465 = tpu.vector_load %arg16[%swap3A_464] {strides = array<i32>} : memref<256xi32, #tpu.memory_space<vmem>>, vector<16xi32>,
          tpu.vector_store %arg16[%swap3A_464], %min3A_463 {strides = array<i32>} : memref<256xi32, #tpu.memory_space<vmem>>, vector<16xi32>,
          %add3A_466 = arith.constant 80 : i32
          %add3A_467 = arith.addi %mul3A_212, %add3A_466 : i32
          %get3A_468 = arith.index_cast %add3A_467 : i32 to index
          %get3A_469 = tpu.vector_load %arg13[%get3A_468] {strides = array<i32>} : memref<5120xi32, #tpu.memory_space<vmem>>, vector<16xi32>,
          %jit3A_470 = arith.constant 0 : i32
          %jit3A_471 = arith.constant 8960 : i32
          %max3A_472 = vector.broadcast %jit3A_470 : i32 to vector<16xi32>
          %max3A_473 = arith.maxsi %max3A_472, %get3A_469 : vector<16xi32>
          %min3A_474 = vector.broadcast %jit3A_471 : i32 to vector<16xi32>
          %min3A_475 = arith.minsi %min3A_474, %max3A_473 : vector<16xi32>
          %swap3A_476 = arith.constant 80 : index
          %swap3A_477 = tpu.vector_load %arg16[%swap3A_476] {strides = array<i32>} : memref<256xi32, #tpu.memory_space<vmem>>, vector<16xi32>,
          tpu.vector_store %arg16[%swap3A_476], %min3A_475 {strides = array<i32>} : memref<256xi32, #tpu.memory_space<vmem>>, vector<16xi32>,
          %add3A_478 = arith.constant 96 : i32
          %add3A_479 = arith.addi %mul3A_212, %add3A_478 : i32
          %get3A_480 = arith.index_cast %add3A_479 : i32 to index
          %get3A_481 = tpu.vector_load %arg13[%get3A_480] {strides = array<i32>} : memref<5120xi32, #tpu.memory_space<vmem>>, vector<16xi32>,
          %jit3A_482 = arith.constant 0 : i32
          %jit3A_483 = arith.constant 8960 : i32
          %max3A_484 = vector.broadcast %jit3A_482 : i32 to vector<16xi32>
          %max3A_485 = arith.maxsi %max3A_484, %get3A_481 : vector<16xi32>
          %min3A_486 = vector.broadcast %jit3A_483 : i32 to vector<16xi32>
          %min3A_487 = arith.minsi %min3A_486, %max3A_485 : vector<16xi32>
          %swap3A_488 = arith.constant 96 : index
          %swap3A_489 = tpu.vector_load %arg16[%swap3A_488] {strides = array<i32>} : memref<256xi32, #tpu.memory_space<vmem>>, vector<16xi32>,
          tpu.vector_store %arg16[%swap3A_488], %min3A_487 {strides = array<i32>} : memref<256xi32, #tpu.memory_space<vmem>>, vector<16xi32>,
          %add3A_490 = arith.constant 112 : i32
          %add3A_491 = arith.addi %mul3A_212, %add3A_490 : i32
          %get3A_492 = arith.index_cast %add3A_491 : i32 to index
          %get3A_493 = tpu.vector_load %arg13[%get3A_492] {strides = array<i32>} : memref<5120xi32, #tpu.memory_space<vmem>>, vector<16xi32>,
          %jit3A_494 = arith.constant 0 : i32
          %jit3A_495 = arith.constant 8960 : i32
          %max3A_496 = vector.broadcast %jit3A_494 : i32 to vector<16xi32>
          %max3A_497 = arith.maxsi %max3A_496, %get3A_493 : vector<16xi32>
          %min3A_498 = vector.broadcast %jit3A_495 : i32 to vector<16xi32>
          %min3A_499 = arith.minsi %min3A_498, %max3A_497 : vector<16xi32>
          %swap3A_500 = arith.constant 112 : index
          %swap3A_501 = tpu.vector_load %arg16[%swap3A_500] {strides = array<i32>} : memref<256xi32, #tpu.memory_space<vmem>>, vector<16xi32>,
          tpu.vector_store %arg16[%swap3A_500], %min3A_499 {strides = array<i32>} : memref<256xi32, #tpu.memory_space<vmem>>, vector<16xi32>,
          %add3A_502 = arith.constant 128 : i32
          %add3A_503 = arith.addi %mul3A_212, %add3A_502 : i32
          %get3A_504 = arith.index_cast %add3A_503 : i32 to index
          %get3A_505 = tpu.vector_load %arg13[%get3A_504] {strides = array<i32>} : memref<5120xi32, #tpu.memory_space<vmem>>, vector<16xi32>,
          %jit3A_506 = arith.constant 0 : i32
          %jit3A_507 = arith.constant 8960 : i32
          %max3A_508 = vector.broadcast %jit3A_506 : i32 to vector<16xi32>
          %max3A_509 = arith.maxsi %max3A_508, %get3A_505 : vector<16xi32>
          %min3A_510 = vector.broadcast %jit3A_507 : i32 to vector<16xi32>
          %min3A_511 = arith.minsi %min3A_510, %max3A_509 : vector<16xi32>
          %swap3A_512 = arith.constant 128 : index
          %swap3A_513 = tpu.vector_load %arg16[%swap3A_512] {strides = array<i32>} : memref<256xi32, #tpu.memory_space<vmem>>, vector<16xi32>,
          tpu.vector_store %arg16[%swap3A_512], %min3A_511 {strides = array<i32>} : memref<256xi32, #tpu.memory_space<vmem>>, vector<16xi32>,
          %add3A_514 = arith.constant 144 : i32
          %add3A_515 = arith.addi %mul3A_212, %add3A_514 : i32
          %get3A_516 = arith.index_cast %add3A_515 : i32 to index
          %get3A_517 = tpu.vector_load %arg13[%get3A_516] {strides = array<i32>} : memref<5120xi32, #tpu.memory_space<vmem>>, vector<16xi32>,
          %jit3A_518 = arith.constant 0 : i32
          %jit3A_519 = arith.constant 8960 : i32
          %max3A_520 = vector.broadcast %jit3A_518 : i32 to vector<16xi32>
          %max3A_521 = arith.maxsi %max3A_520, %get3A_517 : vector<16xi32>
          %min3A_522 = vector.broadcast %jit3A_519 : i32 to vector<16xi32>
          %min3A_523 = arith.minsi %min3A_522, %max3A_521 : vector<16xi32>
          %swap3A_524 = arith.constant 144 : index
          %swap3A_525 = tpu.vector_load %arg16[%swap3A_524] {strides = array<i32>} : memref<256xi32, #tpu.memory_space<vmem>>, vector<16xi32>,
          tpu.vector_store %arg16[%swap3A_524], %min3A_523 {strides = array<i32>} : memref<256xi32, #tpu.memory_space<vmem>>, vector<16xi32>,
          %add3A_526 = arith.constant 160 : i32
          %add3A_527 = arith.addi %mul3A_212, %add3A_526 : i32
          %get3A_528 = arith.index_cast %add3A_527 : i32 to index
          %get3A_529 = tpu.vector_load %arg13[%get3A_528] {strides = array<i32>} : memref<5120xi32, #tpu.memory_space<vmem>>, vector<16xi32>,
          %jit3A_530 = arith.constant 0 : i32
          %jit3A_531 = arith.constant 8960 : i32
          %max3A_532 = vector.broadcast %jit3A_530 : i32 to vector<16xi32>
          %max3A_533 = arith.maxsi %max3A_532, %get3A_529 : vector<16xi32>
          %min3A_534 = vector.broadcast %jit3A_531 : i32 to vector<16xi32>
          %min3A_535 = arith.minsi %min3A_534, %max3A_533 : vector<16xi32>
          %swap3A_536 = arith.constant 160 : index
          %swap3A_537 = tpu.vector_load %arg16[%swap3A_536] {strides = array<i32>} : memref<256xi32, #tpu.memory_space<vmem>>, vector<16xi32>,
          tpu.vector_store %arg16[%swap3A_536], %min3A_535 {strides = array<i32>} : memref<256xi32, #tpu.memory_space<vmem>>, vector<16xi32>,
          %add3A_538 = arith.constant 176 : i32
          %add3A_539 = arith.addi %mul3A_212, %add3A_538 : i32
          %get3A_540 = arith.index_cast %add3A_539 : i32 to index
          %get3A_541 = tpu.vector_load %arg13[%get3A_540] {strides = array<i32>} : memref<5120xi32, #tpu.memory_space<vmem>>, vector<16xi32>,
          %jit3A_542 = arith.constant 0 : i32
          %jit3A_543 = arith.constant 8960 : i32
          %max3A_544 = vector.broadcast %jit3A_542 : i32 to vector<16xi32>
          %max3A_545 = arith.maxsi %max3A_544, %get3A_541 : vector<16xi32>
          %min3A_546 = vector.broadcast %jit3A_543 : i32 to vector<16xi32>
          %min3A_547 = arith.minsi %min3A_546, %max3A_545 : vector<16xi32>
          %swap3A_548 = arith.constant 176 : index
          %swap3A_549 = tpu.vector_load %arg16[%swap3A_548] {strides = array<i32>} : memref<256xi32, #tpu.memory_space<vmem>>, vector<16xi32>,
          tpu.vector_store %arg16[%swap3A_548], %min3A_547 {strides = array<i32>} : memref<256xi32, #tpu.memory_space<vmem>>, vector<16xi32>,
          %add3A_550 = arith.constant 192 : i32
          %add3A_551 = arith.addi %mul3A_212, %add3A_550 : i32
          %get3A_552 = arith.index_cast %add3A_551 : i32 to index
          %get3A_553 = tpu.vector_load %arg13[%get3A_552] {strides = array<i32>} : memref<5120xi32, #tpu.memory_space<vmem>>, vector<16xi32>,
          %jit3A_554 = arith.constant 0 : i32
          %jit3A_555 = arith.constant 8960 : i32
          %max3A_556 = vector.broadcast %jit3A_554 : i32 to vector<16xi32>
          %max3A_557 = arith.maxsi %max3A_556, %get3A_553 : vector<16xi32>
          %min3A_558 = vector.broadcast %jit3A_555 : i32 to vector<16xi32>
          %min3A_559 = arith.minsi %min3A_558, %max3A_557 : vector<16xi32>
          %swap3A_560 = arith.constant 192 : index
          %swap3A_561 = tpu.vector_load %arg16[%swap3A_560] {strides = array<i32>} : memref<256xi32, #tpu.memory_space<vmem>>, vector<16xi32>,
          tpu.vector_store %arg16[%swap3A_560], %min3A_559 {strides = array<i32>} : memref<256xi32, #tpu.memory_space<vmem>>, vector<16xi32>,
          %add3A_562 = arith.constant 208 : i32
          %add3A_563 = arith.addi %mul3A_212, %add3A_562 : i32
          %get3A_564 = arith.index_cast %add3A_563 : i32 to index
          %get3A_565 = tpu.vector_load %arg13[%get3A_564] {strides = array<i32>} : memref<5120xi32, #tpu.memory_space<vmem>>, vector<16xi32>,
          %jit3A_566 = arith.constant 0 : i32
          %jit3A_567 = arith.constant 8960 : i32
          %max3A_568 = vector.broadcast %jit3A_566 : i32 to vector<16xi32>
          %max3A_569 = arith.maxsi %max3A_568, %get3A_565 : vector<16xi32>
          %min3A_570 = vector.broadcast %jit3A_567 : i32 to vector<16xi32>
          %min3A_571 = arith.minsi %min3A_570, %max3A_569 : vector<16xi32>
          %swap3A_572 = arith.constant 208 : index
          %swap3A_573 = tpu.vector_load %arg16[%swap3A_572] {strides = array<i32>} : memref<256xi32, #tpu.memory_space<vmem>>, vector<16xi32>,
          tpu.vector_store %arg16[%swap3A_572], %min3A_571 {strides = array<i32>} : memref<256xi32, #tpu.memory_space<vmem>>, vector<16xi32>,
          %add3A_574 = arith.constant 224 : i32
          %add3A_575 = arith.addi %mul3A_212, %add3A_574 : i32
          %get3A_576 = arith.index_cast %add3A_575 : i32 to index
          %get3A_577 = tpu.vector_load %arg13[%get3A_576] {strides = array<i32>} : memref<5120xi32, #tpu.memory_space<vmem>>, vector<16xi32>,
          %jit3A_578 = arith.constant 0 : i32
          %jit3A_579 = arith.constant 8960 : i32
          %max3A_580 = vector.broadcast %jit3A_578 : i32 to vector<16xi32>
          %max3A_581 = arith.maxsi %max3A_580, %get3A_577 : vector<16xi32>
          %min3A_582 = vector.broadcast %jit3A_579 : i32 to vector<16xi32>
          %min3A_583 = arith.minsi %min3A_582, %max3A_581 : vector<16xi32>
          %swap3A_584 = arith.constant 224 : index
          %swap3A_585 = tpu.vector_load %arg16[%swap3A_584] {strides = array<i32>} : memref<256xi32, #tpu.memory_space<vmem>>, vector<16xi32>,
          tpu.vector_store %arg16[%swap3A_584], %min3A_583 {strides = array<i32>} : memref<256xi32, #tpu.memory_space<vmem>>, vector<16xi32>,
          %add3A_586 = arith.constant 240 : i32
          %add3A_587 = arith.addi %mul3A_212, %add3A_586 : i32
          %get3A_588 = arith.index_cast %add3A_587 : i32 to index
          %get3A_589 = tpu.vector_load %arg13[%get3A_588] {strides = array<i32>} : memref<5120xi32, #tpu.memory_space<vmem>>, vector<16xi32>,
          %jit3A_590 = arith.constant 0 : i32
          %jit3A_591 = arith.constant 8960 : i32
          %max3A_592 = vector.broadcast %jit3A_590 : i32 to vector<16xi32>
          %max3A_593 = arith.maxsi %max3A_592, %get3A_589 : vector<16xi32>
          %min3A_594 = vector.broadcast %jit3A_591 : i32 to vector<16xi32>
          %min3A_595 = arith.minsi %min3A_594, %max3A_593 : vector<16xi32>
          %swap3A_596 = arith.constant 240 : index
          %swap3A_597 = tpu.vector_load %arg16[%swap3A_596] {strides = array<i32>} : memref<256xi32, #tpu.memory_space<vmem>>, vector<16xi32>,
          tpu.vector_store %arg16[%swap3A_596], %min3A_595 {strides = array<i32>} : memref<256xi32, #tpu.memory_space<vmem>>, vector<16xi32>,
          %dma_wait3A_598 = arith.constant 0 : i32
          %dma_wait3A_599 = arith.constant 0 : i32
          %dma_wait3A_600 = tpu.memref_slice %arg2[%dma_wait3A_598, %dma_wait3A_599] : memref<200000x128xf32, #tpu.memory_space<hbm>> -> memref<200000x128xf32, #tpu.memory_space<hbm>>
          tpu.wait_indirect_dma semaphore(%arg19 : memref<!tpu.dma_semaphore, #tpu.memory_space<semaphore_mem>>) src(%dma_wait3A_600 : memref<200000x128xf32, #tpu.memory_space<hbm>>) dst(%arg18 : memref<256x128xf32, #tpu.memory_space<vmem>>)
          "tpu.region"() ({
            %run_scoped3A = tpu.sem_alloc : memref<!tpu.dma_semaphore, #tpu.memory_space<semaphore_mem>>
            %dma_start3A_602 = arith.constant 0 : i32
            %dma_start3A_603 = arith.constant 0 : i32
            %dma_start3A_604 = tpu.memref_slice %arg8[%dma_start3A_602, %dma_start3A_603] : memref<8968x128xf32, #tpu.memory_space<vmem_shared>> -> memref<8968x128xf32, #tpu.memory_space<vmem_shared>>
            tpu.enqueue_indirect_dma source(%arg18 : memref<256x128xf32, #tpu.memory_space<vmem>>) target(%dma_start3A_604 : memref<8968x128xf32, #tpu.memory_space<vmem_shared>>) offsets(%arg16 : memref<256xi32, #tpu.memory_space<vmem>>) semaphore(%run_scoped3A : memref<!tpu.dma_semaphore, #tpu.memory_space<semaphore_mem>>) {add = true}
            %dma_wait3A_605 = arith.constant 0 : i32
            %dma_wait3A_606 = arith.constant 0 : i32
            %dma_wait3A_607 = tpu.memref_slice %arg8[%dma_wait3A_605, %dma_wait3A_606] : memref<8968x128xf32, #tpu.memory_space<vmem_shared>> -> memref<8968x128xf32, #tpu.memory_space<vmem_shared>>
            tpu.wait_indirect_dma semaphore(%run_scoped3A : memref<!tpu.dma_semaphore, #tpu.memory_space<semaphore_mem>>) src(%arg18 : memref<256x128xf32, #tpu.memory_space<vmem>>) dst(%dma_wait3A_607 : memref<8968x128xf32, #tpu.memory_space<vmem_shared>>)
            tpu.yield
          }) : () -> ()
          %while3A_601 = arith.constant 0 : i32
          scf.yield %while3A_601 : i32
        }
        %scan3A_208 = arith.constant 0 : i32
        scf.yield %scan3A_208 : i32
      }
      %scan3A_23 = arith.constant 4 : i32
      %barrier3A_24 = arith.constant 0 : index
      tpu.barrier barrier_id(%barrier3A_24)
      %add3A_25 = arith.addi %add3A, %mul3A_0 : i32
      "tpu.region"() ({
        %run_scoped3A = tpu.sem_alloc : memref<!tpu.dma_semaphore, #tpu.memory_space<semaphore_mem>>
        %dma_start3A = arith.constant 0 : i32
        %dma_start3A_28 = tpu.memref_slice %arg7[%add3A_25, %dma_start3A] : memref<150000x128xf32, #tpu.memory_space<hbm>> -> memref<560x128xf32, #tpu.memory_space<hbm>>
        %dma_start3A_29 = arith.constant 0 : i32
        %dma_start3A_30 = tpu.memref_slice %arg8[%mul3A_0, %dma_start3A_29] : memref<8968x128xf32, #tpu.memory_space<vmem_shared>> -> memref<560x128xf32, #tpu.memory_space<vmem_shared>>
        tpu.enqueue_dma source(%dma_start3A_30 : memref<560x128xf32, #tpu.memory_space<vmem_shared>>) target(%dma_start3A_28 : memref<560x128xf32, #tpu.memory_space<hbm>>) target_semaphore(%run_scoped3A : memref<!tpu.dma_semaphore, #tpu.memory_space<semaphore_mem>>)
        %dma_wait3A = arith.constant 0 : i32
        %dma_wait3A_31 = tpu.memref_slice %arg7[%add3A_25, %dma_wait3A] : memref<150000x128xf32, #tpu.memory_space<hbm>> -> memref<560x128xf32, #tpu.memory_space<hbm>>
        %dma_wait3A_32 = arith.constant 0 : i32
        %dma_wait3A_33 = tpu.memref_slice %arg8[%mul3A_0, %dma_wait3A_32] : memref<8968x128xf32, #tpu.memory_space<vmem_shared>> -> memref<560x128xf32, #tpu.memory_space<vmem_shared>>
        tpu.wait_dma2 semaphore(%run_scoped3A : memref<!tpu.dma_semaphore, #tpu.memory_space<semaphore_mem>>) src(%dma_wait3A_33 : memref<560x128xf32, #tpu.memory_space<vmem_shared>>) dst(%dma_wait3A_31 : memref<560x128xf32, #tpu.memory_space<hbm>>)
        tpu.yield
      }) : () -> ()
      "tpu.region"() ({
        %run_scoped3A = tpu.sem_alloc : memref<!tpu.dma_semaphore, #tpu.memory_space<semaphore_mem>>
        %dma_start3A = arith.constant 0 : i32
        %dma_start3A_28 = tpu.memref_slice %arg8[%mul3A_0, %dma_start3A] : memref<8968x128xf32, #tpu.memory_space<vmem_shared>> -> memref<560x128xf32, #tpu.memory_space<vmem_shared>>
        %dma_start3A_29 = arith.constant 0 : i32
        %dma_start3A_30 = tpu.memref_slice %arg6[%mul3A_0, %dma_start3A_29] : memref<8960x128xf32, #tpu.memory_space<hbm>> -> memref<560x128xf32, #tpu.memory_space<hbm>>
        tpu.enqueue_dma source(%dma_start3A_30 : memref<560x128xf32, #tpu.memory_space<hbm>>) target(%dma_start3A_28 : memref<560x128xf32, #tpu.memory_space<vmem_shared>>) target_semaphore(%run_scoped3A : memref<!tpu.dma_semaphore, #tpu.memory_space<semaphore_mem>>)
        %dma_wait3A = arith.constant 0 : i32
        %dma_wait3A_31 = tpu.memref_slice %arg8[%mul3A_0, %dma_wait3A] : memref<8968x128xf32, #tpu.memory_space<vmem_shared>> -> memref<560x128xf32, #tpu.memory_space<vmem_shared>>
        %dma_wait3A_32 = arith.constant 0 : i32
        %dma_wait3A_33 = tpu.memref_slice %arg6[%mul3A_0, %dma_wait3A_32] : memref<8960x128xf32, #tpu.memory_space<hbm>> -> memref<560x128xf32, #tpu.memory_space<hbm>>
        tpu.wait_dma2 semaphore(%run_scoped3A : memref<!tpu.dma_semaphore, #tpu.memory_space<semaphore_mem>>) src(%dma_wait3A_33 : memref<560x128xf32, #tpu.memory_space<hbm>>) dst(%dma_wait3A_31 : memref<560x128xf32, #tpu.memory_space<vmem_shared>>)
        tpu.yield
      }) : () -> ()
      %barrier3A_26 = arith.constant 0 : index
      tpu.barrier barrier_id(%barrier3A_26)
      %scan3A_27 = arith.constant 0 : i32
      scf.yield %scan3A_27 : i32
    }
    %scan3A_9 = arith.constant 9 : i32
    return
  }
}

#map = affine_map<(d0, d1) -> (0, 0)>
#map1 = affine_map<(d0, d1) -> (0)>
module attributes {stable_mosaic.version = 14 : i64} {
  func.func @_scatter_body(%arg0: i32, %arg1: i32, %arg2: memref<300000x128xf32, #tpu.memory_space<hbm>>, %arg3: memref<300032xi32, #tpu.memory_space<hbm>>, %arg4: memref<300032xi32, #tpu.memory_space<hbm>>, %arg5: memref<300032xf32, #tpu.memory_space<hbm>>, %arg6: memref<8960x128xf32, #tpu.memory_space<hbm>>, %arg7: memref<100000x128xf32, #tpu.memory_space<hbm>>, %arg8: memref<8968x128xf32, #tpu.memory_space<vmem_shared>>, %arg9: memref<4688xi32, #tpu.memory_space<vmem>>, %arg10: memref<4688xi32, #tpu.memory_space<vmem>>, %arg11: memref<4688xf32, #tpu.memory_space<vmem>>, %arg12: memref<5120xi32, #tpu.memory_space<vmem>>, %arg13: memref<5120xi32, #tpu.memory_space<vmem>>, %arg14: memref<256xi32, #tpu.memory_space<vmem>>, %arg15: memref<256xi32, #tpu.memory_space<vmem>>, %arg16: memref<256xi32, #tpu.memory_space<vmem>>, %arg17: memref<256xi32, #tpu.memory_space<vmem>>, %arg18: memref<256x128xf32, #tpu.memory_space<vmem>>, %arg19: memref<!tpu.dma_semaphore, #tpu.memory_space<semaphore_mem>>, %arg20: memref<!tpu.dma_semaphore, #tpu.memory_space<semaphore_mem>>, %arg21: memref<!tpu.dma_semaphore, #tpu.memory_space<semaphore_mem>>) attributes {dimension_semantics = [#tpu.dimension_semantics<core_parallel>, #tpu.dimension_semantics<subcore_parallel>], iteration_bounds = array<i64: 2, 16>, scalar_prefetch = 0 : i64, scratch_operands = 14 : i64, tpu.core_type = #tpu.core_type<sc_vector_subcore>, window_params = [{transform_indices = #map}, {transform_indices = #map1}, {transform_indices = #map1}, {transform_indices = #map1}, {transform_indices = #map}, {transform_indices = #map}]} {
    %mul3A = arith.constant 560 : i32
    %mul3A_0 = arith.muli %arg1, %mul3A : i32
    "tpu.region"() ({
      %run_scoped3A = tpu.sem_alloc : memref<!tpu.dma_semaphore, #tpu.memory_space<semaphore_mem>>
      %dma_start3A = arith.constant 0 : i32
      %dma_start3A_10 = tpu.memref_slice %arg8[%mul3A_0, %dma_start3A] : memref<8968x128xf32, #tpu.memory_space<vmem_shared>> -> memref<560x128xf32, #tpu.memory_space<vmem_shared>>
      %dma_start3A_11 = arith.constant 0 : i32
      %dma_start3A_12 = tpu.memref_slice %arg6[%mul3A_0, %dma_start3A_11] : memref<8960x128xf32, #tpu.memory_space<hbm>> -> memref<560x128xf32, #tpu.memory_space<hbm>>
      tpu.enqueue_dma source(%dma_start3A_12 : memref<560x128xf32, #tpu.memory_space<hbm>>) target(%dma_start3A_10 : memref<560x128xf32, #tpu.memory_space<vmem_shared>>) target_semaphore(%run_scoped3A : memref<!tpu.dma_semaphore, #tpu.memory_space<semaphore_mem>>)
      %dma_wait3A = arith.constant 0 : i32
      %dma_wait3A_13 = tpu.memref_slice %arg8[%mul3A_0, %dma_wait3A] : memref<8968x128xf32, #tpu.memory_space<vmem_shared>> -> memref<560x128xf32, #tpu.memory_space<vmem_shared>>
      %dma_wait3A_14 = arith.constant 0 : i32
      %dma_wait3A_15 = tpu.memref_slice %arg6[%mul3A_0, %dma_wait3A_14] : memref<8960x128xf32, #tpu.memory_space<hbm>> -> memref<560x128xf32, #tpu.memory_space<hbm>>
      tpu.wait_dma2 semaphore(%run_scoped3A : memref<!tpu.dma_semaphore, #tpu.memory_space<semaphore_mem>>) src(%dma_wait3A_15 : memref<560x128xf32, #tpu.memory_space<hbm>>) dst(%dma_wait3A_13 : memref<560x128xf32, #tpu.memory_space<vmem_shared>>)
      tpu.yield
    }) : () -> ()
    %barrier3A = arith.constant 0 : index
    tpu.barrier barrier_id(%barrier3A)
    %broadcast_in_dim3A = arith.constant 0 : i32
    %broadcast_in_dim3A_1 = vector.broadcast %broadcast_in_dim3A : i32 to vector<16xi32>
    %broadcast_in_dim3A_2 = arith.constant 8960 : i32
    %broadcast_in_dim3A_3 = vector.broadcast %broadcast_in_dim3A_2 : i32 to vector<16xi32>
    %iota3A = tpu.iota {dimensions = array<i32: 0>} : vector<16xi32>
    %scan3A = arith.constant 0 : i32
    %scan3A_4 = arith.constant 0 : i32
    %scan3A_5 = arith.constant 6 : i32
    %scan3A_6 = arith.addi %scan3A_4, %scan3A_5 : i32
    %scan3A_7 = arith.constant 1 : i32
    %scan3A_8 = scf.for %scan3A_10 = %scan3A_4 to %scan3A_6 step %scan3A_7 iter_args(%scan3A_11 = %scan3A) -> (i32)  : i32 {
      %mul3A_12 = arith.constant 8960 : i32
      %mul3A_13 = arith.muli %scan3A_10, %mul3A_12 : i32
      %min3A = arith.constant 41040 : i32
      %min3A_14 = arith.minsi %mul3A_13, %min3A : i32
      %mul3A_15 = arith.constant 50000 : i32
      %mul3A_16 = arith.muli %arg0, %mul3A_15 : i32
      %add3A = arith.addi %min3A_14, %mul3A_16 : i32
      %scan3A_17 = arith.constant 0 : i32
      %scan3A_18 = arith.constant 0 : i32
      %scan3A_19 = arith.constant 4 : i32
      %scan3A_20 = arith.addi %scan3A_18, %scan3A_19 : i32
      %scan3A_21 = arith.constant 1 : i32
      %scan3A_22 = scf.for %scan3A_28 = %scan3A_18 to %scan3A_20 step %scan3A_21 iter_args(%scan3A_29 = %scan3A_17) -> (i32)  : i32 {
        %mul3A_30 = arith.constant 18752 : i32
        %mul3A_31 = arith.muli %arg1, %mul3A_30 : i32
        %mul3A_32 = arith.constant 4688 : i32
        %mul3A_33 = arith.muli %scan3A_28, %mul3A_32 : i32
        %add3A_34 = arith.addi %mul3A_31, %mul3A_33 : i32
        %dma_start3A = tpu.memref_slice %arg4[%add3A_34] : memref<300032xi32, #tpu.memory_space<hbm>> -> memref<4688xi32, #tpu.memory_space<hbm>>
        %dma_start3A_35 = tpu.memref_slice %arg4[%add3A_34] : memref<300032xi32, #tpu.memory_space<hbm>> -> memref<4688xi32, #tpu.memory_space<hbm>>
        tpu.enqueue_dma source(%dma_start3A_35 : memref<4688xi32, #tpu.memory_space<hbm>>) target(%arg9 : memref<4688xi32, #tpu.memory_space<vmem>>) target_semaphore(%arg19 : memref<!tpu.dma_semaphore, #tpu.memory_space<semaphore_mem>>)
        %dma_start3A_36 = tpu.memref_slice %arg3[%add3A_34] : memref<300032xi32, #tpu.memory_space<hbm>> -> memref<4688xi32, #tpu.memory_space<hbm>>
        %dma_start3A_37 = tpu.memref_slice %arg3[%add3A_34] : memref<300032xi32, #tpu.memory_space<hbm>> -> memref<4688xi32, #tpu.memory_space<hbm>>
        tpu.enqueue_dma source(%dma_start3A_37 : memref<4688xi32, #tpu.memory_space<hbm>>) target(%arg10 : memref<4688xi32, #tpu.memory_space<vmem>>) target_semaphore(%arg20 : memref<!tpu.dma_semaphore, #tpu.memory_space<semaphore_mem>>)
        %dma_start3A_38 = tpu.memref_slice %arg5[%add3A_34] : memref<300032xf32, #tpu.memory_space<hbm>> -> memref<4688xf32, #tpu.memory_space<hbm>>
        %dma_start3A_39 = tpu.memref_slice %arg5[%add3A_34] : memref<300032xf32, #tpu.memory_space<hbm>> -> memref<4688xf32, #tpu.memory_space<hbm>>
        tpu.enqueue_dma source(%dma_start3A_39 : memref<4688xf32, #tpu.memory_space<hbm>>) target(%arg11 : memref<4688xf32, #tpu.memory_space<vmem>>) target_semaphore(%arg21 : memref<!tpu.dma_semaphore, #tpu.memory_space<semaphore_mem>>)
        %dma_wait3A = tpu.memref_slice %arg4[%add3A_34] : memref<300032xi32, #tpu.memory_space<hbm>> -> memref<4688xi32, #tpu.memory_space<hbm>>
        %dma_wait3A_40 = tpu.memref_slice %arg4[%add3A_34] : memref<300032xi32, #tpu.memory_space<hbm>> -> memref<4688xi32, #tpu.memory_space<hbm>>
        tpu.wait_dma2 semaphore(%arg19 : memref<!tpu.dma_semaphore, #tpu.memory_space<semaphore_mem>>) src(%dma_wait3A_40 : memref<4688xi32, #tpu.memory_space<hbm>>) dst(%arg9 : memref<4688xi32, #tpu.memory_space<vmem>>)
        %dma_wait3A_41 = tpu.memref_slice %arg3[%add3A_34] : memref<300032xi32, #tpu.memory_space<hbm>> -> memref<4688xi32, #tpu.memory_space<hbm>>
        %dma_wait3A_42 = tpu.memref_slice %arg3[%add3A_34] : memref<300032xi32, #tpu.memory_space<hbm>> -> memref<4688xi32, #tpu.memory_space<hbm>>
        tpu.wait_dma2 semaphore(%arg20 : memref<!tpu.dma_semaphore, #tpu.memory_space<semaphore_mem>>) src(%dma_wait3A_42 : memref<4688xi32, #tpu.memory_space<hbm>>) dst(%arg10 : memref<4688xi32, #tpu.memory_space<vmem>>)
        %dma_wait3A_43 = tpu.memref_slice %arg5[%add3A_34] : memref<300032xf32, #tpu.memory_space<hbm>> -> memref<4688xf32, #tpu.memory_space<hbm>>
        %dma_wait3A_44 = tpu.memref_slice %arg5[%add3A_34] : memref<300032xf32, #tpu.memory_space<hbm>> -> memref<4688xf32, #tpu.memory_space<hbm>>
        tpu.wait_dma2 semaphore(%arg21 : memref<!tpu.dma_semaphore, #tpu.memory_space<semaphore_mem>>) src(%dma_wait3A_44 : memref<4688xf32, #tpu.memory_space<hbm>>) dst(%arg11 : memref<4688xf32, #tpu.memory_space<vmem>>)
        %scan3A_45 = arith.constant 0 : i32
        %scan3A_46 = arith.constant 0 : i32
        %scan3A_47 = arith.constant 293 : i32
        %scan3A_48 = arith.addi %scan3A_46, %scan3A_47 : i32
        %scan3A_49 = arith.constant 1 : i32
        %scan3A_50 = scf.for %scan3A_209 = %scan3A_46 to %scan3A_48 step %scan3A_49 iter_args(%scan3A_210 = %scan3A_45) -> (i32)  : i32 {
          %mul3A_211 = arith.constant 16 : i32
          %mul3A_212 = arith.muli %scan3A_209, %mul3A_211 : i32
          %get3A = arith.index_cast %mul3A_212 : i32 to index
          %get3A_213 = tpu.vector_load %arg9[%get3A] {strides = array<i32>} : memref<4688xi32, #tpu.memory_space<vmem>>, vector<16xi32>,
          %mul3A_214 = arith.constant 16 : i32
          %mul3A_215 = arith.muli %scan3A_209, %mul3A_214 : i32
          %get3A_216 = arith.index_cast %mul3A_215 : i32 to index
          %get3A_217 = tpu.vector_load %arg10[%get3A_216] {strides = array<i32>} : memref<4688xi32, #tpu.memory_space<vmem>>, vector<16xi32>,
          %mul3A_218 = arith.constant 16 : i32
          %mul3A_219 = arith.muli %scan3A_209, %mul3A_218 : i32
          %get3A_220 = arith.index_cast %mul3A_219 : i32 to index
          %get3A_221 = tpu.vector_load %arg11[%get3A_220] {strides = array<i32>} : memref<4688xf32, #tpu.memory_space<vmem>>, vector<16xf32>,
          %sub3A_222 = vector.broadcast %add3A : i32 to vector<16xi32>
          %sub3A_223 = arith.subi %get3A_213, %sub3A_222 : vector<16xi32>
          %ge3A = vector.broadcast %add3A : i32 to vector<16xi32>
          %ge3A_224 = arith.cmpi sge, %get3A_213, %ge3A : vector<16xi32>
          %add3A_225 = arith.constant 8960 : i32
          %add3A_226 = arith.addi %add3A, %add3A_225 : i32
          %lt3A = vector.broadcast %add3A_226 : i32 to vector<16xi32>
          %lt3A_227 = arith.cmpi slt, %get3A_213, %lt3A : vector<16xi32>
          %and3A_228 = arith.andi %ge3A_224, %lt3A_227 : vector<16xi1>
          %gt3A = arith.constant 0.000000e+00 : f32
          %gt3A_229 = vector.broadcast %gt3A : f32 to vector<16xf32>
          %gt3A_230 = arith.cmpf ogt, %get3A_221, %gt3A_229 : vector<16xf32>
          %add3A_231 = arith.constant 150000 : i32
          %add3A_232 = vector.broadcast %add3A_231 : i32 to vector<16xi32>
          %add3A_233 = arith.addi %get3A_217, %add3A_232 : vector<16xi32>
          %select_n3A_234 = arith.select %gt3A_230, %get3A_217, %add3A_233 : vector<16xi1>, vector<16xi32>
          %add3A_235 = arith.constant 16 : i32
          %add3A_236 = vector.broadcast %add3A_235 : i32 to vector<16xi32>
          %add3A_237 = arith.addi %add3A_236, %iota3A : vector<16xi32>
          %select_n3A_238 = arith.select %and3A_228, %iota3A, %add3A_237 : vector<16xi1>, vector<16xi32>
          %masked_sort3A = arith.constant dense<true> : vector<16xi1>
          %masked_sort3A_239 = arith.constant -2147483648 : i32
          %masked_sort3A_240 = vector.broadcast %masked_sort3A_239 : i32 to vector<16xi32>
          %masked_sort3A_241 = arith.xori %select_n3A_238, %masked_sort3A_240 : vector<16xi32>
          %masked_sort3A_242, %masked_sort3A_243, %masked_sort3A_244 = tpu.sort %masked_sort3A_241, %select_n3A_234 masked %masked_sort3A : (vector<16xi32>, vector<16xi32>, vector<16xi1>) -> (vector<16xi1>, vector<16xi32>, vector<16xi32>)
          %masked_sort3A_245 = arith.xori %masked_sort3A_243, %masked_sort3A_240 : vector<16xi32>
          %masked_sort3A_246 = arith.constant dense<true> : vector<16xi1>
          %masked_sort3A_247 = arith.constant -2147483648 : i32
          %masked_sort3A_248 = vector.broadcast %masked_sort3A_247 : i32 to vector<16xi32>
          %masked_sort3A_249 = arith.xori %select_n3A_238, %masked_sort3A_248 : vector<16xi32>
          %masked_sort3A_250, %masked_sort3A_251, %masked_sort3A_252 = tpu.sort %masked_sort3A_249, %sub3A_223 masked %masked_sort3A_246 : (vector<16xi32>, vector<16xi32>, vector<16xi1>) -> (vector<16xi1>, vector<16xi32>, vector<16xi32>)
          %masked_sort3A_253 = arith.xori %masked_sort3A_251, %masked_sort3A_248 : vector<16xi32>
          %swap3A_254 = arith.index_cast %scan3A_210 : i32 to index
          %swap3A_255 = tpu.vector_load %arg12[%swap3A_254] {strides = array<i32>} : memref<5120xi32, #tpu.memory_space<vmem>>, vector<16xi32>,
          tpu.vector_store %arg12[%swap3A_254], %masked_sort3A_244 {strides = array<i32>} : memref<5120xi32, #tpu.memory_space<vmem>>, vector<16xi32>,
          %swap3A_256 = arith.index_cast %scan3A_210 : i32 to index
          %swap3A_257 = tpu.vector_load %arg13[%swap3A_256] {strides = array<i32>} : memref<5120xi32, #tpu.memory_space<vmem>>, vector<16xi32>,
          tpu.vector_store %arg13[%swap3A_256], %masked_sort3A_252 {strides = array<i32>} : memref<5120xi32, #tpu.memory_space<vmem>>, vector<16xi32>,
          %all_reduce_population_count3A = tpu.all_reduce %and3A_228 {dim = 0 : i64, kind = #tpu.reduction_kind<sum>} : vector<16xi1> -> vector<16xi32>
          %slice3A = vector.extract_strided_slice %all_reduce_population_count3A {offsets = [0], sizes = [1], strides = [1]} : vector<16xi32> to vector<1xi32>
          %squeeze3A = vector.extract %slice3A[0] : i32 from vector<1xi32>
          %add3A_258 = arith.addi %scan3A_210, %squeeze3A : i32
          %jit3A_259 = arith.constant 0 : i32
          %jit3A_260 = arith.constant 4688 : i32
          %max3A = arith.maxsi %jit3A_259, %add3A_258 : i32
          %min3A_261 = arith.minsi %jit3A_260, %max3A : i32
          scf.yield %min3A_261 : i32
        }
        %scan3A_51 = arith.constant 293 : i32
        %add3A_52 = arith.constant 0 : i32
        %add3A_53 = arith.addi %scan3A_50, %add3A_52 : i32
        %swap3A = arith.index_cast %add3A_53 : i32 to index
        %swap3A_54 = tpu.vector_load %arg12[%swap3A] {strides = array<i32>} : memref<5120xi32, #tpu.memory_space<vmem>>, vector<16xi32>,
        tpu.vector_store %arg12[%swap3A], %broadcast_in_dim3A_1 {strides = array<i32>} : memref<5120xi32, #tpu.memory_space<vmem>>, vector<16xi32>,
        %add3A_55 = arith.constant 0 : i32
        %add3A_56 = arith.addi %scan3A_50, %add3A_55 : i32
        %swap3A_57 = arith.index_cast %add3A_56 : i32 to index
        %swap3A_58 = tpu.vector_load %arg13[%swap3A_57] {strides = array<i32>} : memref<5120xi32, #tpu.memory_space<vmem>>, vector<16xi32>,
        tpu.vector_store %arg13[%swap3A_57], %broadcast_in_dim3A_3 {strides = array<i32>} : memref<5120xi32, #tpu.memory_space<vmem>>, vector<16xi32>,
        %add3A_59 = arith.constant 16 : i32
        %add3A_60 = arith.addi %scan3A_50, %add3A_59 : i32
        %swap3A_61 = arith.index_cast %add3A_60 : i32 to index
        %swap3A_62 = tpu.vector_load %arg12[%swap3A_61] {strides = array<i32>} : memref<5120xi32, #tpu.memory_space<vmem>>, vector<16xi32>,
        tpu.vector_store %arg12[%swap3A_61], %broadcast_in_dim3A_1 {strides = array<i32>} : memref<5120xi32, #tpu.memory_space<vmem>>, vector<16xi32>,
        %add3A_63 = arith.constant 16 : i32
        %add3A_64 = arith.addi %scan3A_50, %add3A_63 : i32
        %swap3A_65 = arith.index_cast %add3A_64 : i32 to index
        %swap3A_66 = tpu.vector_load %arg13[%swap3A_65] {strides = array<i32>} : memref<5120xi32, #tpu.memory_space<vmem>>, vector<16xi32>,
        tpu.vector_store %arg13[%swap3A_65], %broadcast_in_dim3A_3 {strides = array<i32>} : memref<5120xi32, #tpu.memory_space<vmem>>, vector<16xi32>,
        %add3A_67 = arith.constant 32 : i32
        %add3A_68 = arith.addi %scan3A_50, %add3A_67 : i32
        %swap3A_69 = arith.index_cast %add3A_68 : i32 to index
        %swap3A_70 = tpu.vector_load %arg12[%swap3A_69] {strides = array<i32>} : memref<5120xi32, #tpu.memory_space<vmem>>, vector<16xi32>,
        tpu.vector_store %arg12[%swap3A_69], %broadcast_in_dim3A_1 {strides = array<i32>} : memref<5120xi32, #tpu.memory_space<vmem>>, vector<16xi32>,
        %add3A_71 = arith.constant 32 : i32
        %add3A_72 = arith.addi %scan3A_50, %add3A_71 : i32
        %swap3A_73 = arith.index_cast %add3A_72 : i32 to index
        %swap3A_74 = tpu.vector_load %arg13[%swap3A_73] {strides = array<i32>} : memref<5120xi32, #tpu.memory_space<vmem>>, vector<16xi32>,
        tpu.vector_store %arg13[%swap3A_73], %broadcast_in_dim3A_3 {strides = array<i32>} : memref<5120xi32, #tpu.memory_space<vmem>>, vector<16xi32>,
        %add3A_75 = arith.constant 48 : i32
        %add3A_76 = arith.addi %scan3A_50, %add3A_75 : i32
        %swap3A_77 = arith.index_cast %add3A_76 : i32 to index
        %swap3A_78 = tpu.vector_load %arg12[%swap3A_77] {strides = array<i32>} : memref<5120xi32, #tpu.memory_space<vmem>>, vector<16xi32>,
        tpu.vector_store %arg12[%swap3A_77], %broadcast_in_dim3A_1 {strides = array<i32>} : memref<5120xi32, #tpu.memory_space<vmem>>, vector<16xi32>,
        %add3A_79 = arith.constant 48 : i32
        %add3A_80 = arith.addi %scan3A_50, %add3A_79 : i32
        %swap3A_81 = arith.index_cast %add3A_80 : i32 to index
        %swap3A_82 = tpu.vector_load %arg13[%swap3A_81] {strides = array<i32>} : memref<5120xi32, #tpu.memory_space<vmem>>, vector<16xi32>,
        tpu.vector_store %arg13[%swap3A_81], %broadcast_in_dim3A_3 {strides = array<i32>} : memref<5120xi32, #tpu.memory_space<vmem>>, vector<16xi32>,
        %add3A_83 = arith.constant 64 : i32
        %add3A_84 = arith.addi %scan3A_50, %add3A_83 : i32
        %swap3A_85 = arith.index_cast %add3A_84 : i32 to index
        %swap3A_86 = tpu.vector_load %arg12[%swap3A_85] {strides = array<i32>} : memref<5120xi32, #tpu.memory_space<vmem>>, vector<16xi32>,
        tpu.vector_store %arg12[%swap3A_85], %broadcast_in_dim3A_1 {strides = array<i32>} : memref<5120xi32, #tpu.memory_space<vmem>>, vector<16xi32>,
        %add3A_87 = arith.constant 64 : i32
        %add3A_88 = arith.addi %scan3A_50, %add3A_87 : i32
        %swap3A_89 = arith.index_cast %add3A_88 : i32 to index
        %swap3A_90 = tpu.vector_load %arg13[%swap3A_89] {strides = array<i32>} : memref<5120xi32, #tpu.memory_space<vmem>>, vector<16xi32>,
        tpu.vector_store %arg13[%swap3A_89], %broadcast_in_dim3A_3 {strides = array<i32>} : memref<5120xi32, #tpu.memory_space<vmem>>, vector<16xi32>,
        %add3A_91 = arith.constant 80 : i32
        %add3A_92 = arith.addi %scan3A_50, %add3A_91 : i32
        %swap3A_93 = arith.index_cast %add3A_92 : i32 to index
        %swap3A_94 = tpu.vector_load %arg12[%swap3A_93] {strides = array<i32>} : memref<5120xi32, #tpu.memory_space<vmem>>, vector<16xi32>,
        tpu.vector_store %arg12[%swap3A_93], %broadcast_in_dim3A_1 {strides = array<i32>} : memref<5120xi32, #tpu.memory_space<vmem>>, vector<16xi32>,
        %add3A_95 = arith.constant 80 : i32
        %add3A_96 = arith.addi %scan3A_50, %add3A_95 : i32
        %swap3A_97 = arith.index_cast %add3A_96 : i32 to index
        %swap3A_98 = tpu.vector_load %arg13[%swap3A_97] {strides = array<i32>} : memref<5120xi32, #tpu.memory_space<vmem>>, vector<16xi32>,
        tpu.vector_store %arg13[%swap3A_97], %broadcast_in_dim3A_3 {strides = array<i32>} : memref<5120xi32, #tpu.memory_space<vmem>>, vector<16xi32>,
        %add3A_99 = arith.constant 96 : i32
        %add3A_100 = arith.addi %scan3A_50, %add3A_99 : i32
        %swap3A_101 = arith.index_cast %add3A_100 : i32 to index
        %swap3A_102 = tpu.vector_load %arg12[%swap3A_101] {strides = array<i32>} : memref<5120xi32, #tpu.memory_space<vmem>>, vector<16xi32>,
        tpu.vector_store %arg12[%swap3A_101], %broadcast_in_dim3A_1 {strides = array<i32>} : memref<5120xi32, #tpu.memory_space<vmem>>, vector<16xi32>,
        %add3A_103 = arith.constant 96 : i32
        %add3A_104 = arith.addi %scan3A_50, %add3A_103 : i32
        %swap3A_105 = arith.index_cast %add3A_104 : i32 to index
        %swap3A_106 = tpu.vector_load %arg13[%swap3A_105] {strides = array<i32>} : memref<5120xi32, #tpu.memory_space<vmem>>, vector<16xi32>,
        tpu.vector_store %arg13[%swap3A_105], %broadcast_in_dim3A_3 {strides = array<i32>} : memref<5120xi32, #tpu.memory_space<vmem>>, vector<16xi32>,
        %add3A_107 = arith.constant 112 : i32
        %add3A_108 = arith.addi %scan3A_50, %add3A_107 : i32
        %swap3A_109 = arith.index_cast %add3A_108 : i32 to index
        %swap3A_110 = tpu.vector_load %arg12[%swap3A_109] {strides = array<i32>} : memref<5120xi32, #tpu.memory_space<vmem>>, vector<16xi32>,
        tpu.vector_store %arg12[%swap3A_109], %broadcast_in_dim3A_1 {strides = array<i32>} : memref<5120xi32, #tpu.memory_space<vmem>>, vector<16xi32>,
        %add3A_111 = arith.constant 112 : i32
        %add3A_112 = arith.addi %scan3A_50, %add3A_111 : i32
        %swap3A_113 = arith.index_cast %add3A_112 : i32 to index
        %swap3A_114 = tpu.vector_load %arg13[%swap3A_113] {strides = array<i32>} : memref<5120xi32, #tpu.memory_space<vmem>>, vector<16xi32>,
        tpu.vector_store %arg13[%swap3A_113], %broadcast_in_dim3A_3 {strides = array<i32>} : memref<5120xi32, #tpu.memory_space<vmem>>, vector<16xi32>,
        %add3A_115 = arith.constant 128 : i32
        %add3A_116 = arith.addi %scan3A_50, %add3A_115 : i32
        %swap3A_117 = arith.index_cast %add3A_116 : i32 to index
        %swap3A_118 = tpu.vector_load %arg12[%swap3A_117] {strides = array<i32>} : memref<5120xi32, #tpu.memory_space<vmem>>, vector<16xi32>,
        tpu.vector_store %arg12[%swap3A_117], %broadcast_in_dim3A_1 {strides = array<i32>} : memref<5120xi32, #tpu.memory_space<vmem>>, vector<16xi32>,
        %add3A_119 = arith.constant 128 : i32
        %add3A_120 = arith.addi %scan3A_50, %add3A_119 : i32
        %swap3A_121 = arith.index_cast %add3A_120 : i32 to index
        %swap3A_122 = tpu.vector_load %arg13[%swap3A_121] {strides = array<i32>} : memref<5120xi32, #tpu.memory_space<vmem>>, vector<16xi32>,
        tpu.vector_store %arg13[%swap3A_121], %broadcast_in_dim3A_3 {strides = array<i32>} : memref<5120xi32, #tpu.memory_space<vmem>>, vector<16xi32>,
        %add3A_123 = arith.constant 144 : i32
        %add3A_124 = arith.addi %scan3A_50, %add3A_123 : i32
        %swap3A_125 = arith.index_cast %add3A_124 : i32 to index
        %swap3A_126 = tpu.vector_load %arg12[%swap3A_125] {strides = array<i32>} : memref<5120xi32, #tpu.memory_space<vmem>>, vector<16xi32>,
        tpu.vector_store %arg12[%swap3A_125], %broadcast_in_dim3A_1 {strides = array<i32>} : memref<5120xi32, #tpu.memory_space<vmem>>, vector<16xi32>,
        %add3A_127 = arith.constant 144 : i32
        %add3A_128 = arith.addi %scan3A_50, %add3A_127 : i32
        %swap3A_129 = arith.index_cast %add3A_128 : i32 to index
        %swap3A_130 = tpu.vector_load %arg13[%swap3A_129] {strides = array<i32>} : memref<5120xi32, #tpu.memory_space<vmem>>, vector<16xi32>,
        tpu.vector_store %arg13[%swap3A_129], %broadcast_in_dim3A_3 {strides = array<i32>} : memref<5120xi32, #tpu.memory_space<vmem>>, vector<16xi32>,
        %add3A_131 = arith.constant 160 : i32
        %add3A_132 = arith.addi %scan3A_50, %add3A_131 : i32
        %swap3A_133 = arith.index_cast %add3A_132 : i32 to index
        %swap3A_134 = tpu.vector_load %arg12[%swap3A_133] {strides = array<i32>} : memref<5120xi32, #tpu.memory_space<vmem>>, vector<16xi32>,
        tpu.vector_store %arg12[%swap3A_133], %broadcast_in_dim3A_1 {strides = array<i32>} : memref<5120xi32, #tpu.memory_space<vmem>>, vector<16xi32>,
        %add3A_135 = arith.constant 160 : i32
        %add3A_136 = arith.addi %scan3A_50, %add3A_135 : i32
        %swap3A_137 = arith.index_cast %add3A_136 : i32 to index
        %swap3A_138 = tpu.vector_load %arg13[%swap3A_137] {strides = array<i32>} : memref<5120xi32, #tpu.memory_space<vmem>>, vector<16xi32>,
        tpu.vector_store %arg13[%swap3A_137], %broadcast_in_dim3A_3 {strides = array<i32>} : memref<5120xi32, #tpu.memory_space<vmem>>, vector<16xi32>,
        %add3A_139 = arith.constant 176 : i32
        %add3A_140 = arith.addi %scan3A_50, %add3A_139 : i32
        %swap3A_141 = arith.index_cast %add3A_140 : i32 to index
        %swap3A_142 = tpu.vector_load %arg12[%swap3A_141] {strides = array<i32>} : memref<5120xi32, #tpu.memory_space<vmem>>, vector<16xi32>,
        tpu.vector_store %arg12[%swap3A_141], %broadcast_in_dim3A_1 {strides = array<i32>} : memref<5120xi32, #tpu.memory_space<vmem>>, vector<16xi32>,
        %add3A_143 = arith.constant 176 : i32
        %add3A_144 = arith.addi %scan3A_50, %add3A_143 : i32
        %swap3A_145 = arith.index_cast %add3A_144 : i32 to index
        %swap3A_146 = tpu.vector_load %arg13[%swap3A_145] {strides = array<i32>} : memref<5120xi32, #tpu.memory_space<vmem>>, vector<16xi32>,
        tpu.vector_store %arg13[%swap3A_145], %broadcast_in_dim3A_3 {strides = array<i32>} : memref<5120xi32, #tpu.memory_space<vmem>>, vector<16xi32>,
        %add3A_147 = arith.constant 192 : i32
        %add3A_148 = arith.addi %scan3A_50, %add3A_147 : i32
        %swap3A_149 = arith.index_cast %add3A_148 : i32 to index
        %swap3A_150 = tpu.vector_load %arg12[%swap3A_149] {strides = array<i32>} : memref<5120xi32, #tpu.memory_space<vmem>>, vector<16xi32>,
        tpu.vector_store %arg12[%swap3A_149], %broadcast_in_dim3A_1 {strides = array<i32>} : memref<5120xi32, #tpu.memory_space<vmem>>, vector<16xi32>,
        %add3A_151 = arith.constant 192 : i32
        %add3A_152 = arith.addi %scan3A_50, %add3A_151 : i32
        %swap3A_153 = arith.index_cast %add3A_152 : i32 to index
        %swap3A_154 = tpu.vector_load %arg13[%swap3A_153] {strides = array<i32>} : memref<5120xi32, #tpu.memory_space<vmem>>, vector<16xi32>,
        tpu.vector_store %arg13[%swap3A_153], %broadcast_in_dim3A_3 {strides = array<i32>} : memref<5120xi32, #tpu.memory_space<vmem>>, vector<16xi32>,
        %add3A_155 = arith.constant 208 : i32
        %add3A_156 = arith.addi %scan3A_50, %add3A_155 : i32
        %swap3A_157 = arith.index_cast %add3A_156 : i32 to index
        %swap3A_158 = tpu.vector_load %arg12[%swap3A_157] {strides = array<i32>} : memref<5120xi32, #tpu.memory_space<vmem>>, vector<16xi32>,
        tpu.vector_store %arg12[%swap3A_157], %broadcast_in_dim3A_1 {strides = array<i32>} : memref<5120xi32, #tpu.memory_space<vmem>>, vector<16xi32>,
        %add3A_159 = arith.constant 208 : i32
        %add3A_160 = arith.addi %scan3A_50, %add3A_159 : i32
        %swap3A_161 = arith.index_cast %add3A_160 : i32 to index
        %swap3A_162 = tpu.vector_load %arg13[%swap3A_161] {strides = array<i32>} : memref<5120xi32, #tpu.memory_space<vmem>>, vector<16xi32>,
        tpu.vector_store %arg13[%swap3A_161], %broadcast_in_dim3A_3 {strides = array<i32>} : memref<5120xi32, #tpu.memory_space<vmem>>, vector<16xi32>,
        %add3A_163 = arith.constant 224 : i32
        %add3A_164 = arith.addi %scan3A_50, %add3A_163 : i32
        %swap3A_165 = arith.index_cast %add3A_164 : i32 to index
        %swap3A_166 = tpu.vector_load %arg12[%swap3A_165] {strides = array<i32>} : memref<5120xi32, #tpu.memory_space<vmem>>, vector<16xi32>,
        tpu.vector_store %arg12[%swap3A_165], %broadcast_in_dim3A_1 {strides = array<i32>} : memref<5120xi32, #tpu.memory_space<vmem>>, vector<16xi32>,
        %add3A_167 = arith.constant 224 : i32
        %add3A_168 = arith.addi %scan3A_50, %add3A_167 : i32
        %swap3A_169 = arith.index_cast %add3A_168 : i32 to index
        %swap3A_170 = tpu.vector_load %arg13[%swap3A_169] {strides = array<i32>} : memref<5120xi32, #tpu.memory_space<vmem>>, vector<16xi32>,
        tpu.vector_store %arg13[%swap3A_169], %broadcast_in_dim3A_3 {strides = array<i32>} : memref<5120xi32, #tpu.memory_space<vmem>>, vector<16xi32>,
        %add3A_171 = arith.constant 240 : i32
        %add3A_172 = arith.addi %scan3A_50, %add3A_171 : i32
        %swap3A_173 = arith.index_cast %add3A_172 : i32 to index
        %swap3A_174 = tpu.vector_load %arg12[%swap3A_173] {strides = array<i32>} : memref<5120xi32, #tpu.memory_space<vmem>>, vector<16xi32>,
        tpu.vector_store %arg12[%swap3A_173], %broadcast_in_dim3A_1 {strides = array<i32>} : memref<5120xi32, #tpu.memory_space<vmem>>, vector<16xi32>,
        %add3A_175 = arith.constant 240 : i32
        %add3A_176 = arith.addi %scan3A_50, %add3A_175 : i32
        %swap3A_177 = arith.index_cast %add3A_176 : i32 to index
        %swap3A_178 = tpu.vector_load %arg13[%swap3A_177] {strides = array<i32>} : memref<5120xi32, #tpu.memory_space<vmem>>, vector<16xi32>,
        tpu.vector_store %arg13[%swap3A_177], %broadcast_in_dim3A_3 {strides = array<i32>} : memref<5120xi32, #tpu.memory_space<vmem>>, vector<16xi32>,
        %add3A_179 = arith.constant 255 : i32
        %add3A_180 = arith.addi %scan3A_50, %add3A_179 : i32
        %jit3A = arith.constant 256 : i32
        %div3A = arith.divsi %add3A_180, %jit3A : i32
        %sign3A = arith.constant 0 : i32
        %sign3A_181 = arith.cmpi sgt, %add3A_180, %sign3A : i32
        %sign3A_182 = arith.extui %sign3A_181 : i1 to i32
        %sign3A_183 = arith.constant 0 : i32
        %sign3A_184 = arith.cmpi slt, %add3A_180, %sign3A_183 : i32
        %sign3A_185 = arith.extui %sign3A_184 : i1 to i32
        %sign3A_186 = arith.subi %sign3A_182, %sign3A_185 : i32
        %sign3A_187 = arith.constant 0 : i32
        %sign3A_188 = arith.cmpi sgt, %jit3A, %sign3A_187 : i32
        %sign3A_189 = arith.extui %sign3A_188 : i1 to i32
        %sign3A_190 = arith.constant 0 : i32
        %sign3A_191 = arith.cmpi slt, %jit3A, %sign3A_190 : i32
        %sign3A_192 = arith.extui %sign3A_191 : i1 to i32
        %sign3A_193 = arith.subi %sign3A_189, %sign3A_192 : i32
        %ne3A = arith.cmpi ne, %sign3A_186, %sign3A_193 : i32
        %rem3A = arith.remsi %add3A_180, %jit3A : i32
        %ne3A_194 = arith.constant 0 : i32
        %ne3A_195 = arith.cmpi ne, %rem3A, %ne3A_194 : i32
        %and3A = arith.andi %ne3A, %ne3A_195 : i1
        %sub3A = arith.constant 1 : i32
        %sub3A_196 = arith.subi %div3A, %sub3A : i32
        %select_n3A = arith.select %and3A, %sub3A_196, %div3A : i32
        %while3A = arith.constant 0 : i32
        %while3A_197 = arith.constant 0 : i32
        %while3A_198 = arith.subi %select_n3A, %while3A : i32
        %while3A_199 = arith.addi %while3A, %while3A_198 : i32
        %while3A_200 = arith.constant 1 : i32
        %while3A_201 = arith.divsi %while3A_198, %while3A_200 : i32
        %while3A_202 = arith.muli %while3A_201, %while3A_200 : i32
        %while3A_203 = arith.addi %while3A, %while3A_202 : i32
        %while3A_204 = arith.constant 1 : i32
        %while3A_205 = scf.for %while3A_209 = %while3A to %while3A_203 step %while3A_204 iter_args(%while3A_210 = %while3A_197) -> (i32)  : i32 {
          %mul3A_211 = arith.constant 256 : i32
          %mul3A_212 = arith.muli %while3A_209, %mul3A_211 : i32
          %add3A_213 = arith.constant 0 : i32
          %add3A_214 = arith.addi %mul3A_212, %add3A_213 : i32
          %get3A = arith.index_cast %add3A_214 : i32 to index
          %get3A_215 = tpu.vector_load %arg12[%get3A] {strides = array<i32>} : memref<5120xi32, #tpu.memory_space<vmem>>, vector<16xi32>,
          %jit3A_216 = arith.constant 0 : i32
          %jit3A_217 = arith.constant 299999 : i32
          %max3A = vector.broadcast %jit3A_216 : i32 to vector<16xi32>
          %max3A_218 = arith.maxsi %max3A, %get3A_215 : vector<16xi32>
          %min3A_219 = vector.broadcast %jit3A_217 : i32 to vector<16xi32>
          %min3A_220 = arith.minsi %min3A_219, %max3A_218 : vector<16xi32>
          %swap3A_221 = arith.constant 0 : index
          %swap3A_222 = tpu.vector_load %arg14[%swap3A_221] {strides = array<i32>} : memref<256xi32, #tpu.memory_space<vmem>>, vector<16xi32>,
          tpu.vector_store %arg14[%swap3A_221], %min3A_220 {strides = array<i32>} : memref<256xi32, #tpu.memory_space<vmem>>, vector<16xi32>,
          %add3A_223 = arith.constant 16 : i32
          %add3A_224 = arith.addi %mul3A_212, %add3A_223 : i32
          %get3A_225 = arith.index_cast %add3A_224 : i32 to index
          %get3A_226 = tpu.vector_load %arg12[%get3A_225] {strides = array<i32>} : memref<5120xi32, #tpu.memory_space<vmem>>, vector<16xi32>,
          %jit3A_227 = arith.constant 0 : i32
          %jit3A_228 = arith.constant 299999 : i32
          %max3A_229 = vector.broadcast %jit3A_227 : i32 to vector<16xi32>
          %max3A_230 = arith.maxsi %max3A_229, %get3A_226 : vector<16xi32>
          %min3A_231 = vector.broadcast %jit3A_228 : i32 to vector<16xi32>
          %min3A_232 = arith.minsi %min3A_231, %max3A_230 : vector<16xi32>
          %swap3A_233 = arith.constant 16 : index
          %swap3A_234 = tpu.vector_load %arg14[%swap3A_233] {strides = array<i32>} : memref<256xi32, #tpu.memory_space<vmem>>, vector<16xi32>,
          tpu.vector_store %arg14[%swap3A_233], %min3A_232 {strides = array<i32>} : memref<256xi32, #tpu.memory_space<vmem>>, vector<16xi32>,
          %add3A_235 = arith.constant 32 : i32
          %add3A_236 = arith.addi %mul3A_212, %add3A_235 : i32
          %get3A_237 = arith.index_cast %add3A_236 : i32 to index
          %get3A_238 = tpu.vector_load %arg12[%get3A_237] {strides = array<i32>} : memref<5120xi32, #tpu.memory_space<vmem>>, vector<16xi32>,
          %jit3A_239 = arith.constant 0 : i32
          %jit3A_240 = arith.constant 299999 : i32
          %max3A_241 = vector.broadcast %jit3A_239 : i32 to vector<16xi32>
          %max3A_242 = arith.maxsi %max3A_241, %get3A_238 : vector<16xi32>
          %min3A_243 = vector.broadcast %jit3A_240 : i32 to vector<16xi32>
          %min3A_244 = arith.minsi %min3A_243, %max3A_242 : vector<16xi32>
          %swap3A_245 = arith.constant 32 : index
          %swap3A_246 = tpu.vector_load %arg14[%swap3A_245] {strides = array<i32>} : memref<256xi32, #tpu.memory_space<vmem>>, vector<16xi32>,
          tpu.vector_store %arg14[%swap3A_245], %min3A_244 {strides = array<i32>} : memref<256xi32, #tpu.memory_space<vmem>>, vector<16xi32>,
          %add3A_247 = arith.constant 48 : i32
          %add3A_248 = arith.addi %mul3A_212, %add3A_247 : i32
          %get3A_249 = arith.index_cast %add3A_248 : i32 to index
          %get3A_250 = tpu.vector_load %arg12[%get3A_249] {strides = array<i32>} : memref<5120xi32, #tpu.memory_space<vmem>>, vector<16xi32>,
          %jit3A_251 = arith.constant 0 : i32
          %jit3A_252 = arith.constant 299999 : i32
          %max3A_253 = vector.broadcast %jit3A_251 : i32 to vector<16xi32>
          %max3A_254 = arith.maxsi %max3A_253, %get3A_250 : vector<16xi32>
          %min3A_255 = vector.broadcast %jit3A_252 : i32 to vector<16xi32>
          %min3A_256 = arith.minsi %min3A_255, %max3A_254 : vector<16xi32>
          %swap3A_257 = arith.constant 48 : index
          %swap3A_258 = tpu.vector_load %arg14[%swap3A_257] {strides = array<i32>} : memref<256xi32, #tpu.memory_space<vmem>>, vector<16xi32>,
          tpu.vector_store %arg14[%swap3A_257], %min3A_256 {strides = array<i32>} : memref<256xi32, #tpu.memory_space<vmem>>, vector<16xi32>,
          %add3A_259 = arith.constant 64 : i32
          %add3A_260 = arith.addi %mul3A_212, %add3A_259 : i32
          %get3A_261 = arith.index_cast %add3A_260 : i32 to index
          %get3A_262 = tpu.vector_load %arg12[%get3A_261] {strides = array<i32>} : memref<5120xi32, #tpu.memory_space<vmem>>, vector<16xi32>,
          %jit3A_263 = arith.constant 0 : i32
          %jit3A_264 = arith.constant 299999 : i32
          %max3A_265 = vector.broadcast %jit3A_263 : i32 to vector<16xi32>
          %max3A_266 = arith.maxsi %max3A_265, %get3A_262 : vector<16xi32>
          %min3A_267 = vector.broadcast %jit3A_264 : i32 to vector<16xi32>
          %min3A_268 = arith.minsi %min3A_267, %max3A_266 : vector<16xi32>
          %swap3A_269 = arith.constant 64 : index
          %swap3A_270 = tpu.vector_load %arg14[%swap3A_269] {strides = array<i32>} : memref<256xi32, #tpu.memory_space<vmem>>, vector<16xi32>,
          tpu.vector_store %arg14[%swap3A_269], %min3A_268 {strides = array<i32>} : memref<256xi32, #tpu.memory_space<vmem>>, vector<16xi32>,
          %add3A_271 = arith.constant 80 : i32
          %add3A_272 = arith.addi %mul3A_212, %add3A_271 : i32
          %get3A_273 = arith.index_cast %add3A_272 : i32 to index
          %get3A_274 = tpu.vector_load %arg12[%get3A_273] {strides = array<i32>} : memref<5120xi32, #tpu.memory_space<vmem>>, vector<16xi32>,
          %jit3A_275 = arith.constant 0 : i32
          %jit3A_276 = arith.constant 299999 : i32
          %max3A_277 = vector.broadcast %jit3A_275 : i32 to vector<16xi32>
          %max3A_278 = arith.maxsi %max3A_277, %get3A_274 : vector<16xi32>
          %min3A_279 = vector.broadcast %jit3A_276 : i32 to vector<16xi32>
          %min3A_280 = arith.minsi %min3A_279, %max3A_278 : vector<16xi32>
          %swap3A_281 = arith.constant 80 : index
          %swap3A_282 = tpu.vector_load %arg14[%swap3A_281] {strides = array<i32>} : memref<256xi32, #tpu.memory_space<vmem>>, vector<16xi32>,
          tpu.vector_store %arg14[%swap3A_281], %min3A_280 {strides = array<i32>} : memref<256xi32, #tpu.memory_space<vmem>>, vector<16xi32>,
          %add3A_283 = arith.constant 96 : i32
          %add3A_284 = arith.addi %mul3A_212, %add3A_283 : i32
          %get3A_285 = arith.index_cast %add3A_284 : i32 to index
          %get3A_286 = tpu.vector_load %arg12[%get3A_285] {strides = array<i32>} : memref<5120xi32, #tpu.memory_space<vmem>>, vector<16xi32>,
          %jit3A_287 = arith.constant 0 : i32
          %jit3A_288 = arith.constant 299999 : i32
          %max3A_289 = vector.broadcast %jit3A_287 : i32 to vector<16xi32>
          %max3A_290 = arith.maxsi %max3A_289, %get3A_286 : vector<16xi32>
          %min3A_291 = vector.broadcast %jit3A_288 : i32 to vector<16xi32>
          %min3A_292 = arith.minsi %min3A_291, %max3A_290 : vector<16xi32>
          %swap3A_293 = arith.constant 96 : index
          %swap3A_294 = tpu.vector_load %arg14[%swap3A_293] {strides = array<i32>} : memref<256xi32, #tpu.memory_space<vmem>>, vector<16xi32>,
          tpu.vector_store %arg14[%swap3A_293], %min3A_292 {strides = array<i32>} : memref<256xi32, #tpu.memory_space<vmem>>, vector<16xi32>,
          %add3A_295 = arith.constant 112 : i32
          %add3A_296 = arith.addi %mul3A_212, %add3A_295 : i32
          %get3A_297 = arith.index_cast %add3A_296 : i32 to index
          %get3A_298 = tpu.vector_load %arg12[%get3A_297] {strides = array<i32>} : memref<5120xi32, #tpu.memory_space<vmem>>, vector<16xi32>,
          %jit3A_299 = arith.constant 0 : i32
          %jit3A_300 = arith.constant 299999 : i32
          %max3A_301 = vector.broadcast %jit3A_299 : i32 to vector<16xi32>
          %max3A_302 = arith.maxsi %max3A_301, %get3A_298 : vector<16xi32>
          %min3A_303 = vector.broadcast %jit3A_300 : i32 to vector<16xi32>
          %min3A_304 = arith.minsi %min3A_303, %max3A_302 : vector<16xi32>
          %swap3A_305 = arith.constant 112 : index
          %swap3A_306 = tpu.vector_load %arg14[%swap3A_305] {strides = array<i32>} : memref<256xi32, #tpu.memory_space<vmem>>, vector<16xi32>,
          tpu.vector_store %arg14[%swap3A_305], %min3A_304 {strides = array<i32>} : memref<256xi32, #tpu.memory_space<vmem>>, vector<16xi32>,
          %add3A_307 = arith.constant 128 : i32
          %add3A_308 = arith.addi %mul3A_212, %add3A_307 : i32
          %get3A_309 = arith.index_cast %add3A_308 : i32 to index
          %get3A_310 = tpu.vector_load %arg12[%get3A_309] {strides = array<i32>} : memref<5120xi32, #tpu.memory_space<vmem>>, vector<16xi32>,
          %jit3A_311 = arith.constant 0 : i32
          %jit3A_312 = arith.constant 299999 : i32
          %max3A_313 = vector.broadcast %jit3A_311 : i32 to vector<16xi32>
          %max3A_314 = arith.maxsi %max3A_313, %get3A_310 : vector<16xi32>
          %min3A_315 = vector.broadcast %jit3A_312 : i32 to vector<16xi32>
          %min3A_316 = arith.minsi %min3A_315, %max3A_314 : vector<16xi32>
          %swap3A_317 = arith.constant 128 : index
          %swap3A_318 = tpu.vector_load %arg14[%swap3A_317] {strides = array<i32>} : memref<256xi32, #tpu.memory_space<vmem>>, vector<16xi32>,
          tpu.vector_store %arg14[%swap3A_317], %min3A_316 {strides = array<i32>} : memref<256xi32, #tpu.memory_space<vmem>>, vector<16xi32>,
          %add3A_319 = arith.constant 144 : i32
          %add3A_320 = arith.addi %mul3A_212, %add3A_319 : i32
          %get3A_321 = arith.index_cast %add3A_320 : i32 to index
          %get3A_322 = tpu.vector_load %arg12[%get3A_321] {strides = array<i32>} : memref<5120xi32, #tpu.memory_space<vmem>>, vector<16xi32>,
          %jit3A_323 = arith.constant 0 : i32
          %jit3A_324 = arith.constant 299999 : i32
          %max3A_325 = vector.broadcast %jit3A_323 : i32 to vector<16xi32>
          %max3A_326 = arith.maxsi %max3A_325, %get3A_322 : vector<16xi32>
          %min3A_327 = vector.broadcast %jit3A_324 : i32 to vector<16xi32>
          %min3A_328 = arith.minsi %min3A_327, %max3A_326 : vector<16xi32>
          %swap3A_329 = arith.constant 144 : index
          %swap3A_330 = tpu.vector_load %arg14[%swap3A_329] {strides = array<i32>} : memref<256xi32, #tpu.memory_space<vmem>>, vector<16xi32>,
          tpu.vector_store %arg14[%swap3A_329], %min3A_328 {strides = array<i32>} : memref<256xi32, #tpu.memory_space<vmem>>, vector<16xi32>,
          %add3A_331 = arith.constant 160 : i32
          %add3A_332 = arith.addi %mul3A_212, %add3A_331 : i32
          %get3A_333 = arith.index_cast %add3A_332 : i32 to index
          %get3A_334 = tpu.vector_load %arg12[%get3A_333] {strides = array<i32>} : memref<5120xi32, #tpu.memory_space<vmem>>, vector<16xi32>,
          %jit3A_335 = arith.constant 0 : i32
          %jit3A_336 = arith.constant 299999 : i32
          %max3A_337 = vector.broadcast %jit3A_335 : i32 to vector<16xi32>
          %max3A_338 = arith.maxsi %max3A_337, %get3A_334 : vector<16xi32>
          %min3A_339 = vector.broadcast %jit3A_336 : i32 to vector<16xi32>
          %min3A_340 = arith.minsi %min3A_339, %max3A_338 : vector<16xi32>
          %swap3A_341 = arith.constant 160 : index
          %swap3A_342 = tpu.vector_load %arg14[%swap3A_341] {strides = array<i32>} : memref<256xi32, #tpu.memory_space<vmem>>, vector<16xi32>,
          tpu.vector_store %arg14[%swap3A_341], %min3A_340 {strides = array<i32>} : memref<256xi32, #tpu.memory_space<vmem>>, vector<16xi32>,
          %add3A_343 = arith.constant 176 : i32
          %add3A_344 = arith.addi %mul3A_212, %add3A_343 : i32
          %get3A_345 = arith.index_cast %add3A_344 : i32 to index
          %get3A_346 = tpu.vector_load %arg12[%get3A_345] {strides = array<i32>} : memref<5120xi32, #tpu.memory_space<vmem>>, vector<16xi32>,
          %jit3A_347 = arith.constant 0 : i32
          %jit3A_348 = arith.constant 299999 : i32
          %max3A_349 = vector.broadcast %jit3A_347 : i32 to vector<16xi32>
          %max3A_350 = arith.maxsi %max3A_349, %get3A_346 : vector<16xi32>
          %min3A_351 = vector.broadcast %jit3A_348 : i32 to vector<16xi32>
          %min3A_352 = arith.minsi %min3A_351, %max3A_350 : vector<16xi32>
          %swap3A_353 = arith.constant 176 : index
          %swap3A_354 = tpu.vector_load %arg14[%swap3A_353] {strides = array<i32>} : memref<256xi32, #tpu.memory_space<vmem>>, vector<16xi32>,
          tpu.vector_store %arg14[%swap3A_353], %min3A_352 {strides = array<i32>} : memref<256xi32, #tpu.memory_space<vmem>>, vector<16xi32>,
          %add3A_355 = arith.constant 192 : i32
          %add3A_356 = arith.addi %mul3A_212, %add3A_355 : i32
          %get3A_357 = arith.index_cast %add3A_356 : i32 to index
          %get3A_358 = tpu.vector_load %arg12[%get3A_357] {strides = array<i32>} : memref<5120xi32, #tpu.memory_space<vmem>>, vector<16xi32>,
          %jit3A_359 = arith.constant 0 : i32
          %jit3A_360 = arith.constant 299999 : i32
          %max3A_361 = vector.broadcast %jit3A_359 : i32 to vector<16xi32>
          %max3A_362 = arith.maxsi %max3A_361, %get3A_358 : vector<16xi32>
          %min3A_363 = vector.broadcast %jit3A_360 : i32 to vector<16xi32>
          %min3A_364 = arith.minsi %min3A_363, %max3A_362 : vector<16xi32>
          %swap3A_365 = arith.constant 192 : index
          %swap3A_366 = tpu.vector_load %arg14[%swap3A_365] {strides = array<i32>} : memref<256xi32, #tpu.memory_space<vmem>>, vector<16xi32>,
          tpu.vector_store %arg14[%swap3A_365], %min3A_364 {strides = array<i32>} : memref<256xi32, #tpu.memory_space<vmem>>, vector<16xi32>,
          %add3A_367 = arith.constant 208 : i32
          %add3A_368 = arith.addi %mul3A_212, %add3A_367 : i32
          %get3A_369 = arith.index_cast %add3A_368 : i32 to index
          %get3A_370 = tpu.vector_load %arg12[%get3A_369] {strides = array<i32>} : memref<5120xi32, #tpu.memory_space<vmem>>, vector<16xi32>,
          %jit3A_371 = arith.constant 0 : i32
          %jit3A_372 = arith.constant 299999 : i32
          %max3A_373 = vector.broadcast %jit3A_371 : i32 to vector<16xi32>
          %max3A_374 = arith.maxsi %max3A_373, %get3A_370 : vector<16xi32>
          %min3A_375 = vector.broadcast %jit3A_372 : i32 to vector<16xi32>
          %min3A_376 = arith.minsi %min3A_375, %max3A_374 : vector<16xi32>
          %swap3A_377 = arith.constant 208 : index
          %swap3A_378 = tpu.vector_load %arg14[%swap3A_377] {strides = array<i32>} : memref<256xi32, #tpu.memory_space<vmem>>, vector<16xi32>,
          tpu.vector_store %arg14[%swap3A_377], %min3A_376 {strides = array<i32>} : memref<256xi32, #tpu.memory_space<vmem>>, vector<16xi32>,
          %add3A_379 = arith.constant 224 : i32
          %add3A_380 = arith.addi %mul3A_212, %add3A_379 : i32
          %get3A_381 = arith.index_cast %add3A_380 : i32 to index
          %get3A_382 = tpu.vector_load %arg12[%get3A_381] {strides = array<i32>} : memref<5120xi32, #tpu.memory_space<vmem>>, vector<16xi32>,
          %jit3A_383 = arith.constant 0 : i32
          %jit3A_384 = arith.constant 299999 : i32
          %max3A_385 = vector.broadcast %jit3A_383 : i32 to vector<16xi32>
          %max3A_386 = arith.maxsi %max3A_385, %get3A_382 : vector<16xi32>
          %min3A_387 = vector.broadcast %jit3A_384 : i32 to vector<16xi32>
          %min3A_388 = arith.minsi %min3A_387, %max3A_386 : vector<16xi32>
          %swap3A_389 = arith.constant 224 : index
          %swap3A_390 = tpu.vector_load %arg14[%swap3A_389] {strides = array<i32>} : memref<256xi32, #tpu.memory_space<vmem>>, vector<16xi32>,
          tpu.vector_store %arg14[%swap3A_389], %min3A_388 {strides = array<i32>} : memref<256xi32, #tpu.memory_space<vmem>>, vector<16xi32>,
          %add3A_391 = arith.constant 240 : i32
          %add3A_392 = arith.addi %mul3A_212, %add3A_391 : i32
          %get3A_393 = arith.index_cast %add3A_392 : i32 to index
          %get3A_394 = tpu.vector_load %arg12[%get3A_393] {strides = array<i32>} : memref<5120xi32, #tpu.memory_space<vmem>>, vector<16xi32>,
          %jit3A_395 = arith.constant 0 : i32
          %jit3A_396 = arith.constant 299999 : i32
          %max3A_397 = vector.broadcast %jit3A_395 : i32 to vector<16xi32>
          %max3A_398 = arith.maxsi %max3A_397, %get3A_394 : vector<16xi32>
          %min3A_399 = vector.broadcast %jit3A_396 : i32 to vector<16xi32>
          %min3A_400 = arith.minsi %min3A_399, %max3A_398 : vector<16xi32>
          %swap3A_401 = arith.constant 240 : index
          %swap3A_402 = tpu.vector_load %arg14[%swap3A_401] {strides = array<i32>} : memref<256xi32, #tpu.memory_space<vmem>>, vector<16xi32>,
          tpu.vector_store %arg14[%swap3A_401], %min3A_400 {strides = array<i32>} : memref<256xi32, #tpu.memory_space<vmem>>, vector<16xi32>,
          %dma_start3A_403 = arith.constant 0 : i32
          %dma_start3A_404 = arith.constant 0 : i32
          %dma_start3A_405 = tpu.memref_slice %arg2[%dma_start3A_403, %dma_start3A_404] : memref<300000x128xf32, #tpu.memory_space<hbm>> -> memref<300000x128xf32, #tpu.memory_space<hbm>>
          tpu.enqueue_indirect_dma source(%dma_start3A_405 : memref<300000x128xf32, #tpu.memory_space<hbm>>) target(%arg18 : memref<256x128xf32, #tpu.memory_space<vmem>>) offsets(%arg14 : memref<256xi32, #tpu.memory_space<vmem>>) semaphore(%arg19 : memref<!tpu.dma_semaphore, #tpu.memory_space<semaphore_mem>>)
          %add3A_406 = arith.constant 0 : i32
          %add3A_407 = arith.addi %mul3A_212, %add3A_406 : i32
          %get3A_408 = arith.index_cast %add3A_407 : i32 to index
          %get3A_409 = tpu.vector_load %arg13[%get3A_408] {strides = array<i32>} : memref<5120xi32, #tpu.memory_space<vmem>>, vector<16xi32>,
          %jit3A_410 = arith.constant 0 : i32
          %jit3A_411 = arith.constant 8960 : i32
          %max3A_412 = vector.broadcast %jit3A_410 : i32 to vector<16xi32>
          %max3A_413 = arith.maxsi %max3A_412, %get3A_409 : vector<16xi32>
          %min3A_414 = vector.broadcast %jit3A_411 : i32 to vector<16xi32>
          %min3A_415 = arith.minsi %min3A_414, %max3A_413 : vector<16xi32>
          %swap3A_416 = arith.constant 0 : index
          %swap3A_417 = tpu.vector_load %arg16[%swap3A_416] {strides = array<i32>} : memref<256xi32, #tpu.memory_space<vmem>>, vector<16xi32>,
          tpu.vector_store %arg16[%swap3A_416], %min3A_415 {strides = array<i32>} : memref<256xi32, #tpu.memory_space<vmem>>, vector<16xi32>,
          %add3A_418 = arith.constant 16 : i32
          %add3A_419 = arith.addi %mul3A_212, %add3A_418 : i32
          %get3A_420 = arith.index_cast %add3A_419 : i32 to index
          %get3A_421 = tpu.vector_load %arg13[%get3A_420] {strides = array<i32>} : memref<5120xi32, #tpu.memory_space<vmem>>, vector<16xi32>,
          %jit3A_422 = arith.constant 0 : i32
          %jit3A_423 = arith.constant 8960 : i32
          %max3A_424 = vector.broadcast %jit3A_422 : i32 to vector<16xi32>
          %max3A_425 = arith.maxsi %max3A_424, %get3A_421 : vector<16xi32>
          %min3A_426 = vector.broadcast %jit3A_423 : i32 to vector<16xi32>
          %min3A_427 = arith.minsi %min3A_426, %max3A_425 : vector<16xi32>
          %swap3A_428 = arith.constant 16 : index
          %swap3A_429 = tpu.vector_load %arg16[%swap3A_428] {strides = array<i32>} : memref<256xi32, #tpu.memory_space<vmem>>, vector<16xi32>,
          tpu.vector_store %arg16[%swap3A_428], %min3A_427 {strides = array<i32>} : memref<256xi32, #tpu.memory_space<vmem>>, vector<16xi32>,
          %add3A_430 = arith.constant 32 : i32
          %add3A_431 = arith.addi %mul3A_212, %add3A_430 : i32
          %get3A_432 = arith.index_cast %add3A_431 : i32 to index
          %get3A_433 = tpu.vector_load %arg13[%get3A_432] {strides = array<i32>} : memref<5120xi32, #tpu.memory_space<vmem>>, vector<16xi32>,
          %jit3A_434 = arith.constant 0 : i32
          %jit3A_435 = arith.constant 8960 : i32
          %max3A_436 = vector.broadcast %jit3A_434 : i32 to vector<16xi32>
          %max3A_437 = arith.maxsi %max3A_436, %get3A_433 : vector<16xi32>
          %min3A_438 = vector.broadcast %jit3A_435 : i32 to vector<16xi32>
          %min3A_439 = arith.minsi %min3A_438, %max3A_437 : vector<16xi32>
          %swap3A_440 = arith.constant 32 : index
          %swap3A_441 = tpu.vector_load %arg16[%swap3A_440] {strides = array<i32>} : memref<256xi32, #tpu.memory_space<vmem>>, vector<16xi32>,
          tpu.vector_store %arg16[%swap3A_440], %min3A_439 {strides = array<i32>} : memref<256xi32, #tpu.memory_space<vmem>>, vector<16xi32>,
          %add3A_442 = arith.constant 48 : i32
          %add3A_443 = arith.addi %mul3A_212, %add3A_442 : i32
          %get3A_444 = arith.index_cast %add3A_443 : i32 to index
          %get3A_445 = tpu.vector_load %arg13[%get3A_444] {strides = array<i32>} : memref<5120xi32, #tpu.memory_space<vmem>>, vector<16xi32>,
          %jit3A_446 = arith.constant 0 : i32
          %jit3A_447 = arith.constant 8960 : i32
          %max3A_448 = vector.broadcast %jit3A_446 : i32 to vector<16xi32>
          %max3A_449 = arith.maxsi %max3A_448, %get3A_445 : vector<16xi32>
          %min3A_450 = vector.broadcast %jit3A_447 : i32 to vector<16xi32>
          %min3A_451 = arith.minsi %min3A_450, %max3A_449 : vector<16xi32>
          %swap3A_452 = arith.constant 48 : index
          %swap3A_453 = tpu.vector_load %arg16[%swap3A_452] {strides = array<i32>} : memref<256xi32, #tpu.memory_space<vmem>>, vector<16xi32>,
          tpu.vector_store %arg16[%swap3A_452], %min3A_451 {strides = array<i32>} : memref<256xi32, #tpu.memory_space<vmem>>, vector<16xi32>,
          %add3A_454 = arith.constant 64 : i32
          %add3A_455 = arith.addi %mul3A_212, %add3A_454 : i32
          %get3A_456 = arith.index_cast %add3A_455 : i32 to index
          %get3A_457 = tpu.vector_load %arg13[%get3A_456] {strides = array<i32>} : memref<5120xi32, #tpu.memory_space<vmem>>, vector<16xi32>,
          %jit3A_458 = arith.constant 0 : i32
          %jit3A_459 = arith.constant 8960 : i32
          %max3A_460 = vector.broadcast %jit3A_458 : i32 to vector<16xi32>
          %max3A_461 = arith.maxsi %max3A_460, %get3A_457 : vector<16xi32>
          %min3A_462 = vector.broadcast %jit3A_459 : i32 to vector<16xi32>
          %min3A_463 = arith.minsi %min3A_462, %max3A_461 : vector<16xi32>
          %swap3A_464 = arith.constant 64 : index
          %swap3A_465 = tpu.vector_load %arg16[%swap3A_464] {strides = array<i32>} : memref<256xi32, #tpu.memory_space<vmem>>, vector<16xi32>,
          tpu.vector_store %arg16[%swap3A_464], %min3A_463 {strides = array<i32>} : memref<256xi32, #tpu.memory_space<vmem>>, vector<16xi32>,
          %add3A_466 = arith.constant 80 : i32
          %add3A_467 = arith.addi %mul3A_212, %add3A_466 : i32
          %get3A_468 = arith.index_cast %add3A_467 : i32 to index
          %get3A_469 = tpu.vector_load %arg13[%get3A_468] {strides = array<i32>} : memref<5120xi32, #tpu.memory_space<vmem>>, vector<16xi32>,
          %jit3A_470 = arith.constant 0 : i32
          %jit3A_471 = arith.constant 8960 : i32
          %max3A_472 = vector.broadcast %jit3A_470 : i32 to vector<16xi32>
          %max3A_473 = arith.maxsi %max3A_472, %get3A_469 : vector<16xi32>
          %min3A_474 = vector.broadcast %jit3A_471 : i32 to vector<16xi32>
          %min3A_475 = arith.minsi %min3A_474, %max3A_473 : vector<16xi32>
          %swap3A_476 = arith.constant 80 : index
          %swap3A_477 = tpu.vector_load %arg16[%swap3A_476] {strides = array<i32>} : memref<256xi32, #tpu.memory_space<vmem>>, vector<16xi32>,
          tpu.vector_store %arg16[%swap3A_476], %min3A_475 {strides = array<i32>} : memref<256xi32, #tpu.memory_space<vmem>>, vector<16xi32>,
          %add3A_478 = arith.constant 96 : i32
          %add3A_479 = arith.addi %mul3A_212, %add3A_478 : i32
          %get3A_480 = arith.index_cast %add3A_479 : i32 to index
          %get3A_481 = tpu.vector_load %arg13[%get3A_480] {strides = array<i32>} : memref<5120xi32, #tpu.memory_space<vmem>>, vector<16xi32>,
          %jit3A_482 = arith.constant 0 : i32
          %jit3A_483 = arith.constant 8960 : i32
          %max3A_484 = vector.broadcast %jit3A_482 : i32 to vector<16xi32>
          %max3A_485 = arith.maxsi %max3A_484, %get3A_481 : vector<16xi32>
          %min3A_486 = vector.broadcast %jit3A_483 : i32 to vector<16xi32>
          %min3A_487 = arith.minsi %min3A_486, %max3A_485 : vector<16xi32>
          %swap3A_488 = arith.constant 96 : index
          %swap3A_489 = tpu.vector_load %arg16[%swap3A_488] {strides = array<i32>} : memref<256xi32, #tpu.memory_space<vmem>>, vector<16xi32>,
          tpu.vector_store %arg16[%swap3A_488], %min3A_487 {strides = array<i32>} : memref<256xi32, #tpu.memory_space<vmem>>, vector<16xi32>,
          %add3A_490 = arith.constant 112 : i32
          %add3A_491 = arith.addi %mul3A_212, %add3A_490 : i32
          %get3A_492 = arith.index_cast %add3A_491 : i32 to index
          %get3A_493 = tpu.vector_load %arg13[%get3A_492] {strides = array<i32>} : memref<5120xi32, #tpu.memory_space<vmem>>, vector<16xi32>,
          %jit3A_494 = arith.constant 0 : i32
          %jit3A_495 = arith.constant 8960 : i32
          %max3A_496 = vector.broadcast %jit3A_494 : i32 to vector<16xi32>
          %max3A_497 = arith.maxsi %max3A_496, %get3A_493 : vector<16xi32>
          %min3A_498 = vector.broadcast %jit3A_495 : i32 to vector<16xi32>
          %min3A_499 = arith.minsi %min3A_498, %max3A_497 : vector<16xi32>
          %swap3A_500 = arith.constant 112 : index
          %swap3A_501 = tpu.vector_load %arg16[%swap3A_500] {strides = array<i32>} : memref<256xi32, #tpu.memory_space<vmem>>, vector<16xi32>,
          tpu.vector_store %arg16[%swap3A_500], %min3A_499 {strides = array<i32>} : memref<256xi32, #tpu.memory_space<vmem>>, vector<16xi32>,
          %add3A_502 = arith.constant 128 : i32
          %add3A_503 = arith.addi %mul3A_212, %add3A_502 : i32
          %get3A_504 = arith.index_cast %add3A_503 : i32 to index
          %get3A_505 = tpu.vector_load %arg13[%get3A_504] {strides = array<i32>} : memref<5120xi32, #tpu.memory_space<vmem>>, vector<16xi32>,
          %jit3A_506 = arith.constant 0 : i32
          %jit3A_507 = arith.constant 8960 : i32
          %max3A_508 = vector.broadcast %jit3A_506 : i32 to vector<16xi32>
          %max3A_509 = arith.maxsi %max3A_508, %get3A_505 : vector<16xi32>
          %min3A_510 = vector.broadcast %jit3A_507 : i32 to vector<16xi32>
          %min3A_511 = arith.minsi %min3A_510, %max3A_509 : vector<16xi32>
          %swap3A_512 = arith.constant 128 : index
          %swap3A_513 = tpu.vector_load %arg16[%swap3A_512] {strides = array<i32>} : memref<256xi32, #tpu.memory_space<vmem>>, vector<16xi32>,
          tpu.vector_store %arg16[%swap3A_512], %min3A_511 {strides = array<i32>} : memref<256xi32, #tpu.memory_space<vmem>>, vector<16xi32>,
          %add3A_514 = arith.constant 144 : i32
          %add3A_515 = arith.addi %mul3A_212, %add3A_514 : i32
          %get3A_516 = arith.index_cast %add3A_515 : i32 to index
          %get3A_517 = tpu.vector_load %arg13[%get3A_516] {strides = array<i32>} : memref<5120xi32, #tpu.memory_space<vmem>>, vector<16xi32>,
          %jit3A_518 = arith.constant 0 : i32
          %jit3A_519 = arith.constant 8960 : i32
          %max3A_520 = vector.broadcast %jit3A_518 : i32 to vector<16xi32>
          %max3A_521 = arith.maxsi %max3A_520, %get3A_517 : vector<16xi32>
          %min3A_522 = vector.broadcast %jit3A_519 : i32 to vector<16xi32>
          %min3A_523 = arith.minsi %min3A_522, %max3A_521 : vector<16xi32>
          %swap3A_524 = arith.constant 144 : index
          %swap3A_525 = tpu.vector_load %arg16[%swap3A_524] {strides = array<i32>} : memref<256xi32, #tpu.memory_space<vmem>>, vector<16xi32>,
          tpu.vector_store %arg16[%swap3A_524], %min3A_523 {strides = array<i32>} : memref<256xi32, #tpu.memory_space<vmem>>, vector<16xi32>,
          %add3A_526 = arith.constant 160 : i32
          %add3A_527 = arith.addi %mul3A_212, %add3A_526 : i32
          %get3A_528 = arith.index_cast %add3A_527 : i32 to index
          %get3A_529 = tpu.vector_load %arg13[%get3A_528] {strides = array<i32>} : memref<5120xi32, #tpu.memory_space<vmem>>, vector<16xi32>,
          %jit3A_530 = arith.constant 0 : i32
          %jit3A_531 = arith.constant 8960 : i32
          %max3A_532 = vector.broadcast %jit3A_530 : i32 to vector<16xi32>
          %max3A_533 = arith.maxsi %max3A_532, %get3A_529 : vector<16xi32>
          %min3A_534 = vector.broadcast %jit3A_531 : i32 to vector<16xi32>
          %min3A_535 = arith.minsi %min3A_534, %max3A_533 : vector<16xi32>
          %swap3A_536 = arith.constant 160 : index
          %swap3A_537 = tpu.vector_load %arg16[%swap3A_536] {strides = array<i32>} : memref<256xi32, #tpu.memory_space<vmem>>, vector<16xi32>,
          tpu.vector_store %arg16[%swap3A_536], %min3A_535 {strides = array<i32>} : memref<256xi32, #tpu.memory_space<vmem>>, vector<16xi32>,
          %add3A_538 = arith.constant 176 : i32
          %add3A_539 = arith.addi %mul3A_212, %add3A_538 : i32
          %get3A_540 = arith.index_cast %add3A_539 : i32 to index
          %get3A_541 = tpu.vector_load %arg13[%get3A_540] {strides = array<i32>} : memref<5120xi32, #tpu.memory_space<vmem>>, vector<16xi32>,
          %jit3A_542 = arith.constant 0 : i32
          %jit3A_543 = arith.constant 8960 : i32
          %max3A_544 = vector.broadcast %jit3A_542 : i32 to vector<16xi32>
          %max3A_545 = arith.maxsi %max3A_544, %get3A_541 : vector<16xi32>
          %min3A_546 = vector.broadcast %jit3A_543 : i32 to vector<16xi32>
          %min3A_547 = arith.minsi %min3A_546, %max3A_545 : vector<16xi32>
          %swap3A_548 = arith.constant 176 : index
          %swap3A_549 = tpu.vector_load %arg16[%swap3A_548] {strides = array<i32>} : memref<256xi32, #tpu.memory_space<vmem>>, vector<16xi32>,
          tpu.vector_store %arg16[%swap3A_548], %min3A_547 {strides = array<i32>} : memref<256xi32, #tpu.memory_space<vmem>>, vector<16xi32>,
          %add3A_550 = arith.constant 192 : i32
          %add3A_551 = arith.addi %mul3A_212, %add3A_550 : i32
          %get3A_552 = arith.index_cast %add3A_551 : i32 to index
          %get3A_553 = tpu.vector_load %arg13[%get3A_552] {strides = array<i32>} : memref<5120xi32, #tpu.memory_space<vmem>>, vector<16xi32>,
          %jit3A_554 = arith.constant 0 : i32
          %jit3A_555 = arith.constant 8960 : i32
          %max3A_556 = vector.broadcast %jit3A_554 : i32 to vector<16xi32>
          %max3A_557 = arith.maxsi %max3A_556, %get3A_553 : vector<16xi32>
          %min3A_558 = vector.broadcast %jit3A_555 : i32 to vector<16xi32>
          %min3A_559 = arith.minsi %min3A_558, %max3A_557 : vector<16xi32>
          %swap3A_560 = arith.constant 192 : index
          %swap3A_561 = tpu.vector_load %arg16[%swap3A_560] {strides = array<i32>} : memref<256xi32, #tpu.memory_space<vmem>>, vector<16xi32>,
          tpu.vector_store %arg16[%swap3A_560], %min3A_559 {strides = array<i32>} : memref<256xi32, #tpu.memory_space<vmem>>, vector<16xi32>,
          %add3A_562 = arith.constant 208 : i32
          %add3A_563 = arith.addi %mul3A_212, %add3A_562 : i32
          %get3A_564 = arith.index_cast %add3A_563 : i32 to index
          %get3A_565 = tpu.vector_load %arg13[%get3A_564] {strides = array<i32>} : memref<5120xi32, #tpu.memory_space<vmem>>, vector<16xi32>,
          %jit3A_566 = arith.constant 0 : i32
          %jit3A_567 = arith.constant 8960 : i32
          %max3A_568 = vector.broadcast %jit3A_566 : i32 to vector<16xi32>
          %max3A_569 = arith.maxsi %max3A_568, %get3A_565 : vector<16xi32>
          %min3A_570 = vector.broadcast %jit3A_567 : i32 to vector<16xi32>
          %min3A_571 = arith.minsi %min3A_570, %max3A_569 : vector<16xi32>
          %swap3A_572 = arith.constant 208 : index
          %swap3A_573 = tpu.vector_load %arg16[%swap3A_572] {strides = array<i32>} : memref<256xi32, #tpu.memory_space<vmem>>, vector<16xi32>,
          tpu.vector_store %arg16[%swap3A_572], %min3A_571 {strides = array<i32>} : memref<256xi32, #tpu.memory_space<vmem>>, vector<16xi32>,
          %add3A_574 = arith.constant 224 : i32
          %add3A_575 = arith.addi %mul3A_212, %add3A_574 : i32
          %get3A_576 = arith.index_cast %add3A_575 : i32 to index
          %get3A_577 = tpu.vector_load %arg13[%get3A_576] {strides = array<i32>} : memref<5120xi32, #tpu.memory_space<vmem>>, vector<16xi32>,
          %jit3A_578 = arith.constant 0 : i32
          %jit3A_579 = arith.constant 8960 : i32
          %max3A_580 = vector.broadcast %jit3A_578 : i32 to vector<16xi32>
          %max3A_581 = arith.maxsi %max3A_580, %get3A_577 : vector<16xi32>
          %min3A_582 = vector.broadcast %jit3A_579 : i32 to vector<16xi32>
          %min3A_583 = arith.minsi %min3A_582, %max3A_581 : vector<16xi32>
          %swap3A_584 = arith.constant 224 : index
          %swap3A_585 = tpu.vector_load %arg16[%swap3A_584] {strides = array<i32>} : memref<256xi32, #tpu.memory_space<vmem>>, vector<16xi32>,
          tpu.vector_store %arg16[%swap3A_584], %min3A_583 {strides = array<i32>} : memref<256xi32, #tpu.memory_space<vmem>>, vector<16xi32>,
          %add3A_586 = arith.constant 240 : i32
          %add3A_587 = arith.addi %mul3A_212, %add3A_586 : i32
          %get3A_588 = arith.index_cast %add3A_587 : i32 to index
          %get3A_589 = tpu.vector_load %arg13[%get3A_588] {strides = array<i32>} : memref<5120xi32, #tpu.memory_space<vmem>>, vector<16xi32>,
          %jit3A_590 = arith.constant 0 : i32
          %jit3A_591 = arith.constant 8960 : i32
          %max3A_592 = vector.broadcast %jit3A_590 : i32 to vector<16xi32>
          %max3A_593 = arith.maxsi %max3A_592, %get3A_589 : vector<16xi32>
          %min3A_594 = vector.broadcast %jit3A_591 : i32 to vector<16xi32>
          %min3A_595 = arith.minsi %min3A_594, %max3A_593 : vector<16xi32>
          %swap3A_596 = arith.constant 240 : index
          %swap3A_597 = tpu.vector_load %arg16[%swap3A_596] {strides = array<i32>} : memref<256xi32, #tpu.memory_space<vmem>>, vector<16xi32>,
          tpu.vector_store %arg16[%swap3A_596], %min3A_595 {strides = array<i32>} : memref<256xi32, #tpu.memory_space<vmem>>, vector<16xi32>,
          %dma_wait3A_598 = arith.constant 0 : i32
          %dma_wait3A_599 = arith.constant 0 : i32
          %dma_wait3A_600 = tpu.memref_slice %arg2[%dma_wait3A_598, %dma_wait3A_599] : memref<300000x128xf32, #tpu.memory_space<hbm>> -> memref<300000x128xf32, #tpu.memory_space<hbm>>
          tpu.wait_indirect_dma semaphore(%arg19 : memref<!tpu.dma_semaphore, #tpu.memory_space<semaphore_mem>>) src(%dma_wait3A_600 : memref<300000x128xf32, #tpu.memory_space<hbm>>) dst(%arg18 : memref<256x128xf32, #tpu.memory_space<vmem>>)
          "tpu.region"() ({
            %run_scoped3A = tpu.sem_alloc : memref<!tpu.dma_semaphore, #tpu.memory_space<semaphore_mem>>
            %dma_start3A_602 = arith.constant 0 : i32
            %dma_start3A_603 = arith.constant 0 : i32
            %dma_start3A_604 = tpu.memref_slice %arg8[%dma_start3A_602, %dma_start3A_603] : memref<8968x128xf32, #tpu.memory_space<vmem_shared>> -> memref<8968x128xf32, #tpu.memory_space<vmem_shared>>
            tpu.enqueue_indirect_dma source(%arg18 : memref<256x128xf32, #tpu.memory_space<vmem>>) target(%dma_start3A_604 : memref<8968x128xf32, #tpu.memory_space<vmem_shared>>) offsets(%arg16 : memref<256xi32, #tpu.memory_space<vmem>>) semaphore(%run_scoped3A : memref<!tpu.dma_semaphore, #tpu.memory_space<semaphore_mem>>) {add = true}
            %dma_wait3A_605 = arith.constant 0 : i32
            %dma_wait3A_606 = arith.constant 0 : i32
            %dma_wait3A_607 = tpu.memref_slice %arg8[%dma_wait3A_605, %dma_wait3A_606] : memref<8968x128xf32, #tpu.memory_space<vmem_shared>> -> memref<8968x128xf32, #tpu.memory_space<vmem_shared>>
            tpu.wait_indirect_dma semaphore(%run_scoped3A : memref<!tpu.dma_semaphore, #tpu.memory_space<semaphore_mem>>) src(%arg18 : memref<256x128xf32, #tpu.memory_space<vmem>>) dst(%dma_wait3A_607 : memref<8968x128xf32, #tpu.memory_space<vmem_shared>>)
            tpu.yield
          }) : () -> ()
          %while3A_601 = arith.constant 0 : i32
          scf.yield %while3A_601 : i32
        }
        %while3A_206 = arith.constant 1 : i32
        %while3A_207 = scf.for %while3A_209 = %while3A_203 to %while3A_199 step %while3A_206 iter_args(%while3A_210 = %while3A_205) -> (i32)  : i32 {
          %mul3A_211 = arith.constant 256 : i32
          %mul3A_212 = arith.muli %while3A_209, %mul3A_211 : i32
          %add3A_213 = arith.constant 0 : i32
          %add3A_214 = arith.addi %mul3A_212, %add3A_213 : i32
          %get3A = arith.index_cast %add3A_214 : i32 to index
          %get3A_215 = tpu.vector_load %arg12[%get3A] {strides = array<i32>} : memref<5120xi32, #tpu.memory_space<vmem>>, vector<16xi32>,
          %jit3A_216 = arith.constant 0 : i32
          %jit3A_217 = arith.constant 299999 : i32
          %max3A = vector.broadcast %jit3A_216 : i32 to vector<16xi32>
          %max3A_218 = arith.maxsi %max3A, %get3A_215 : vector<16xi32>
          %min3A_219 = vector.broadcast %jit3A_217 : i32 to vector<16xi32>
          %min3A_220 = arith.minsi %min3A_219, %max3A_218 : vector<16xi32>
          %swap3A_221 = arith.constant 0 : index
          %swap3A_222 = tpu.vector_load %arg14[%swap3A_221] {strides = array<i32>} : memref<256xi32, #tpu.memory_space<vmem>>, vector<16xi32>,
          tpu.vector_store %arg14[%swap3A_221], %min3A_220 {strides = array<i32>} : memref<256xi32, #tpu.memory_space<vmem>>, vector<16xi32>,
          %add3A_223 = arith.constant 16 : i32
          %add3A_224 = arith.addi %mul3A_212, %add3A_223 : i32
          %get3A_225 = arith.index_cast %add3A_224 : i32 to index
          %get3A_226 = tpu.vector_load %arg12[%get3A_225] {strides = array<i32>} : memref<5120xi32, #tpu.memory_space<vmem>>, vector<16xi32>,
          %jit3A_227 = arith.constant 0 : i32
          %jit3A_228 = arith.constant 299999 : i32
          %max3A_229 = vector.broadcast %jit3A_227 : i32 to vector<16xi32>
          %max3A_230 = arith.maxsi %max3A_229, %get3A_226 : vector<16xi32>
          %min3A_231 = vector.broadcast %jit3A_228 : i32 to vector<16xi32>
          %min3A_232 = arith.minsi %min3A_231, %max3A_230 : vector<16xi32>
          %swap3A_233 = arith.constant 16 : index
          %swap3A_234 = tpu.vector_load %arg14[%swap3A_233] {strides = array<i32>} : memref<256xi32, #tpu.memory_space<vmem>>, vector<16xi32>,
          tpu.vector_store %arg14[%swap3A_233], %min3A_232 {strides = array<i32>} : memref<256xi32, #tpu.memory_space<vmem>>, vector<16xi32>,
          %add3A_235 = arith.constant 32 : i32
          %add3A_236 = arith.addi %mul3A_212, %add3A_235 : i32
          %get3A_237 = arith.index_cast %add3A_236 : i32 to index
          %get3A_238 = tpu.vector_load %arg12[%get3A_237] {strides = array<i32>} : memref<5120xi32, #tpu.memory_space<vmem>>, vector<16xi32>,
          %jit3A_239 = arith.constant 0 : i32
          %jit3A_240 = arith.constant 299999 : i32
          %max3A_241 = vector.broadcast %jit3A_239 : i32 to vector<16xi32>
          %max3A_242 = arith.maxsi %max3A_241, %get3A_238 : vector<16xi32>
          %min3A_243 = vector.broadcast %jit3A_240 : i32 to vector<16xi32>
          %min3A_244 = arith.minsi %min3A_243, %max3A_242 : vector<16xi32>
          %swap3A_245 = arith.constant 32 : index
          %swap3A_246 = tpu.vector_load %arg14[%swap3A_245] {strides = array<i32>} : memref<256xi32, #tpu.memory_space<vmem>>, vector<16xi32>,
          tpu.vector_store %arg14[%swap3A_245], %min3A_244 {strides = array<i32>} : memref<256xi32, #tpu.memory_space<vmem>>, vector<16xi32>,
          %add3A_247 = arith.constant 48 : i32
          %add3A_248 = arith.addi %mul3A_212, %add3A_247 : i32
          %get3A_249 = arith.index_cast %add3A_248 : i32 to index
          %get3A_250 = tpu.vector_load %arg12[%get3A_249] {strides = array<i32>} : memref<5120xi32, #tpu.memory_space<vmem>>, vector<16xi32>,
          %jit3A_251 = arith.constant 0 : i32
          %jit3A_252 = arith.constant 299999 : i32
          %max3A_253 = vector.broadcast %jit3A_251 : i32 to vector<16xi32>
          %max3A_254 = arith.maxsi %max3A_253, %get3A_250 : vector<16xi32>
          %min3A_255 = vector.broadcast %jit3A_252 : i32 to vector<16xi32>
          %min3A_256 = arith.minsi %min3A_255, %max3A_254 : vector<16xi32>
          %swap3A_257 = arith.constant 48 : index
          %swap3A_258 = tpu.vector_load %arg14[%swap3A_257] {strides = array<i32>} : memref<256xi32, #tpu.memory_space<vmem>>, vector<16xi32>,
          tpu.vector_store %arg14[%swap3A_257], %min3A_256 {strides = array<i32>} : memref<256xi32, #tpu.memory_space<vmem>>, vector<16xi32>,
          %add3A_259 = arith.constant 64 : i32
          %add3A_260 = arith.addi %mul3A_212, %add3A_259 : i32
          %get3A_261 = arith.index_cast %add3A_260 : i32 to index
          %get3A_262 = tpu.vector_load %arg12[%get3A_261] {strides = array<i32>} : memref<5120xi32, #tpu.memory_space<vmem>>, vector<16xi32>,
          %jit3A_263 = arith.constant 0 : i32
          %jit3A_264 = arith.constant 299999 : i32
          %max3A_265 = vector.broadcast %jit3A_263 : i32 to vector<16xi32>
          %max3A_266 = arith.maxsi %max3A_265, %get3A_262 : vector<16xi32>
          %min3A_267 = vector.broadcast %jit3A_264 : i32 to vector<16xi32>
          %min3A_268 = arith.minsi %min3A_267, %max3A_266 : vector<16xi32>
          %swap3A_269 = arith.constant 64 : index
          %swap3A_270 = tpu.vector_load %arg14[%swap3A_269] {strides = array<i32>} : memref<256xi32, #tpu.memory_space<vmem>>, vector<16xi32>,
          tpu.vector_store %arg14[%swap3A_269], %min3A_268 {strides = array<i32>} : memref<256xi32, #tpu.memory_space<vmem>>, vector<16xi32>,
          %add3A_271 = arith.constant 80 : i32
          %add3A_272 = arith.addi %mul3A_212, %add3A_271 : i32
          %get3A_273 = arith.index_cast %add3A_272 : i32 to index
          %get3A_274 = tpu.vector_load %arg12[%get3A_273] {strides = array<i32>} : memref<5120xi32, #tpu.memory_space<vmem>>, vector<16xi32>,
          %jit3A_275 = arith.constant 0 : i32
          %jit3A_276 = arith.constant 299999 : i32
          %max3A_277 = vector.broadcast %jit3A_275 : i32 to vector<16xi32>
          %max3A_278 = arith.maxsi %max3A_277, %get3A_274 : vector<16xi32>
          %min3A_279 = vector.broadcast %jit3A_276 : i32 to vector<16xi32>
          %min3A_280 = arith.minsi %min3A_279, %max3A_278 : vector<16xi32>
          %swap3A_281 = arith.constant 80 : index
          %swap3A_282 = tpu.vector_load %arg14[%swap3A_281] {strides = array<i32>} : memref<256xi32, #tpu.memory_space<vmem>>, vector<16xi32>,
          tpu.vector_store %arg14[%swap3A_281], %min3A_280 {strides = array<i32>} : memref<256xi32, #tpu.memory_space<vmem>>, vector<16xi32>,
          %add3A_283 = arith.constant 96 : i32
          %add3A_284 = arith.addi %mul3A_212, %add3A_283 : i32
          %get3A_285 = arith.index_cast %add3A_284 : i32 to index
          %get3A_286 = tpu.vector_load %arg12[%get3A_285] {strides = array<i32>} : memref<5120xi32, #tpu.memory_space<vmem>>, vector<16xi32>,
          %jit3A_287 = arith.constant 0 : i32
          %jit3A_288 = arith.constant 299999 : i32
          %max3A_289 = vector.broadcast %jit3A_287 : i32 to vector<16xi32>
          %max3A_290 = arith.maxsi %max3A_289, %get3A_286 : vector<16xi32>
          %min3A_291 = vector.broadcast %jit3A_288 : i32 to vector<16xi32>
          %min3A_292 = arith.minsi %min3A_291, %max3A_290 : vector<16xi32>
          %swap3A_293 = arith.constant 96 : index
          %swap3A_294 = tpu.vector_load %arg14[%swap3A_293] {strides = array<i32>} : memref<256xi32, #tpu.memory_space<vmem>>, vector<16xi32>,
          tpu.vector_store %arg14[%swap3A_293], %min3A_292 {strides = array<i32>} : memref<256xi32, #tpu.memory_space<vmem>>, vector<16xi32>,
          %add3A_295 = arith.constant 112 : i32
          %add3A_296 = arith.addi %mul3A_212, %add3A_295 : i32
          %get3A_297 = arith.index_cast %add3A_296 : i32 to index
          %get3A_298 = tpu.vector_load %arg12[%get3A_297] {strides = array<i32>} : memref<5120xi32, #tpu.memory_space<vmem>>, vector<16xi32>,
          %jit3A_299 = arith.constant 0 : i32
          %jit3A_300 = arith.constant 299999 : i32
          %max3A_301 = vector.broadcast %jit3A_299 : i32 to vector<16xi32>
          %max3A_302 = arith.maxsi %max3A_301, %get3A_298 : vector<16xi32>
          %min3A_303 = vector.broadcast %jit3A_300 : i32 to vector<16xi32>
          %min3A_304 = arith.minsi %min3A_303, %max3A_302 : vector<16xi32>
          %swap3A_305 = arith.constant 112 : index
          %swap3A_306 = tpu.vector_load %arg14[%swap3A_305] {strides = array<i32>} : memref<256xi32, #tpu.memory_space<vmem>>, vector<16xi32>,
          tpu.vector_store %arg14[%swap3A_305], %min3A_304 {strides = array<i32>} : memref<256xi32, #tpu.memory_space<vmem>>, vector<16xi32>,
          %add3A_307 = arith.constant 128 : i32
          %add3A_308 = arith.addi %mul3A_212, %add3A_307 : i32
          %get3A_309 = arith.index_cast %add3A_308 : i32 to index
          %get3A_310 = tpu.vector_load %arg12[%get3A_309] {strides = array<i32>} : memref<5120xi32, #tpu.memory_space<vmem>>, vector<16xi32>,
          %jit3A_311 = arith.constant 0 : i32
          %jit3A_312 = arith.constant 299999 : i32
          %max3A_313 = vector.broadcast %jit3A_311 : i32 to vector<16xi32>
          %max3A_314 = arith.maxsi %max3A_313, %get3A_310 : vector<16xi32>
          %min3A_315 = vector.broadcast %jit3A_312 : i32 to vector<16xi32>
          %min3A_316 = arith.minsi %min3A_315, %max3A_314 : vector<16xi32>
          %swap3A_317 = arith.constant 128 : index
          %swap3A_318 = tpu.vector_load %arg14[%swap3A_317] {strides = array<i32>} : memref<256xi32, #tpu.memory_space<vmem>>, vector<16xi32>,
          tpu.vector_store %arg14[%swap3A_317], %min3A_316 {strides = array<i32>} : memref<256xi32, #tpu.memory_space<vmem>>, vector<16xi32>,
          %add3A_319 = arith.constant 144 : i32
          %add3A_320 = arith.addi %mul3A_212, %add3A_319 : i32
          %get3A_321 = arith.index_cast %add3A_320 : i32 to index
          %get3A_322 = tpu.vector_load %arg12[%get3A_321] {strides = array<i32>} : memref<5120xi32, #tpu.memory_space<vmem>>, vector<16xi32>,
          %jit3A_323 = arith.constant 0 : i32
          %jit3A_324 = arith.constant 299999 : i32
          %max3A_325 = vector.broadcast %jit3A_323 : i32 to vector<16xi32>
          %max3A_326 = arith.maxsi %max3A_325, %get3A_322 : vector<16xi32>
          %min3A_327 = vector.broadcast %jit3A_324 : i32 to vector<16xi32>
          %min3A_328 = arith.minsi %min3A_327, %max3A_326 : vector<16xi32>
          %swap3A_329 = arith.constant 144 : index
          %swap3A_330 = tpu.vector_load %arg14[%swap3A_329] {strides = array<i32>} : memref<256xi32, #tpu.memory_space<vmem>>, vector<16xi32>,
          tpu.vector_store %arg14[%swap3A_329], %min3A_328 {strides = array<i32>} : memref<256xi32, #tpu.memory_space<vmem>>, vector<16xi32>,
          %add3A_331 = arith.constant 160 : i32
          %add3A_332 = arith.addi %mul3A_212, %add3A_331 : i32
          %get3A_333 = arith.index_cast %add3A_332 : i32 to index
          %get3A_334 = tpu.vector_load %arg12[%get3A_333] {strides = array<i32>} : memref<5120xi32, #tpu.memory_space<vmem>>, vector<16xi32>,
          %jit3A_335 = arith.constant 0 : i32
          %jit3A_336 = arith.constant 299999 : i32
          %max3A_337 = vector.broadcast %jit3A_335 : i32 to vector<16xi32>
          %max3A_338 = arith.maxsi %max3A_337, %get3A_334 : vector<16xi32>
          %min3A_339 = vector.broadcast %jit3A_336 : i32 to vector<16xi32>
          %min3A_340 = arith.minsi %min3A_339, %max3A_338 : vector<16xi32>
          %swap3A_341 = arith.constant 160 : index
          %swap3A_342 = tpu.vector_load %arg14[%swap3A_341] {strides = array<i32>} : memref<256xi32, #tpu.memory_space<vmem>>, vector<16xi32>,
          tpu.vector_store %arg14[%swap3A_341], %min3A_340 {strides = array<i32>} : memref<256xi32, #tpu.memory_space<vmem>>, vector<16xi32>,
          %add3A_343 = arith.constant 176 : i32
          %add3A_344 = arith.addi %mul3A_212, %add3A_343 : i32
          %get3A_345 = arith.index_cast %add3A_344 : i32 to index
          %get3A_346 = tpu.vector_load %arg12[%get3A_345] {strides = array<i32>} : memref<5120xi32, #tpu.memory_space<vmem>>, vector<16xi32>,
          %jit3A_347 = arith.constant 0 : i32
          %jit3A_348 = arith.constant 299999 : i32
          %max3A_349 = vector.broadcast %jit3A_347 : i32 to vector<16xi32>
          %max3A_350 = arith.maxsi %max3A_349, %get3A_346 : vector<16xi32>
          %min3A_351 = vector.broadcast %jit3A_348 : i32 to vector<16xi32>
          %min3A_352 = arith.minsi %min3A_351, %max3A_350 : vector<16xi32>
          %swap3A_353 = arith.constant 176 : index
          %swap3A_354 = tpu.vector_load %arg14[%swap3A_353] {strides = array<i32>} : memref<256xi32, #tpu.memory_space<vmem>>, vector<16xi32>,
          tpu.vector_store %arg14[%swap3A_353], %min3A_352 {strides = array<i32>} : memref<256xi32, #tpu.memory_space<vmem>>, vector<16xi32>,
          %add3A_355 = arith.constant 192 : i32
          %add3A_356 = arith.addi %mul3A_212, %add3A_355 : i32
          %get3A_357 = arith.index_cast %add3A_356 : i32 to index
          %get3A_358 = tpu.vector_load %arg12[%get3A_357] {strides = array<i32>} : memref<5120xi32, #tpu.memory_space<vmem>>, vector<16xi32>,
          %jit3A_359 = arith.constant 0 : i32
          %jit3A_360 = arith.constant 299999 : i32
          %max3A_361 = vector.broadcast %jit3A_359 : i32 to vector<16xi32>
          %max3A_362 = arith.maxsi %max3A_361, %get3A_358 : vector<16xi32>
          %min3A_363 = vector.broadcast %jit3A_360 : i32 to vector<16xi32>
          %min3A_364 = arith.minsi %min3A_363, %max3A_362 : vector<16xi32>
          %swap3A_365 = arith.constant 192 : index
          %swap3A_366 = tpu.vector_load %arg14[%swap3A_365] {strides = array<i32>} : memref<256xi32, #tpu.memory_space<vmem>>, vector<16xi32>,
          tpu.vector_store %arg14[%swap3A_365], %min3A_364 {strides = array<i32>} : memref<256xi32, #tpu.memory_space<vmem>>, vector<16xi32>,
          %add3A_367 = arith.constant 208 : i32
          %add3A_368 = arith.addi %mul3A_212, %add3A_367 : i32
          %get3A_369 = arith.index_cast %add3A_368 : i32 to index
          %get3A_370 = tpu.vector_load %arg12[%get3A_369] {strides = array<i32>} : memref<5120xi32, #tpu.memory_space<vmem>>, vector<16xi32>,
          %jit3A_371 = arith.constant 0 : i32
          %jit3A_372 = arith.constant 299999 : i32
          %max3A_373 = vector.broadcast %jit3A_371 : i32 to vector<16xi32>
          %max3A_374 = arith.maxsi %max3A_373, %get3A_370 : vector<16xi32>
          %min3A_375 = vector.broadcast %jit3A_372 : i32 to vector<16xi32>
          %min3A_376 = arith.minsi %min3A_375, %max3A_374 : vector<16xi32>
          %swap3A_377 = arith.constant 208 : index
          %swap3A_378 = tpu.vector_load %arg14[%swap3A_377] {strides = array<i32>} : memref<256xi32, #tpu.memory_space<vmem>>, vector<16xi32>,
          tpu.vector_store %arg14[%swap3A_377], %min3A_376 {strides = array<i32>} : memref<256xi32, #tpu.memory_space<vmem>>, vector<16xi32>,
          %add3A_379 = arith.constant 224 : i32
          %add3A_380 = arith.addi %mul3A_212, %add3A_379 : i32
          %get3A_381 = arith.index_cast %add3A_380 : i32 to index
          %get3A_382 = tpu.vector_load %arg12[%get3A_381] {strides = array<i32>} : memref<5120xi32, #tpu.memory_space<vmem>>, vector<16xi32>,
          %jit3A_383 = arith.constant 0 : i32
          %jit3A_384 = arith.constant 299999 : i32
          %max3A_385 = vector.broadcast %jit3A_383 : i32 to vector<16xi32>
          %max3A_386 = arith.maxsi %max3A_385, %get3A_382 : vector<16xi32>
          %min3A_387 = vector.broadcast %jit3A_384 : i32 to vector<16xi32>
          %min3A_388 = arith.minsi %min3A_387, %max3A_386 : vector<16xi32>
          %swap3A_389 = arith.constant 224 : index
          %swap3A_390 = tpu.vector_load %arg14[%swap3A_389] {strides = array<i32>} : memref<256xi32, #tpu.memory_space<vmem>>, vector<16xi32>,
          tpu.vector_store %arg14[%swap3A_389], %min3A_388 {strides = array<i32>} : memref<256xi32, #tpu.memory_space<vmem>>, vector<16xi32>,
          %add3A_391 = arith.constant 240 : i32
          %add3A_392 = arith.addi %mul3A_212, %add3A_391 : i32
          %get3A_393 = arith.index_cast %add3A_392 : i32 to index
          %get3A_394 = tpu.vector_load %arg12[%get3A_393] {strides = array<i32>} : memref<5120xi32, #tpu.memory_space<vmem>>, vector<16xi32>,
          %jit3A_395 = arith.constant 0 : i32
          %jit3A_396 = arith.constant 299999 : i32
          %max3A_397 = vector.broadcast %jit3A_395 : i32 to vector<16xi32>
          %max3A_398 = arith.maxsi %max3A_397, %get3A_394 : vector<16xi32>
          %min3A_399 = vector.broadcast %jit3A_396 : i32 to vector<16xi32>
          %min3A_400 = arith.minsi %min3A_399, %max3A_398 : vector<16xi32>
          %swap3A_401 = arith.constant 240 : index
          %swap3A_402 = tpu.vector_load %arg14[%swap3A_401] {strides = array<i32>} : memref<256xi32, #tpu.memory_space<vmem>>, vector<16xi32>,
          tpu.vector_store %arg14[%swap3A_401], %min3A_400 {strides = array<i32>} : memref<256xi32, #tpu.memory_space<vmem>>, vector<16xi32>,
          %dma_start3A_403 = arith.constant 0 : i32
          %dma_start3A_404 = arith.constant 0 : i32
          %dma_start3A_405 = tpu.memref_slice %arg2[%dma_start3A_403, %dma_start3A_404] : memref<300000x128xf32, #tpu.memory_space<hbm>> -> memref<300000x128xf32, #tpu.memory_space<hbm>>
          tpu.enqueue_indirect_dma source(%dma_start3A_405 : memref<300000x128xf32, #tpu.memory_space<hbm>>) target(%arg18 : memref<256x128xf32, #tpu.memory_space<vmem>>) offsets(%arg14 : memref<256xi32, #tpu.memory_space<vmem>>) semaphore(%arg19 : memref<!tpu.dma_semaphore, #tpu.memory_space<semaphore_mem>>)
          %add3A_406 = arith.constant 0 : i32
          %add3A_407 = arith.addi %mul3A_212, %add3A_406 : i32
          %get3A_408 = arith.index_cast %add3A_407 : i32 to index
          %get3A_409 = tpu.vector_load %arg13[%get3A_408] {strides = array<i32>} : memref<5120xi32, #tpu.memory_space<vmem>>, vector<16xi32>,
          %jit3A_410 = arith.constant 0 : i32
          %jit3A_411 = arith.constant 8960 : i32
          %max3A_412 = vector.broadcast %jit3A_410 : i32 to vector<16xi32>
          %max3A_413 = arith.maxsi %max3A_412, %get3A_409 : vector<16xi32>
          %min3A_414 = vector.broadcast %jit3A_411 : i32 to vector<16xi32>
          %min3A_415 = arith.minsi %min3A_414, %max3A_413 : vector<16xi32>
          %swap3A_416 = arith.constant 0 : index
          %swap3A_417 = tpu.vector_load %arg16[%swap3A_416] {strides = array<i32>} : memref<256xi32, #tpu.memory_space<vmem>>, vector<16xi32>,
          tpu.vector_store %arg16[%swap3A_416], %min3A_415 {strides = array<i32>} : memref<256xi32, #tpu.memory_space<vmem>>, vector<16xi32>,
          %add3A_418 = arith.constant 16 : i32
          %add3A_419 = arith.addi %mul3A_212, %add3A_418 : i32
          %get3A_420 = arith.index_cast %add3A_419 : i32 to index
          %get3A_421 = tpu.vector_load %arg13[%get3A_420] {strides = array<i32>} : memref<5120xi32, #tpu.memory_space<vmem>>, vector<16xi32>,
          %jit3A_422 = arith.constant 0 : i32
          %jit3A_423 = arith.constant 8960 : i32
          %max3A_424 = vector.broadcast %jit3A_422 : i32 to vector<16xi32>
          %max3A_425 = arith.maxsi %max3A_424, %get3A_421 : vector<16xi32>
          %min3A_426 = vector.broadcast %jit3A_423 : i32 to vector<16xi32>
          %min3A_427 = arith.minsi %min3A_426, %max3A_425 : vector<16xi32>
          %swap3A_428 = arith.constant 16 : index
          %swap3A_429 = tpu.vector_load %arg16[%swap3A_428] {strides = array<i32>} : memref<256xi32, #tpu.memory_space<vmem>>, vector<16xi32>,
          tpu.vector_store %arg16[%swap3A_428], %min3A_427 {strides = array<i32>} : memref<256xi32, #tpu.memory_space<vmem>>, vector<16xi32>,
          %add3A_430 = arith.constant 32 : i32
          %add3A_431 = arith.addi %mul3A_212, %add3A_430 : i32
          %get3A_432 = arith.index_cast %add3A_431 : i32 to index
          %get3A_433 = tpu.vector_load %arg13[%get3A_432] {strides = array<i32>} : memref<5120xi32, #tpu.memory_space<vmem>>, vector<16xi32>,
          %jit3A_434 = arith.constant 0 : i32
          %jit3A_435 = arith.constant 8960 : i32
          %max3A_436 = vector.broadcast %jit3A_434 : i32 to vector<16xi32>
          %max3A_437 = arith.maxsi %max3A_436, %get3A_433 : vector<16xi32>
          %min3A_438 = vector.broadcast %jit3A_435 : i32 to vector<16xi32>
          %min3A_439 = arith.minsi %min3A_438, %max3A_437 : vector<16xi32>
          %swap3A_440 = arith.constant 32 : index
          %swap3A_441 = tpu.vector_load %arg16[%swap3A_440] {strides = array<i32>} : memref<256xi32, #tpu.memory_space<vmem>>, vector<16xi32>,
          tpu.vector_store %arg16[%swap3A_440], %min3A_439 {strides = array<i32>} : memref<256xi32, #tpu.memory_space<vmem>>, vector<16xi32>,
          %add3A_442 = arith.constant 48 : i32
          %add3A_443 = arith.addi %mul3A_212, %add3A_442 : i32
          %get3A_444 = arith.index_cast %add3A_443 : i32 to index
          %get3A_445 = tpu.vector_load %arg13[%get3A_444] {strides = array<i32>} : memref<5120xi32, #tpu.memory_space<vmem>>, vector<16xi32>,
          %jit3A_446 = arith.constant 0 : i32
          %jit3A_447 = arith.constant 8960 : i32
          %max3A_448 = vector.broadcast %jit3A_446 : i32 to vector<16xi32>
          %max3A_449 = arith.maxsi %max3A_448, %get3A_445 : vector<16xi32>
          %min3A_450 = vector.broadcast %jit3A_447 : i32 to vector<16xi32>
          %min3A_451 = arith.minsi %min3A_450, %max3A_449 : vector<16xi32>
          %swap3A_452 = arith.constant 48 : index
          %swap3A_453 = tpu.vector_load %arg16[%swap3A_452] {strides = array<i32>} : memref<256xi32, #tpu.memory_space<vmem>>, vector<16xi32>,
          tpu.vector_store %arg16[%swap3A_452], %min3A_451 {strides = array<i32>} : memref<256xi32, #tpu.memory_space<vmem>>, vector<16xi32>,
          %add3A_454 = arith.constant 64 : i32
          %add3A_455 = arith.addi %mul3A_212, %add3A_454 : i32
          %get3A_456 = arith.index_cast %add3A_455 : i32 to index
          %get3A_457 = tpu.vector_load %arg13[%get3A_456] {strides = array<i32>} : memref<5120xi32, #tpu.memory_space<vmem>>, vector<16xi32>,
          %jit3A_458 = arith.constant 0 : i32
          %jit3A_459 = arith.constant 8960 : i32
          %max3A_460 = vector.broadcast %jit3A_458 : i32 to vector<16xi32>
          %max3A_461 = arith.maxsi %max3A_460, %get3A_457 : vector<16xi32>
          %min3A_462 = vector.broadcast %jit3A_459 : i32 to vector<16xi32>
          %min3A_463 = arith.minsi %min3A_462, %max3A_461 : vector<16xi32>
          %swap3A_464 = arith.constant 64 : index
          %swap3A_465 = tpu.vector_load %arg16[%swap3A_464] {strides = array<i32>} : memref<256xi32, #tpu.memory_space<vmem>>, vector<16xi32>,
          tpu.vector_store %arg16[%swap3A_464], %min3A_463 {strides = array<i32>} : memref<256xi32, #tpu.memory_space<vmem>>, vector<16xi32>,
          %add3A_466 = arith.constant 80 : i32
          %add3A_467 = arith.addi %mul3A_212, %add3A_466 : i32
          %get3A_468 = arith.index_cast %add3A_467 : i32 to index
          %get3A_469 = tpu.vector_load %arg13[%get3A_468] {strides = array<i32>} : memref<5120xi32, #tpu.memory_space<vmem>>, vector<16xi32>,
          %jit3A_470 = arith.constant 0 : i32
          %jit3A_471 = arith.constant 8960 : i32
          %max3A_472 = vector.broadcast %jit3A_470 : i32 to vector<16xi32>
          %max3A_473 = arith.maxsi %max3A_472, %get3A_469 : vector<16xi32>
          %min3A_474 = vector.broadcast %jit3A_471 : i32 to vector<16xi32>
          %min3A_475 = arith.minsi %min3A_474, %max3A_473 : vector<16xi32>
          %swap3A_476 = arith.constant 80 : index
          %swap3A_477 = tpu.vector_load %arg16[%swap3A_476] {strides = array<i32>} : memref<256xi32, #tpu.memory_space<vmem>>, vector<16xi32>,
          tpu.vector_store %arg16[%swap3A_476], %min3A_475 {strides = array<i32>} : memref<256xi32, #tpu.memory_space<vmem>>, vector<16xi32>,
          %add3A_478 = arith.constant 96 : i32
          %add3A_479 = arith.addi %mul3A_212, %add3A_478 : i32
          %get3A_480 = arith.index_cast %add3A_479 : i32 to index
          %get3A_481 = tpu.vector_load %arg13[%get3A_480] {strides = array<i32>} : memref<5120xi32, #tpu.memory_space<vmem>>, vector<16xi32>,
          %jit3A_482 = arith.constant 0 : i32
          %jit3A_483 = arith.constant 8960 : i32
          %max3A_484 = vector.broadcast %jit3A_482 : i32 to vector<16xi32>
          %max3A_485 = arith.maxsi %max3A_484, %get3A_481 : vector<16xi32>
          %min3A_486 = vector.broadcast %jit3A_483 : i32 to vector<16xi32>
          %min3A_487 = arith.minsi %min3A_486, %max3A_485 : vector<16xi32>
          %swap3A_488 = arith.constant 96 : index
          %swap3A_489 = tpu.vector_load %arg16[%swap3A_488] {strides = array<i32>} : memref<256xi32, #tpu.memory_space<vmem>>, vector<16xi32>,
          tpu.vector_store %arg16[%swap3A_488], %min3A_487 {strides = array<i32>} : memref<256xi32, #tpu.memory_space<vmem>>, vector<16xi32>,
          %add3A_490 = arith.constant 112 : i32
          %add3A_491 = arith.addi %mul3A_212, %add3A_490 : i32
          %get3A_492 = arith.index_cast %add3A_491 : i32 to index
          %get3A_493 = tpu.vector_load %arg13[%get3A_492] {strides = array<i32>} : memref<5120xi32, #tpu.memory_space<vmem>>, vector<16xi32>,
          %jit3A_494 = arith.constant 0 : i32
          %jit3A_495 = arith.constant 8960 : i32
          %max3A_496 = vector.broadcast %jit3A_494 : i32 to vector<16xi32>
          %max3A_497 = arith.maxsi %max3A_496, %get3A_493 : vector<16xi32>
          %min3A_498 = vector.broadcast %jit3A_495 : i32 to vector<16xi32>
          %min3A_499 = arith.minsi %min3A_498, %max3A_497 : vector<16xi32>
          %swap3A_500 = arith.constant 112 : index
          %swap3A_501 = tpu.vector_load %arg16[%swap3A_500] {strides = array<i32>} : memref<256xi32, #tpu.memory_space<vmem>>, vector<16xi32>,
          tpu.vector_store %arg16[%swap3A_500], %min3A_499 {strides = array<i32>} : memref<256xi32, #tpu.memory_space<vmem>>, vector<16xi32>,
          %add3A_502 = arith.constant 128 : i32
          %add3A_503 = arith.addi %mul3A_212, %add3A_502 : i32
          %get3A_504 = arith.index_cast %add3A_503 : i32 to index
          %get3A_505 = tpu.vector_load %arg13[%get3A_504] {strides = array<i32>} : memref<5120xi32, #tpu.memory_space<vmem>>, vector<16xi32>,
          %jit3A_506 = arith.constant 0 : i32
          %jit3A_507 = arith.constant 8960 : i32
          %max3A_508 = vector.broadcast %jit3A_506 : i32 to vector<16xi32>
          %max3A_509 = arith.maxsi %max3A_508, %get3A_505 : vector<16xi32>
          %min3A_510 = vector.broadcast %jit3A_507 : i32 to vector<16xi32>
          %min3A_511 = arith.minsi %min3A_510, %max3A_509 : vector<16xi32>
          %swap3A_512 = arith.constant 128 : index
          %swap3A_513 = tpu.vector_load %arg16[%swap3A_512] {strides = array<i32>} : memref<256xi32, #tpu.memory_space<vmem>>, vector<16xi32>,
          tpu.vector_store %arg16[%swap3A_512], %min3A_511 {strides = array<i32>} : memref<256xi32, #tpu.memory_space<vmem>>, vector<16xi32>,
          %add3A_514 = arith.constant 144 : i32
          %add3A_515 = arith.addi %mul3A_212, %add3A_514 : i32
          %get3A_516 = arith.index_cast %add3A_515 : i32 to index
          %get3A_517 = tpu.vector_load %arg13[%get3A_516] {strides = array<i32>} : memref<5120xi32, #tpu.memory_space<vmem>>, vector<16xi32>,
          %jit3A_518 = arith.constant 0 : i32
          %jit3A_519 = arith.constant 8960 : i32
          %max3A_520 = vector.broadcast %jit3A_518 : i32 to vector<16xi32>
          %max3A_521 = arith.maxsi %max3A_520, %get3A_517 : vector<16xi32>
          %min3A_522 = vector.broadcast %jit3A_519 : i32 to vector<16xi32>
          %min3A_523 = arith.minsi %min3A_522, %max3A_521 : vector<16xi32>
          %swap3A_524 = arith.constant 144 : index
          %swap3A_525 = tpu.vector_load %arg16[%swap3A_524] {strides = array<i32>} : memref<256xi32, #tpu.memory_space<vmem>>, vector<16xi32>,
          tpu.vector_store %arg16[%swap3A_524], %min3A_523 {strides = array<i32>} : memref<256xi32, #tpu.memory_space<vmem>>, vector<16xi32>,
          %add3A_526 = arith.constant 160 : i32
          %add3A_527 = arith.addi %mul3A_212, %add3A_526 : i32
          %get3A_528 = arith.index_cast %add3A_527 : i32 to index
          %get3A_529 = tpu.vector_load %arg13[%get3A_528] {strides = array<i32>} : memref<5120xi32, #tpu.memory_space<vmem>>, vector<16xi32>,
          %jit3A_530 = arith.constant 0 : i32
          %jit3A_531 = arith.constant 8960 : i32
          %max3A_532 = vector.broadcast %jit3A_530 : i32 to vector<16xi32>
          %max3A_533 = arith.maxsi %max3A_532, %get3A_529 : vector<16xi32>
          %min3A_534 = vector.broadcast %jit3A_531 : i32 to vector<16xi32>
          %min3A_535 = arith.minsi %min3A_534, %max3A_533 : vector<16xi32>
          %swap3A_536 = arith.constant 160 : index
          %swap3A_537 = tpu.vector_load %arg16[%swap3A_536] {strides = array<i32>} : memref<256xi32, #tpu.memory_space<vmem>>, vector<16xi32>,
          tpu.vector_store %arg16[%swap3A_536], %min3A_535 {strides = array<i32>} : memref<256xi32, #tpu.memory_space<vmem>>, vector<16xi32>,
          %add3A_538 = arith.constant 176 : i32
          %add3A_539 = arith.addi %mul3A_212, %add3A_538 : i32
          %get3A_540 = arith.index_cast %add3A_539 : i32 to index
          %get3A_541 = tpu.vector_load %arg13[%get3A_540] {strides = array<i32>} : memref<5120xi32, #tpu.memory_space<vmem>>, vector<16xi32>,
          %jit3A_542 = arith.constant 0 : i32
          %jit3A_543 = arith.constant 8960 : i32
          %max3A_544 = vector.broadcast %jit3A_542 : i32 to vector<16xi32>
          %max3A_545 = arith.maxsi %max3A_544, %get3A_541 : vector<16xi32>
          %min3A_546 = vector.broadcast %jit3A_543 : i32 to vector<16xi32>
          %min3A_547 = arith.minsi %min3A_546, %max3A_545 : vector<16xi32>
          %swap3A_548 = arith.constant 176 : index
          %swap3A_549 = tpu.vector_load %arg16[%swap3A_548] {strides = array<i32>} : memref<256xi32, #tpu.memory_space<vmem>>, vector<16xi32>,
          tpu.vector_store %arg16[%swap3A_548], %min3A_547 {strides = array<i32>} : memref<256xi32, #tpu.memory_space<vmem>>, vector<16xi32>,
          %add3A_550 = arith.constant 192 : i32
          %add3A_551 = arith.addi %mul3A_212, %add3A_550 : i32
          %get3A_552 = arith.index_cast %add3A_551 : i32 to index
          %get3A_553 = tpu.vector_load %arg13[%get3A_552] {strides = array<i32>} : memref<5120xi32, #tpu.memory_space<vmem>>, vector<16xi32>,
          %jit3A_554 = arith.constant 0 : i32
          %jit3A_555 = arith.constant 8960 : i32
          %max3A_556 = vector.broadcast %jit3A_554 : i32 to vector<16xi32>
          %max3A_557 = arith.maxsi %max3A_556, %get3A_553 : vector<16xi32>
          %min3A_558 = vector.broadcast %jit3A_555 : i32 to vector<16xi32>
          %min3A_559 = arith.minsi %min3A_558, %max3A_557 : vector<16xi32>
          %swap3A_560 = arith.constant 192 : index
          %swap3A_561 = tpu.vector_load %arg16[%swap3A_560] {strides = array<i32>} : memref<256xi32, #tpu.memory_space<vmem>>, vector<16xi32>,
          tpu.vector_store %arg16[%swap3A_560], %min3A_559 {strides = array<i32>} : memref<256xi32, #tpu.memory_space<vmem>>, vector<16xi32>,
          %add3A_562 = arith.constant 208 : i32
          %add3A_563 = arith.addi %mul3A_212, %add3A_562 : i32
          %get3A_564 = arith.index_cast %add3A_563 : i32 to index
          %get3A_565 = tpu.vector_load %arg13[%get3A_564] {strides = array<i32>} : memref<5120xi32, #tpu.memory_space<vmem>>, vector<16xi32>,
          %jit3A_566 = arith.constant 0 : i32
          %jit3A_567 = arith.constant 8960 : i32
          %max3A_568 = vector.broadcast %jit3A_566 : i32 to vector<16xi32>
          %max3A_569 = arith.maxsi %max3A_568, %get3A_565 : vector<16xi32>
          %min3A_570 = vector.broadcast %jit3A_567 : i32 to vector<16xi32>
          %min3A_571 = arith.minsi %min3A_570, %max3A_569 : vector<16xi32>
          %swap3A_572 = arith.constant 208 : index
          %swap3A_573 = tpu.vector_load %arg16[%swap3A_572] {strides = array<i32>} : memref<256xi32, #tpu.memory_space<vmem>>, vector<16xi32>,
          tpu.vector_store %arg16[%swap3A_572], %min3A_571 {strides = array<i32>} : memref<256xi32, #tpu.memory_space<vmem>>, vector<16xi32>,
          %add3A_574 = arith.constant 224 : i32
          %add3A_575 = arith.addi %mul3A_212, %add3A_574 : i32
          %get3A_576 = arith.index_cast %add3A_575 : i32 to index
          %get3A_577 = tpu.vector_load %arg13[%get3A_576] {strides = array<i32>} : memref<5120xi32, #tpu.memory_space<vmem>>, vector<16xi32>,
          %jit3A_578 = arith.constant 0 : i32
          %jit3A_579 = arith.constant 8960 : i32
          %max3A_580 = vector.broadcast %jit3A_578 : i32 to vector<16xi32>
          %max3A_581 = arith.maxsi %max3A_580, %get3A_577 : vector<16xi32>
          %min3A_582 = vector.broadcast %jit3A_579 : i32 to vector<16xi32>
          %min3A_583 = arith.minsi %min3A_582, %max3A_581 : vector<16xi32>
          %swap3A_584 = arith.constant 224 : index
          %swap3A_585 = tpu.vector_load %arg16[%swap3A_584] {strides = array<i32>} : memref<256xi32, #tpu.memory_space<vmem>>, vector<16xi32>,
          tpu.vector_store %arg16[%swap3A_584], %min3A_583 {strides = array<i32>} : memref<256xi32, #tpu.memory_space<vmem>>, vector<16xi32>,
          %add3A_586 = arith.constant 240 : i32
          %add3A_587 = arith.addi %mul3A_212, %add3A_586 : i32
          %get3A_588 = arith.index_cast %add3A_587 : i32 to index
          %get3A_589 = tpu.vector_load %arg13[%get3A_588] {strides = array<i32>} : memref<5120xi32, #tpu.memory_space<vmem>>, vector<16xi32>,
          %jit3A_590 = arith.constant 0 : i32
          %jit3A_591 = arith.constant 8960 : i32
          %max3A_592 = vector.broadcast %jit3A_590 : i32 to vector<16xi32>
          %max3A_593 = arith.maxsi %max3A_592, %get3A_589 : vector<16xi32>
          %min3A_594 = vector.broadcast %jit3A_591 : i32 to vector<16xi32>
          %min3A_595 = arith.minsi %min3A_594, %max3A_593 : vector<16xi32>
          %swap3A_596 = arith.constant 240 : index
          %swap3A_597 = tpu.vector_load %arg16[%swap3A_596] {strides = array<i32>} : memref<256xi32, #tpu.memory_space<vmem>>, vector<16xi32>,
          tpu.vector_store %arg16[%swap3A_596], %min3A_595 {strides = array<i32>} : memref<256xi32, #tpu.memory_space<vmem>>, vector<16xi32>,
          %dma_wait3A_598 = arith.constant 0 : i32
          %dma_wait3A_599 = arith.constant 0 : i32
          %dma_wait3A_600 = tpu.memref_slice %arg2[%dma_wait3A_598, %dma_wait3A_599] : memref<300000x128xf32, #tpu.memory_space<hbm>> -> memref<300000x128xf32, #tpu.memory_space<hbm>>
          tpu.wait_indirect_dma semaphore(%arg19 : memref<!tpu.dma_semaphore, #tpu.memory_space<semaphore_mem>>) src(%dma_wait3A_600 : memref<300000x128xf32, #tpu.memory_space<hbm>>) dst(%arg18 : memref<256x128xf32, #tpu.memory_space<vmem>>)
          "tpu.region"() ({
            %run_scoped3A = tpu.sem_alloc : memref<!tpu.dma_semaphore, #tpu.memory_space<semaphore_mem>>
            %dma_start3A_602 = arith.constant 0 : i32
            %dma_start3A_603 = arith.constant 0 : i32
            %dma_start3A_604 = tpu.memref_slice %arg8[%dma_start3A_602, %dma_start3A_603] : memref<8968x128xf32, #tpu.memory_space<vmem_shared>> -> memref<8968x128xf32, #tpu.memory_space<vmem_shared>>
            tpu.enqueue_indirect_dma source(%arg18 : memref<256x128xf32, #tpu.memory_space<vmem>>) target(%dma_start3A_604 : memref<8968x128xf32, #tpu.memory_space<vmem_shared>>) offsets(%arg16 : memref<256xi32, #tpu.memory_space<vmem>>) semaphore(%run_scoped3A : memref<!tpu.dma_semaphore, #tpu.memory_space<semaphore_mem>>) {add = true}
            %dma_wait3A_605 = arith.constant 0 : i32
            %dma_wait3A_606 = arith.constant 0 : i32
            %dma_wait3A_607 = tpu.memref_slice %arg8[%dma_wait3A_605, %dma_wait3A_606] : memref<8968x128xf32, #tpu.memory_space<vmem_shared>> -> memref<8968x128xf32, #tpu.memory_space<vmem_shared>>
            tpu.wait_indirect_dma semaphore(%run_scoped3A : memref<!tpu.dma_semaphore, #tpu.memory_space<semaphore_mem>>) src(%arg18 : memref<256x128xf32, #tpu.memory_space<vmem>>) dst(%dma_wait3A_607 : memref<8968x128xf32, #tpu.memory_space<vmem_shared>>)
            tpu.yield
          }) : () -> ()
          %while3A_601 = arith.constant 0 : i32
          scf.yield %while3A_601 : i32
        }
        %scan3A_208 = arith.constant 0 : i32
        scf.yield %scan3A_208 : i32
      }
      %scan3A_23 = arith.constant 4 : i32
      %barrier3A_24 = arith.constant 0 : index
      tpu.barrier barrier_id(%barrier3A_24)
      %add3A_25 = arith.addi %add3A, %mul3A_0 : i32
      "tpu.region"() ({
        %run_scoped3A = tpu.sem_alloc : memref<!tpu.dma_semaphore, #tpu.memory_space<semaphore_mem>>
        %dma_start3A = arith.constant 0 : i32
        %dma_start3A_28 = tpu.memref_slice %arg7[%add3A_25, %dma_start3A] : memref<100000x128xf32, #tpu.memory_space<hbm>> -> memref<560x128xf32, #tpu.memory_space<hbm>>
        %dma_start3A_29 = arith.constant 0 : i32
        %dma_start3A_30 = tpu.memref_slice %arg8[%mul3A_0, %dma_start3A_29] : memref<8968x128xf32, #tpu.memory_space<vmem_shared>> -> memref<560x128xf32, #tpu.memory_space<vmem_shared>>
        tpu.enqueue_dma source(%dma_start3A_30 : memref<560x128xf32, #tpu.memory_space<vmem_shared>>) target(%dma_start3A_28 : memref<560x128xf32, #tpu.memory_space<hbm>>) target_semaphore(%run_scoped3A : memref<!tpu.dma_semaphore, #tpu.memory_space<semaphore_mem>>)
        %dma_wait3A = arith.constant 0 : i32
        %dma_wait3A_31 = tpu.memref_slice %arg7[%add3A_25, %dma_wait3A] : memref<100000x128xf32, #tpu.memory_space<hbm>> -> memref<560x128xf32, #tpu.memory_space<hbm>>
        %dma_wait3A_32 = arith.constant 0 : i32
        %dma_wait3A_33 = tpu.memref_slice %arg8[%mul3A_0, %dma_wait3A_32] : memref<8968x128xf32, #tpu.memory_space<vmem_shared>> -> memref<560x128xf32, #tpu.memory_space<vmem_shared>>
        tpu.wait_dma2 semaphore(%run_scoped3A : memref<!tpu.dma_semaphore, #tpu.memory_space<semaphore_mem>>) src(%dma_wait3A_33 : memref<560x128xf32, #tpu.memory_space<vmem_shared>>) dst(%dma_wait3A_31 : memref<560x128xf32, #tpu.memory_space<hbm>>)
        tpu.yield
      }) : () -> ()
      "tpu.region"() ({
        %run_scoped3A = tpu.sem_alloc : memref<!tpu.dma_semaphore, #tpu.memory_space<semaphore_mem>>
        %dma_start3A = arith.constant 0 : i32
        %dma_start3A_28 = tpu.memref_slice %arg8[%mul3A_0, %dma_start3A] : memref<8968x128xf32, #tpu.memory_space<vmem_shared>> -> memref<560x128xf32, #tpu.memory_space<vmem_shared>>
        %dma_start3A_29 = arith.constant 0 : i32
        %dma_start3A_30 = tpu.memref_slice %arg6[%mul3A_0, %dma_start3A_29] : memref<8960x128xf32, #tpu.memory_space<hbm>> -> memref<560x128xf32, #tpu.memory_space<hbm>>
        tpu.enqueue_dma source(%dma_start3A_30 : memref<560x128xf32, #tpu.memory_space<hbm>>) target(%dma_start3A_28 : memref<560x128xf32, #tpu.memory_space<vmem_shared>>) target_semaphore(%run_scoped3A : memref<!tpu.dma_semaphore, #tpu.memory_space<semaphore_mem>>)
        %dma_wait3A = arith.constant 0 : i32
        %dma_wait3A_31 = tpu.memref_slice %arg8[%mul3A_0, %dma_wait3A] : memref<8968x128xf32, #tpu.memory_space<vmem_shared>> -> memref<560x128xf32, #tpu.memory_space<vmem_shared>>
        %dma_wait3A_32 = arith.constant 0 : i32
        %dma_wait3A_33 = tpu.memref_slice %arg6[%mul3A_0, %dma_wait3A_32] : memref<8960x128xf32, #tpu.memory_space<hbm>> -> memref<560x128xf32, #tpu.memory_space<hbm>>
        tpu.wait_dma2 semaphore(%run_scoped3A : memref<!tpu.dma_semaphore, #tpu.memory_space<semaphore_mem>>) src(%dma_wait3A_33 : memref<560x128xf32, #tpu.memory_space<hbm>>) dst(%dma_wait3A_31 : memref<560x128xf32, #tpu.memory_space<vmem_shared>>)
        tpu.yield
      }) : () -> ()
      %barrier3A_26 = arith.constant 0 : index
      tpu.barrier barrier_id(%barrier3A_26)
      %scan3A_27 = arith.constant 0 : i32
      scf.yield %scan3A_27 : i32
    }
    %scan3A_9 = arith.constant 6 : i32
    return
  }
}

module attributes {stable_mosaic.version = 14 : i64} {
  func.func @_mm_body(%arg0: i32, %arg1: memref<1000x128xf32, #tpu.memory_space<vmem>>, %arg2: memref<128x128xf32, #tpu.memory_space<vmem>>, %arg3: memref<1000x128xf32, #tpu.memory_space<vmem>>) attributes {dimension_semantics = [#tpu.dimension_semantics<arbitrary>], iteration_bounds = array<i64: 300>, scalar_prefetch = 0 : i64, scratch_operands = 0 : i64, tpu.core_type = #tpu.core_type<tc>, window_params = [{transform_indices = @transform_0, window_bounds = array<i64: 1000, 128>}, {pipeline_mode = #tpu.pipeline_mode<synchronous>, transform_indices = @transform_1, window_bounds = array<i64: 128, 128>}, {transform_indices = @transform_2, window_bounds = array<i64: 1000, 128>}]} {
    %get3A = arith.constant 0 : index
    %get3A_0 = arith.constant 0 : index
    %get3A_1 = vector.load %arg1[%get3A, %get3A_0] : memref<1000x128xf32, #tpu.memory_space<vmem>>, vector<1000x128xf32>
    %logistic3A = arith.negf %get3A_1 : vector<1000x128xf32>
    %logistic3A_2 = math.exp %logistic3A : vector<1000x128xf32>
    %logistic3A_3 = arith.constant 1.000000e+00 : f32
    %logistic3A_4 = vector.broadcast %logistic3A_3 : f32 to vector<1000x128xf32>
    %logistic3A_5 = arith.addf %logistic3A_4, %logistic3A_2 : vector<1000x128xf32>
    %logistic3A_6 = arith.divf %logistic3A_4, %logistic3A_5 : vector<1000x128xf32>
    %ge3A = arith.constant 150 : i32
    %ge3A_7 = arith.cmpi sge, %arg0, %ge3A : i32
    %jit3A = arith.constant -1.000000e+00 : f32
    %jit3A_8 = arith.constant 1.000000e+00 : f32
    %select_n3A = arith.select %ge3A_7, %jit3A, %jit3A_8 : f32
    %get3A_9 = arith.constant 0 : index
    %get3A_10 = arith.constant 0 : index
    %get3A_11 = vector.load %arg2[%get3A_9, %get3A_10] : memref<128x128xf32, #tpu.memory_space<vmem>>, vector<128x128xf32>
    %dot_general3A = arith.constant dense<0.000000e+00> : vector<1000x128xf32>
    %dot_general3A_12 = tpu.matmul %logistic3A_6, %get3A_11, %dot_general3A {dimension_numbers = #tpu.dot_dimension_numbers<[1], [0], [0], [1], [0, 0, 1, 1], [], []>, transpose_lhs_hint = false} : vector<1000x128xf32>, vector<128x128xf32>, vector<1000x128xf32> -> vector<1000x128xf32>
    %mul3A = vector.broadcast %select_n3A : f32 to vector<1000x128xf32>
    %mul3A_13 = arith.mulf %mul3A, %dot_general3A_12 : vector<1000x128xf32>
    %swap3A = arith.constant 0 : index
    %swap3A_14 = arith.constant 0 : index
    %swap3A_15 = vector.load %arg3[%swap3A, %swap3A_14] : memref<1000x128xf32, #tpu.memory_space<vmem>>, vector<1000x128xf32>
    tpu.vector_store %arg3[%swap3A, %swap3A_14], %mul3A_13 {strides = array<i32>} : memref<1000x128xf32, #tpu.memory_space<vmem>>, vector<1000x128xf32>,
    return
  }
  func.func @transform_0(%arg0: i32) -> (i32, i32) {
    %rem3A = arith.constant 150 : i32
    %rem3A_0 = arith.remsi %arg0, %rem3A : i32
    %c0_i32 = arith.constant 0 : i32
    %c0_i32_1 = arith.constant 0 : i32
    return %rem3A_0, %c0_i32 : i32, i32
  }
  func.func @transform_1(%arg0: i32) -> (i32, i32) {
    %c0_i32 = arith.constant 0 : i32
    %c0_i32_0 = arith.constant 0 : i32
    %c0_i32_1 = arith.constant 0 : i32
    return %c0_i32, %c0_i32_0 : i32, i32
  }
  func.func @transform_2(%arg0: i32) -> (i32, i32) {
    %c0_i32 = arith.constant 0 : i32
    %c0_i32_0 = arith.constant 0 : i32
    return %arg0, %c0_i32 : i32, i32
  }
}

module attributes {stable_mosaic.version = 14 : i64} {
  func.func @_mm_body(%arg0: i32, %arg1: memref<1000x128xf32, #tpu.memory_space<vmem>>, %arg2: memref<128x128xf32, #tpu.memory_space<vmem>>, %arg3: memref<1000x128xf32, #tpu.memory_space<vmem>>) attributes {dimension_semantics = [#tpu.dimension_semantics<arbitrary>], iteration_bounds = array<i64: 200>, scalar_prefetch = 0 : i64, scratch_operands = 0 : i64, tpu.core_type = #tpu.core_type<tc>, window_params = [{transform_indices = @transform_0, window_bounds = array<i64: 1000, 128>}, {pipeline_mode = #tpu.pipeline_mode<synchronous>, transform_indices = @transform_1, window_bounds = array<i64: 128, 128>}, {transform_indices = @transform_2, window_bounds = array<i64: 1000, 128>}]} {
    %get3A = arith.constant 0 : index
    %get3A_0 = arith.constant 0 : index
    %get3A_1 = vector.load %arg1[%get3A, %get3A_0] : memref<1000x128xf32, #tpu.memory_space<vmem>>, vector<1000x128xf32>
    %ge3A = arith.constant 100 : i32
    %ge3A_2 = arith.cmpi sge, %arg0, %ge3A : i32
    %jit3A = arith.constant -1.000000e+00 : f32
    %jit3A_3 = arith.constant 1.000000e+00 : f32
    %select_n3A = arith.select %ge3A_2, %jit3A, %jit3A_3 : f32
    %get3A_4 = arith.constant 0 : index
    %get3A_5 = arith.constant 0 : index
    %get3A_6 = vector.load %arg2[%get3A_4, %get3A_5] : memref<128x128xf32, #tpu.memory_space<vmem>>, vector<128x128xf32>
    %dot_general3A = arith.constant dense<0.000000e+00> : vector<1000x128xf32>
    %dot_general3A_7 = tpu.matmul %get3A_1, %get3A_6, %dot_general3A {dimension_numbers = #tpu.dot_dimension_numbers<[1], [0], [0], [1], [0, 0, 1, 1], [], []>, transpose_lhs_hint = false} : vector<1000x128xf32>, vector<128x128xf32>, vector<1000x128xf32> -> vector<1000x128xf32>
    %mul3A = vector.broadcast %select_n3A : f32 to vector<1000x128xf32>
    %mul3A_8 = arith.mulf %mul3A, %dot_general3A_7 : vector<1000x128xf32>
    %swap3A = arith.constant 0 : index
    %swap3A_9 = arith.constant 0 : index
    %swap3A_10 = vector.load %arg3[%swap3A, %swap3A_9] : memref<1000x128xf32, #tpu.memory_space<vmem>>, vector<1000x128xf32>
    tpu.vector_store %arg3[%swap3A, %swap3A_9], %mul3A_8 {strides = array<i32>} : memref<1000x128xf32, #tpu.memory_space<vmem>>, vector<1000x128xf32>,
    return
  }
  func.func @transform_0(%arg0: i32) -> (i32, i32) {
    %rem3A = arith.constant 100 : i32
    %rem3A_0 = arith.remsi %arg0, %rem3A : i32
    %c0_i32 = arith.constant 0 : i32
    %c0_i32_1 = arith.constant 0 : i32
    return %rem3A_0, %c0_i32 : i32, i32
  }
  func.func @transform_1(%arg0: i32) -> (i32, i32) {
    %c0_i32 = arith.constant 0 : i32
    %c0_i32_0 = arith.constant 0 : i32
    %c0_i32_1 = arith.constant 0 : i32
    return %c0_i32, %c0_i32_0 : i32, i32
  }
  func.func @transform_2(%arg0: i32) -> (i32, i32) {
    %c0_i32 = arith.constant 0 : i32
    %c0_i32_0 = arith.constant 0 : i32
    return %arg0, %c0_i32 : i32, i32
  }
}

module attributes {stable_mosaic.version = 14 : i64} {
  func.func @_lambda_(%arg0: i32, %arg1: memref<1000x128xf32, #tpu.memory_space<vmem>>, %arg2: memref<1000x128xf32, #tpu.memory_space<vmem>>) attributes {dimension_semantics = [#tpu.dimension_semantics<arbitrary>], iteration_bounds = array<i64: 100>, scalar_prefetch = 0 : i64, scratch_operands = 0 : i64, tpu.core_type = #tpu.core_type<tc>, window_params = [{transform_indices = @transform_0, window_bounds = array<i64: 1000, 128>}, {transform_indices = @transform_1, window_bounds = array<i64: 1000, 128>}]} {
    %get3A = arith.constant 0 : index
    %get3A_0 = arith.constant 0 : index
    %get3A_1 = vector.load %arg1[%get3A, %get3A_0] : memref<1000x128xf32, #tpu.memory_space<vmem>>, vector<1000x128xf32>
    %logistic3A = arith.negf %get3A_1 : vector<1000x128xf32>
    %logistic3A_2 = math.exp %logistic3A : vector<1000x128xf32>
    %logistic3A_3 = arith.constant 1.000000e+00 : f32
    %logistic3A_4 = vector.broadcast %logistic3A_3 : f32 to vector<1000x128xf32>
    %logistic3A_5 = arith.addf %logistic3A_4, %logistic3A_2 : vector<1000x128xf32>
    %logistic3A_6 = arith.divf %logistic3A_4, %logistic3A_5 : vector<1000x128xf32>
    %swap3A = arith.constant 0 : index
    %swap3A_7 = arith.constant 0 : index
    %swap3A_8 = vector.load %arg2[%swap3A, %swap3A_7] : memref<1000x128xf32, #tpu.memory_space<vmem>>, vector<1000x128xf32>
    tpu.vector_store %arg2[%swap3A, %swap3A_7], %logistic3A_6 {strides = array<i32>} : memref<1000x128xf32, #tpu.memory_space<vmem>>, vector<1000x128xf32>,
    return
  }
  func.func @transform_0(%arg0: i32) -> (i32, i32) {
    %c0_i32 = arith.constant 0 : i32
    %c0_i32_0 = arith.constant 0 : i32
    return %arg0, %c0_i32 : i32, i32
  }
  func.func @transform_1(%arg0: i32) -> (i32, i32) {
    %c0_i32 = arith.constant 0 : i32
    %c0_i32_0 = arith.constant 0 : i32
    return %arg0, %c0_i32 : i32, i32
  }
}

</mosaic_0001>

<sc_bundles>
// kernel: kernel.10.cloned.1.call-start
scs
__scs_entry_jumppad:
0x0: {  	(pc) =	sbr.rel $0x88, $3  }
0x1: {  	(tag) =	ssettag $0x0;
	lr =	simm.s32 $0x1  }
0x2: {  	[smem:$0x3F9B] =	sst lr;
	_ =	strace $0xD0000000  }
0x3: {  	_ = 	snop  }
0x4: {  	_ = 	snop  }
0x5: {  	_ = 	snop  }
0x6: {  	_ = 	snop  }
0x7: {  	_ = 	snop  }
__scs_overlays_trampoline_lowered:
0x8: {  	[smem:$0x3FAA] =	sst s0  }
0x9: {  	[smem:$0x3FAB] =	sst s1  }
0xa: {  	[smem:$0x3FAC] =	sst s2  }
0xb: {  	[smem:$0x3FAD] =	sst s3  }
0xc: {  	[smem:$0x3FAE] =	sst s4  }
0xd: {  	[smem:$0x3FAF] =	sst s5  }
0xe: {  	[smem:$0x3FB0] =	sst s6  }
0xf: {  	[smem:$0x3FB1] =	sst s7  }
0x10: {  	[smem:$0x3FB2] =	sst s8  }
0x11: {  	[smem:$0x3FB3] =	sst s9;
	s0 =	simm.s32 @!p0 $0x0  }
0x12: {  	s1 =	sld [smem:$0x3F99];
	s0 =	simm.s32 @p0 $0x1  }
0x13: {  	[smem:$0x3FB4] =	sst s0;
	s0 =	simm.s32 @!p1 $0x0  }
0x14: {  	s2 =	sld [smem:$0x3F98];
	s0 =	simm.s32 @p1 $0x1  }
0x15: {  	[smem:$0x3FB5] =	sst s0;
	s0 =	simm.s32 @!p2 $0x0  }
0x16: {  	s3 =	sld [smem:$0x3FDB];
	s0 =	simm.s32 @p2 $0x1  }
0x17: {  	s4 =	simm.s32 $0x1BF5;
	[smem:$0x3FB7] =	sst s0  }
0x18: {  	s0 =	sld [smem:$0x3F9A];
	_ =	swait.ge [sflag:s4], $0x0  }
0x19: {  	s7 =	sld [smem:$0x3F9B]  }
0x1a: {  	s8 =	sadd.s32 $0xFFFFE003, lr  }
0x1b: {  	s9 =	sadd.s32 $0xFFFFFEF7, lr;
	s5 =	simm.s32 $0xFFFFFFFF;
	p2 =	slt.u32 s8, $0xFFFFF086  }
0x1c: {  	p1 =	slt.u32 s9, $0xF7A;
	s5 =	simm.s32 @!p2 $0x0  }
0x1d: {  	s5 =	simm.s32 @p1 $0x1;
	p0 =	seq.s32 s7, s2  }
0x1e: {  	s7 =	smul.u32 @!p0 $0xF7A, s2;
	p2 =	seq.s32 @!p0 s5, $0x0  }
0x1f: {  	s9 =	smul.u32 $0xF7A, s1;
	s8 =	simm.s32 @!p0 $0x1BF5;
	p2 =	por !p2, p0  }
0x20: {  	[sflag:s8] =	ssyncset.s32 @!p0 $0xFFFFF086;
	s6 =	sadd.s32 @!p0 s3, s7;
	s7 =	simm.s32 @!p0 $0x108  }
0x21: {  	s3 =	sadd.s32 s3, s9;
	s6 =	sadd.s32 @!p0 $0x88, s6;
	s7 =	simm.s32 @p2 $0x1082  }
0x22: {  	[simem:s7], [sflag:s8] =	dma.local @!p0 [hbm:s6], $0xF7A  }
0x23: {  	s9 =	sor.u32 $0xD0000000, s2;
	s6 =	simm.s32 $0x108;
	_ =	swait.ge @!p0 [sflag:s8], $0x0  }
0x24: {  	s3 =	sadd.s32 $0x88, s3;
	s6 =	simm.s32 @!p1 $0x1082;
	[sflag:s4] =	ssyncset.s32 $0xFFFFF086  }
0x25: {  	[simem:s6], [sflag:s4] =	dma.local [hbm:s3], $0xF7A  }
0x26: {  	[smem:$0x3F9B] =	sst s1;
	(tag) =	ssettag s2;
	_ =	strace s9  }
0x27: {  	s1 =	sld [smem:$0x3FAB]  }
0x28: {  	s2 =	sld [smem:$0x3FAC]  }
0x29: {  	s4 =	sld [smem:$0x3FAE]  }
0x2a: {  	p0 =	seq.s32 s5, $0x0;
	s5 =	sld [smem:$0x3FAF]  }
0x2b: {  	s6 =	sld [smem:$0x3FB0]  }
0x2c: {  	s7 =	sld [smem:$0x3FB1]  }
0x2d: {  	s3 =	simm.s32 $0x108;
	s8 =	sld [smem:$0x3FB2]  }
0x2e: {  	s3 =	simm.s32 @!p0 $0x1082;
	s9 =	sld [smem:$0x3FB3]  }
0x2f: {  	lr =	sadd.s32 s0, s3;
	s0 =	sld [smem:$0x3FAA]  }
0x30: {  	s3 =	sld [smem:$0x3FAD]  }
0x31: {  	[smem:$0x3FB6] =	sst s10  }
0x32: {  	s10 =	sld [smem:$0x3FB4];
	_ =	sdelay $0x3  }
0x33: {  	p0 =	seq.s32 s10, $0x1;
	s10 =	sld [smem:$0x3FB6];
	_ =	sdelay $0x3  }
0x34: {  	[smem:$0x3FB6] =	sst s10  }
0x35: {  	s10 =	sld [smem:$0x3FB5];
	_ =	sdelay $0x3  }
0x36: {  	p1 =	seq.s32 s10, $0x1;
	s10 =	sld [smem:$0x3FB6];
	_ =	sdelay $0x3  }
0x37: {  	[smem:$0x3FB6] =	sst s10  }
0x38: {  	s10 =	sld [smem:$0x3FB7]  }
0x39: {  	_ = 	snop;
	(pc) =	sbr.ind lr, $3  }
0x3a: {  	_ = 	snop  }
0x3b: {  	_ = 	snop  }
0x3c: {  	p2 =	seq.s32 s10, $0x1;
	s10 =	sld [smem:$0x3FB6]  }
0x3d: {  	_ =	shalt  }
0x3e: {  	_ =	shalt  }
0x3f: {  	_ =	shalt  }
0x40: {  	_ =	shalt  }
0x41: {  	_ =	shalt  }
0x42: {  	_ =	shalt  }
0x43: {  	_ =	shalt  }
0x44: {  	_ =	shalt  }
0x45: {  	_ =	shalt  }
0x46: {  	_ =	shalt  }
0x47: {  	_ =	shalt  }
0x48: {  	_ =	shalt  }
0x49: {  	_ =	shalt  }
0x4a: {  	_ =	shalt  }
0x4b: {  	_ =	shalt  }
0x4c: {  	_ =	shalt  }
0x4d: {  	_ =	shalt  }
0x4e: {  	_ =	shalt  }
0x4f: {  	_ =	shalt  }
0x50: {  	_ =	shalt  }
0x51: {  	_ =	shalt  }
0x52: {  	_ =	shalt  }
0x53: {  	_ =	shalt  }
0x54: {  	_ =	shalt  }
0x55: {  	_ =	shalt  }
0x56: {  	_ =	shalt  }
0x57: {  	_ =	shalt  }
0x58: {  	_ =	shalt  }
0x59: {  	_ =	shalt  }
0x5a: {  	_ =	shalt  }
0x5b: {  	_ =	shalt  }
0x5c: {  	_ =	shalt  }
0x5d: {  	_ =	shalt  }
0x5e: {  	_ =	shalt  }
0x5f: {  	_ =	shalt  }
0x60: {  	_ =	shalt  }
0x61: {  	_ =	shalt  }
0x62: {  	_ =	shalt  }
0x63: {  	_ =	shalt  }
0x64: {  	_ =	shalt  }
0x65: {  	_ =	shalt  }
0x66: {  	_ =	shalt  }
0x67: {  	_ =	shalt  }
0x68: {  	_ =	shalt  }
0x69: {  	_ =	shalt  }
0x6a: {  	_ =	shalt  }
0x6b: {  	_ =	shalt  }
0x6c: {  	_ =	shalt  }
0x6d: {  	_ =	shalt  }
0x6e: {  	_ =	shalt  }
0x6f: {  	_ =	shalt  }
0x70: {  	_ =	shalt  }
0x71: {  	_ =	shalt  }
0x72: {  	_ =	shalt  }
0x73: {  	_ =	shalt  }
0x74: {  	_ =	shalt  }
0x75: {  	_ =	shalt  }
0x76: {  	_ =	shalt  }
0x77: {  	_ =	shalt  }
0x78: {  	_ =	shalt  }
0x79: {  	_ =	shalt  }
0x7a: {  	_ =	shalt  }
0x7b: {  	_ =	shalt  }
0x7c: {  	_ =	shalt  }
0x7d: {  	_ =	shalt  }
0x7e: {  	_ =	shalt  }
0x7f: {  	_ =	shalt  }
0x80: {  	_ =	shalt  }
0x81: {  	_ =	shalt  }
0x82: {  	_ =	shalt  }
0x83: {  	_ =	shalt  }
0x84: {  	_ =	shalt  }
0x85: {  	_ =	shalt  }
0x86: {  	_ =	shalt  }
0x87: {  	_ =	shalt  }
.Lfunc_end0:
.L_simem_size_0:
called_computation.1_lowered:
.L_overlay_start_0:
0x88: {  	s2 =	sld [smem:$0x3FD9]  }
0x89: {  	s3 =	sld [smem:$0x3FFE];
	_ =	sdelay $0x1  }
0x8a: {  	s1 =	srdreg.scid  }
0x8b: {  	s0 =	sand.u32 $0x1, s1  }
0x8c: {  	s17 =	sshll.u32 s0, $0xA;
	s2 =	sadd.s32 s3, s2  }
0x8d: {  	s2 =	sadd.s32 s2, s17  }
0x8e: {  	[smem:$0x3FC2] =	sst s2  }
0x8f: {  	_ = 	snop  }
0x90: {  	s2 =	sld [smem:$0x3FD0];
	(tm) =	ssettm $0x1  }
0x91: {  	s18 =	sld [smem:$0x3FFB];
	_ =	sdelay $0x3  }
0x92: {  	_ =	strace s18  }
0x93: {  	s3 =	sld [smem:$0x3FFC];
	_ =	sdelay $0x3  }
0x94: {  	_ =	strace s3  }
0x95: {  	s3 =	sld [smem:$0x3FFD];
	_ =	sdelay $0x3  }
0x96: {  	_ =	strace s3  }
0x97: {  	_ =	strace $0x8FFFFFFF  }
0x98: {  	s19 =	sld [smem:$0x3FDB];
	_ =	sdelay $0x1  }
0x99: {  	s4 =	simm.s32 $_scs_section_size  }
0x9a: {  	s5 =	simm.s32 $_size__tile_overlayer_lowered;
	s6 =	simm.s32 $_tile_overlayer_lowered  }
0x9b: {  	s22 =	simm.s32 $0x1BFF;
	s21 =	sshll.u32 s6, $0x1;
	s3 =	sadd.s32 s4, s19  }
0x9c: {  	s7 =	simm.s32 $0x0;
	s20 =	sshll.u32 s5, $0x1;
	s5 =	sadd.s32 s21, s3  }
0x9d: {  	[timem:s7], [sflag:s22] =	dma.local [hbm:s5], s20  }
0x9e: {  	_ =	swait.ge [sflag:s22], s20  }
0x9f: {  	s4 =	ssub.s32 $0x0, s20;
	[sflag:s22] =	ssyncset.done $0x0  }
0xa0: {  	[sflag:s22] =	ssyncadd.s32 s4;
	_ =	sdelay $0x1  }
0xa1: {  	s23 =	simm.s32 $0x1B8B  }
0xa2: {  	_ =	swait.ge [sflag:s23], $0x1  }
0xa3: {  	[sflag:s23] =	ssyncset.done $0x0  }
0xa4: {  	s25 =	simm.s32 $0x1B8E;
	s24 =	sld [smem:$0x3FFE];
	[sflag:s23] =	ssyncadd.s32 $0xFFFFFFFF  }
0xa5: {  	s26 =	simm.s32 $execute0_lowered;
	[smem:$0x3FD2] =	sst s25  }
0xa6: {  	s5 =	sshll.u32 s26, $0x1;
	_ =	strace $0x80000049;
	[dreg:$0x1] =	wrdreg $0xFFFFFFFF  }
0xa7: {  	s28 =	simm.s32 $_size_execute0_lowered;
	s3 =	sadd.s32 s3, s5;
	[dreg:$0x0] =	wrdreg $0x0  }
0xa8: {  	s5 =	sshll.u32 s28, $0x1;
	[dreg:$0x2] =	wrdreg s3  }
0xa9: {  	[dreg:$0x3] =	wrdreg s5  }
0xaa: {  	[dreg:$0x4] =	wrdreg $0xC0  }
0xab: {  	_ =	task [dreg:s7], $0x5FFFF  }
0xac: {  	[dreg:$0x1] =	wrdreg $0xFFFFFFFF  }
0xad: {  	[dreg:$0x0] =	wrdreg $0x60  }
0xae: {  	[dreg:$0x2] =	wrdreg s24  }
0xaf: {  	[dreg:$0x3] =	wrdreg s2  }
0xb0: {  	[dreg:$0x4] =	wrdreg $0x0  }
0xb1: {  	[dreg:$0x5] =	wrdreg $0x9  }
0xb2: {  	_ =	task.clear_ibuf [dreg:s7], $0x6FFFF;
	_ =	strace $0x90000049  }
0xb3: {  	s29 =	simm.s32 $0x9;
	_ =	strace $0x8000004B  }
0xb4: {  	_ =	swait.ge [sflag:s29], $0x1  }
0xb5: {  	[sflag:s29] =	ssyncadd.s32 $0xFFFFFFFF  }
0xb6: {  	_ =	strace $0x9000004B  }
0xb7: {  	_ =	sfence  }
0xb8: {  	s30 =	sld [smem:$0x0];
	_ =	sdelay $0x2  }
0xb9: {  	s31 =	sshll.u32 s1, $0xD;
	s1 =	sshrl.u32 s1, $0x2  }
0xba: {  	s3 =	sand.u32 $0x4000, s31;
	s1 =	sadd.s32 s1, s30  }
0xbb: {  	s0 =	sor.u32 s3, s0;
	s1 =	sshll.u32 s1, $0x11  }
0xbc: {  	s0 =	sor.u32 s1, s0  }
0xbd: {  	s0 =	sadd.s32 $0x8F2B, s0  }
0xbe: {  	[sflag:s0] =	ssyncadd.remote.s32 $0x1  }
0xbf: {  	_ =	sfence.sel $0xFFFF  }
0xc0: {  	[dreg:$0x0] =	wrdreg $0xFFFFFFFF;
	(pc) =	sbr.abs _section_cstart, $3  }
0xc1: {  	[dreg:$0x1] =	wrdreg $0xFFFFFFFF  }
0xc2: {  	_ =	task.clear_ibuf [dreg:s7], $0x2FFFF;
	_ =	strace $0x9FFFFFFF  }
0xc3: {  	(tm) =	ssettm $0x7FFFFFFF  }
tec
execute0_lowered:
.L_overlay_start_1:
0x0: {  	(tag) =	ssettag $0x1  }
0x1: {  	s0 =	rddreg [dreg:$0x0]  }
0x2: {  	s3 =	rddreg [dreg:$0x1]  }
0x3: {  	s1 =	rddreg [dreg:$0x2];
	s2 =	simm.s32 $0x0  }
0x4: {  	s7 =	srdreg.scid;
	s15 =	stileid.u32;
	s16 =	simm.s32 $0x4  }
0x5: {  	s17 =	simm.s32 $0x11840;
	s18 =	simm.s32 $0x12AC0;
	s19 =	simm.s32 $0x13D40  }
0x6: {  	s20 =	simm.s32 $0x1;
	s21 =	simm.s32 $0x2;
	s22 =	simm.s32 $0x3  }
0x7: {  	s23 =	simm.s32 $0x100;
	s24 =	simm.s32 $0x177C0;
	s25 =	simm.s32 $0x179C0  }
0x8: {  	s26 =	simm.s32 $0x178C0;
	s30 =	simm.s32 $0x0;
	[smem:$0x7FF] =	sst s2  }
0x9: {  	s4 =	sadd.s32 $0x573E00, s0;
	s5 =	sadd.s32 $0xE00, s0;
	s6 =	sadd.s32 $0xA200, s0  }
0xa: {  	s11 =	sand.u32 $0x1, s7;
	s9 =	smul.u32 $0x46000, s15;
	s7 =	sadd.s32 $0x13600, s0  }
0xb: {  	s8 =	sadd.s32 $0x1CA00, s0;
	s13 =	smul.u32 $0x2300, s15;
	s31 =	sshll.u32 s15, $0x6  }
.Ltmp0:
0xc: {  	_ =	strace $0x8000004A;
	s29 =	ssub.s32 $0x2, s11;
	(pc) =	sbr.rel .LBB2_1-.Ltmp0, $4  }
0xd: {  	s11 =	smul.u32 $0xC350, s11;
	s10 =	sshrl.u32 s29, $0x1;
	s12 =	sshrl.u32 s9, $0x2  }
0xe: {  	s9 =	smul.u32 $0x230, s15;
	s0 =	ssub.s32 s29, s10;
	s14 =	sadd.s32 s12, s1  }
0xf: {  	v1 =	vlaneseq.u32;
	v2 =	vimm.s32 $0x0;
	s10 =	sadd.s32 s3, s13;
	s12 =	sor.u32 $0x1C04, s31;
	s0 =	smax.u32 s0, $0x1  }
0x10: {  	v3 =	vimm.s32 $0x2300;
	v0 =	vor.u32 $0x80000010, v1;
	v1 =	vor.u32 $0x80000000, v1;
	s13 =	smul.u32 $0x4940, s15;
	s15 =	sshrl.u32 s14, $0x3;
	[dreg:$0x5] =	wrdreg s0  }
.LBB2_10:
0x11: {  	s2 =	rddreg [dreg:$0x4]  }
0x12: {  	s0 =	rddreg [dreg:$0x5];
	s2 =	sadd.s32 $0x1, s2  }
0x13: {  	p0 =	sne.s32 s2, s0  }
.Ltmp1:
0x14: {  	_ = 	snop;
	(pc) =	sbr.rel @!p0 .LBB2_11-.Ltmp1, $1  }
0x15: {  	_ =	sdelay $0x3  }
.LBB2_1:
0x16: {  	[dreg:$0x4] =	wrdreg s2  }
0x17: {  	[spmem:s15], [sflag:s12] =	dma.local [hbm:s10], $0x2300  }
.Ltmp2:
0x18: {  	_ =	swait.ge [sflag:s16], $0x2300;
	(pc) =	sbr.rel .LBB2_2-.Ltmp2, $4  }
0x19: {  	[sflag:s16] =	ssyncset.done $0x0  }
0x1a: {  	[sflag:s16] =	ssyncadd.s32 $0xFFFFDD00  }
0x1b: {  	[bflag:$0x0] =	sbarrier.arrive $0xFFFF  }
0x1c: {  	s28 =	simm.s32 $0x0  }
.LBB2_9:
0x1d: {  	s0 =	sadd.s32 s9, s29  }
0x1e: {  	s0 =	sshll.u32 s0, $0x4  }
0x1f: {  	[bflag:$0x0] =	sbarrier.arrive $0xFFFF;
	s0 =	sadd.s32 s8, s0  }
0x20: {  	[hbm:s0], [sflag:s12] =	dma.local [spmem:s15], $0x2300  }
0x21: {  	_ =	swait.ge [sflag:s16], $0x2300  }
0x22: {  	s28 =	sadd.s32 $0x1, s28;
	[sflag:s16] =	ssyncset.done $0x0  }
0x23: {  	p0 =	sne.s32 s28, $0x6;
	[sflag:s16] =	ssyncadd.s32 $0xFFFFDD00  }
0x24: {  	[spmem:s15], [sflag:s12] =	dma.local [hbm:s10], $0x2300  }
.Ltmp3:
0x25: {  	_ =	swait.ge [sflag:s16], $0x2300;
	(pc) =	sbr.rel @!p0 .LBB2_10-.Ltmp3, $3  }
0x26: {  	[sflag:s16] =	ssyncset.done $0x0  }
0x27: {  	[sflag:s16] =	ssyncadd.s32 $0xFFFFDD00  }
0x28: {  	[bflag:$0x0] =	sbarrier.arrive $0xFFFF;
	_ =	sdelay $0x1  }
.LBB2_2:
0x29: {  	s0 =	smul.u32 $0x2300, s28  }
.Ltmp4:
0x2a: {  	_ = 	snop;
	(pc) =	sbr.rel .LBB2_3-.Ltmp4, $4  }
0x2b: {  	s0 =	smin.u32 s0, $0xA050  }
0x2c: {  	s29 =	sadd.s32 s11, s0  }
0x2d: {  	s0 =	sadd.s32 $0x2300, s29  }
0x2e: {  	s31 =	simm.s32 $0x0;
	v4 =	vmov s29;
	v5 =	vmov s0  }
.LBB2_8:
0x2f: {  	s31 =	sadd.s32 $0x1, s31  }
0x30: {  	p0 =	sne.s32 s31, $0x4  }
.Ltmp5:
0x31: {  	_ = 	snop;
	(pc) =	sbr.rel @!p0 .LBB2_9-.Ltmp5, $1  }
0x32: {  	_ =	sdelay $0x3  }
.LBB2_3:
0x33: {  	s0 =	smul.u32 $0x1250, s31;
	_ =	sdelay $0x1  }
0x34: {  	s0 =	sadd.s32 s13, s0  }
0x35: {  	s0 =	sshrl.u32 s0, $0x3  }
0x36: {  	s3 =	sadd.s32 s6, s0  }
0x37: {  	[tilespmem:s17], [sflag:$0x1] =	stream.linear.gather [hbm4b:s3+s30], $0x1250, $0x38;
	[tilespmem:$0x1F9C0] =	vst v63  }
0x38: {  	s14 =	sadd.s32 s5, s0  }
0x39: {  	[tilespmem:s18], [sflag:$0x2] =	stream.linear.gather [hbm4b:s14+s30], $0x1250, $0x38;
	[tilespmem:$0x1F9C0] =	vst v63  }
0x3a: {  	s0 =	sadd.s32 s7, s0  }
0x3b: {  	[tilespmem:s19], [sflag:$0x3] =	stream.linear.gather [hbm4b:s0+s30], $0x1250, $0x38;
	[tilespmem:$0x1F9C0] =	vst v63  }
0x3c: {  	_ =	swait.ge [sflag:s20], $0x1250  }
0x3d: {  	[sflag:s20] =	ssyncset.done $0x0  }
0x3e: {  	[sflag:s20] =	ssyncadd.s32 $0xFFFFEDB0  }
0x3f: {  	_ =	swait.ge [sflag:s21], $0x1250  }
0x40: {  	[sflag:s21] =	ssyncset.done $0x0  }
0x41: {  	[sflag:s21] =	ssyncadd.s32 $0xFFFFEDB0  }
0x42: {  	_ =	swait.ge [sflag:s22], $0x1250  }
0x43: {  	[sflag:s22] =	ssyncset.done $0x0  }
0x44: {  	s2 =	simm.s32 $0x0;
	[sflag:s22] =	ssyncadd.s32 $0xFFFFEDB0  }
0x45: {  	v6 =	vld [tilespmem:s2+$0x12AC0]  }
0x46: {  	v7 =	vld [tilespmem:s2+$0x11840]  }
0x47: {  	v8 =	vld [tilespmem:s2+$0x13D40];
	_ =	sdelay $0x3  }
0x48: {  	vm0 =	vge.s32 v7, v4;
	vm1 =	vlt.s32 v7, v5  }
0x49: {  	vm15 =	vgt.f32 v8, $0.0e+00;
	v8 =	vadd.s32 $0x249F0, v6;
	vm0 =	vmand vm0, vm1  }
0x4a: {  	v6 =	vsel vm15, v6, v8;
	v8 =	vsel vm0, v1, v0;
	v9 =	vmpcnt.ones.xlane vm0  }
0x4b: {  	v7 =	vsub.s32 v7, v4;
	(xrf1) =	vsort.ascd.msk.u32 $0xffff, v8, v6  }
0x4c: {  	(xrf1) =	vsort.ascd.msk.u32 $0xffff, v8, v7;
	(v2sf) =	vpush v9, $0x0;
	_ =	sdelay $0xc  }
0x4d: {  	_, v6, _ =	vpop (xrf1)  }
0x4e: {  	[tilespmem:s30+$0x14FC0] =	vst v6;
	_, v6, _ =	vpop (xrf1)  }
0x4f: {  	s14 =	simm.s32 $0x10;
	[tilespmem:s30+$0x163C0] =	vst v6;
	s3 =	spop (v2sf)  }
0x50: {  	v7 =	vld [tilespmem:s14+$0x12AC0];
	s3 =	sadd.s32 $0x0, s3  }
0x51: {  	s0 =	simm.s32 $0x80;
	v6 =	vld [tilespmem:s14+$0x11840];
	p1 =	sgt.s32 s3, $0x0  }
.LBB2_4:
0x52: {  	p0 =	sne.s32 s0, $0x4900  }
0x53: {  	v8 =	vld [tilespmem:s14+$0x13D40];
	s3 =	simm.s32 @!p1 $0x0;
	s14 =	smov.u32 s0;
	s0 =	sadd.s32 $0x40, s0  }
0x54: {  	s3 =	smin.u32 s3, $0x1250;
	_ =	sdelay $0x2  }
0x55: {  	vm0 =	vge.s32 v6, v4;
	vm1 =	vlt.s32 v6, v5  }
0x56: {  	vm0 =	vmand vm0, vm1;
	vm1 =	vgt.f32 v8, $0.0e+00;
	v8 =	vadd.s32 $0x249F0, v7  }
0x57: {  	v7 =	vsel vm1, v7, v8;
	v8 =	vsel vm0, v1, v0;
	v9 =	vmpcnt.ones.xlane vm0  }
0x58: {  	v6 =	vsub.s32 v6, v4;
	(xrf1) =	vsort.ascd.msk.u32 $0xffff, v8, v7  }
0x59: {  	(xrf1) =	vsort.ascd.msk.u32 $0xffff, v8, v6;
	(v2sf) =	vpush v9, $0x0;
	_ =	sdelay $0xc  }
.Ltmp6:
0x5a: {  	_, v6, _ =	vpop (xrf1);
	(pc) =	sbr.rel @p0 .LBB2_4-.Ltmp6, $4  }
0x5b: {  	[tilespmem:s3+$0x14FC0] =	vst v6;
	_, v6, _ =	vpop (xrf1)  }
0x5c: {  	s14 =	sshra.s32 s14, $0x2;
	[tilespmem:s3+$0x163C0] =	vst v6;
	s2 =	spop (v2sf)  }
0x5d: {  	v7 =	vld [tilespmem:s14+$0x12AC0];
	s3 =	sadd.s32 s3, s2  }
0x5e: {  	v6 =	vld [tilespmem:s14+$0x11840];
	p1 =	sgt.s32 s3, $0x0  }
0x5f: {  	_ =	sdelay $0x3  }
0x60: {  	v8 =	vld [tilespmem:s14+$0x13D40];
	vm0 =	vge.s32 v6, v4;
	vm1 =	vlt.s32 v6, v5  }
0x61: {  	vm0 =	vmand vm0, vm1  }
0x62: {  	v9 =	vmpcnt.ones.xlane vm0;
	_ =	sdelay $0x1  }
0x63: {  	(v2sf) =	vpush v9, $0x0  }
0x64: {  	v62 =	vadd.s32 $0x249F0, v7;
	vm15 =	vgt.f32 v8, $0.0e+00  }
0x65: {  	v7 =	vsel vm15, v7, v62;
	v63 =	vsel vm0, v1, v0  }
0x66: {  	v6 =	vsub.s32 v6, v4;
	(xrf1) =	vsort.ascd.msk.u32 $0xffff, v63, v7  }
0x67: {  	(xrf1) =	vsort.ascd.msk.u32 $0xffff, v63, v6;
	_ =	sdelay $0x9  }
0x68: {  	s3 =	simm.s32 @!p1 $0x0  }
0x69: {  	s0 =	smin.u32 s3, $0x1250;
	s2 =	spop (v2sf)  }
0x6a: {  	s2 =	sadd.s32 s0, s2  }
0x6b: {  	_, v6, _ =	vpop (xrf1);
	p0 =	sgt.s32 s2, $0x0  }
0x6c: {  	[tilespmem:s0+$0x14FC0] =	vst v6;
	_, v6, _ =	vpop (xrf1);
	s2 =	simm.s32 @!p0 $0x0  }
0x6d: {  	[tilespmem:s0+$0x163C0] =	vst v6;
	s2 =	smin.u32 s2, $0x1250  }
0x6e: {  	[tilespmem:s2+$0x14FC0] =	vst v2  }
0x6f: {  	[tilespmem:s2+$0x163C0] =	vst v3  }
0x70: {  	[tilespmem:s2+$0x14FD0] =	vst v2  }
0x71: {  	[tilespmem:s2+$0x163D0] =	vst v3  }
0x72: {  	[tilespmem:s2+$0x14FE0] =	vst v2  }
0x73: {  	[tilespmem:s2+$0x163E0] =	vst v3  }
0x74: {  	[tilespmem:s2+$0x14FF0] =	vst v2  }
0x75: {  	[tilespmem:s2+$0x163F0] =	vst v3  }
0x76: {  	[tilespmem:s2+$0x15000] =	vst v2  }
0x77: {  	[tilespmem:s2+$0x16400] =	vst v3  }
0x78: {  	[tilespmem:s2+$0x15010] =	vst v2  }
0x79: {  	[tilespmem:s2+$0x16410] =	vst v3  }
0x7a: {  	[tilespmem:s2+$0x15020] =	vst v2  }
0x7b: {  	[tilespmem:s2+$0x16420] =	vst v3;
	s3 =	sadd.s32 $0x80, s2  }
0x7c: {  	[tilespmem:s2+$0x15030] =	vst v2;
	s14 =	sand.u32 $0x7F, s2;
	s0 =	sand.u32 $0x3F80, s3  }
0x7d: {  	[tilespmem:s2+$0x16430] =	vst v3;
	s0 =	sor.u32 s14, s0  }
0x7e: {  	[tilespmem:s0+$0x14FC0] =	vst v2  }
0x7f: {  	[tilespmem:s0+$0x163C0] =	vst v3  }
0x80: {  	[tilespmem:s2+$0x15050] =	vst v2  }
0x81: {  	[tilespmem:s2+$0x16450] =	vst v3  }
0x82: {  	[tilespmem:s2+$0x15060] =	vst v2  }
0x83: {  	[tilespmem:s2+$0x16460] =	vst v3  }
0x84: {  	[tilespmem:s2+$0x15070] =	vst v2  }
0x85: {  	[tilespmem:s2+$0x16470] =	vst v3  }
0x86: {  	s14 =	sadd.s32 $0xFF, s2;
	[tilespmem:s2+$0x15080] =	vst v2  }
0x87: {  	s0 =	sshrl.u32 s14, $0x8;
	[tilespmem:s2+$0x16480] =	vst v3  }
0x88: {  	[tilespmem:s2+$0x15090] =	vst v2;
	p0 =	seq.s32 s0, $0x0  }
.Ltmp7:
0x89: {  	[tilespmem:s2+$0x16490] =	vst v3;
	(pc) =	sbr.rel @p0 .LBB2_8-.Ltmp7, $4  }
0x8a: {  	[tilespmem:s2+$0x150A0] =	vst v2  }
0x8b: {  	[tilespmem:s2+$0x164A0] =	vst v3  }
0x8c: {  	[tilespmem:s2+$0x150B0] =	vst v2  }
0x8d: {  	[tilespmem:s2+$0x164B0] =	vst v3  }
0x8e: {  	s3 =	simm.s32 $0x16440;
	s14 =	simm.s32 $0x15040  }
.LBB2_7:
0x8f: {  	v6 =	vld [tilespmem:s14+$0xFFFFFF80];
	_ =	sdelay $0x4  }
0x90: {  	vm0 =	vgt.s32 v6, $0x0  }
0x91: {  	v6 =	vnsel vm0, $0x0, v6  }
0x92: {  	v6 =	vmin.u32 v6, $0x493DF  }
0x93: {  	[tilespmem:$0x177C0] =	vst v6  }
0x94: {  	v6 =	vld [tilespmem:s14+$0xFFFFFF90];
	_ =	sdelay $0x4  }
0x95: {  	vm9 =	vgt.s32 v6, $0x0  }
0x96: {  	v6 =	vnsel vm9, $0x0, v6  }
0x97: {  	v6 =	vmin.u32 v6, $0x493DF  }
0x98: {  	[tilespmem:$0x177D0] =	vst v6  }
0x99: {  	v6 =	vld [tilespmem:s14+$0xFFFFFFA0];
	_ =	sdelay $0x4  }
0x9a: {  	vm10 =	vgt.s32 v6, $0x0  }
0x9b: {  	v6 =	vnsel vm10, $0x0, v6  }
0x9c: {  	v6 =	vmin.u32 v6, $0x493DF  }
0x9d: {  	[tilespmem:$0x177E0] =	vst v6  }
0x9e: {  	v6 =	vld [tilespmem:s14+$0xFFFFFFB0];
	_ =	sdelay $0x4  }
0x9f: {  	vm11 =	vgt.s32 v6, $0x0  }
0xa0: {  	v6 =	vnsel vm11, $0x0, v6  }
0xa1: {  	v6 =	vmin.u32 v6, $0x493DF  }
0xa2: {  	[tilespmem:$0x177F0] =	vst v6  }
0xa3: {  	v6 =	vld [tilespmem:s14+$0xFFFFFFC0];
	_ =	sdelay $0x4  }
0xa4: {  	vm12 =	vgt.s32 v6, $0x0  }
0xa5: {  	v6 =	vnsel vm12, $0x0, v6  }
0xa6: {  	v6 =	vmin.u32 v6, $0x493DF  }
0xa7: {  	[tilespmem:$0x17800] =	vst v6  }
0xa8: {  	v6 =	vld [tilespmem:s14+$0xFFFFFFD0];
	_ =	sdelay $0x4  }
0xa9: {  	vm13 =	vgt.s32 v6, $0x0  }
0xaa: {  	v6 =	vnsel vm13, $0x0, v6  }
0xab: {  	v6 =	vmin.u32 v6, $0x493DF  }
0xac: {  	[tilespmem:$0x17810] =	vst v6  }
0xad: {  	v6 =	vld [tilespmem:s14+$0xFFFFFFE0];
	_ =	sdelay $0x4  }
0xae: {  	vm14 =	vgt.s32 v6, $0x0  }
0xaf: {  	v6 =	vnsel vm14, $0x0, v6  }
0xb0: {  	v6 =	vmin.u32 v6, $0x493DF  }
0xb1: {  	[tilespmem:$0x17820] =	vst v6  }
0xb2: {  	v6 =	vld [tilespmem:s14+$0xFFFFFFF0];
	_ =	sdelay $0x4  }
0xb3: {  	vm15 =	vgt.s32 v6, $0x0  }
0xb4: {  	v6 =	vnsel vm15, $0x0, v6  }
0xb5: {  	v6 =	vmin.u32 v6, $0x493DF  }
0xb6: {  	[tilespmem:$0x17830] =	vst v6  }
0xb7: {  	v6 =	vld [tilespmem:s14+$0x0];
	_ =	sdelay $0x4  }
0xb8: {  	vm4 =	vgt.s32 v6, $0x0  }
0xb9: {  	v6 =	vnsel vm4, $0x0, v6  }
0xba: {  	v6 =	vmin.u32 v6, $0x493DF  }
0xbb: {  	[tilespmem:$0x17840] =	vst v6  }
0xbc: {  	v6 =	vld [tilespmem:s14+$0x10];
	_ =	sdelay $0x4  }
0xbd: {  	vm5 =	vgt.s32 v6, $0x0  }
0xbe: {  	v6 =	vnsel vm5, $0x0, v6  }
0xbf: {  	v6 =	vmin.u32 v6, $0x493DF  }
0xc0: {  	[tilespmem:$0x17850] =	vst v6  }
0xc1: {  	v6 =	vld [tilespmem:s14+$0x20];
	_ =	sdelay $0x4  }
0xc2: {  	vm6 =	vgt.s32 v6, $0x0  }
0xc3: {  	v6 =	vnsel vm6, $0x0, v6  }
0xc4: {  	v6 =	vmin.u32 v6, $0x493DF  }
0xc5: {  	[tilespmem:$0x17860] =	vst v6  }
0xc6: {  	v6 =	vld [tilespmem:s14+$0x30];
	_ =	sdelay $0x4  }
0xc7: {  	vm7 =	vgt.s32 v6, $0x0  }
0xc8: {  	v6 =	vnsel vm7, $0x0, v6  }
0xc9: {  	v6 =	vmin.u32 v6, $0x493DF  }
0xca: {  	[tilespmem:$0x17870] =	vst v6  }
0xcb: {  	v6 =	vld [tilespmem:s14+$0x40];
	_ =	sdelay $0x4  }
0xcc: {  	vm8 =	vgt.s32 v6, $0x0  }
0xcd: {  	v6 =	vnsel vm8, $0x0, v6  }
0xce: {  	v6 =	vmin.u32 v6, $0x493DF  }
0xcf: {  	[tilespmem:$0x17880] =	vst v6  }
0xd0: {  	v6 =	vld [tilespmem:s14+$0x50];
	_ =	sdelay $0x4  }
0xd1: {  	vm9 =	vgt.s32 v6, $0x0  }
0xd2: {  	v6 =	vnsel vm9, $0x0, v6  }
0xd3: {  	v6 =	vmin.u32 v6, $0x493DF  }
0xd4: {  	[tilespmem:$0x17890] =	vst v6  }
0xd5: {  	v6 =	vld [tilespmem:s14+$0x60];
	_ =	sdelay $0x4  }
0xd6: {  	vm10 =	vgt.s32 v6, $0x0  }
0xd7: {  	v6 =	vnsel vm10, $0x0, v6  }
0xd8: {  	v6 =	vmin.u32 v6, $0x493DF  }
0xd9: {  	[tilespmem:$0x178A0] =	vst v6  }
0xda: {  	v6 =	vld [tilespmem:s14+$0x70];
	_ =	sdelay $0x4  }
0xdb: {  	vm11 =	vgt.s32 v6, $0x0  }
0xdc: {  	v6 =	vnsel vm11, $0x0, v6  }
0xdd: {  	v6 =	vmin.u32 v6, $0x493DF  }
0xde: {  	[tilespmem:$0x178B0] =	vst v6  }
0xdf: {  	[tilespmem:s25], [sflag:$0x1] =	stream.indirect.gather [hbm4b:s4+s23], $0x80, s24, s23, $0xb8;
	[tilespmem:$0x1F9C0] =	vst v63  }
0xe0: {  	v6 =	vld [tilespmem:s3+$0xFFFFFF80];
	_ =	sdelay $0x4  }
0xe1: {  	vm12 =	vgt.s32 v6, $0x0  }
0xe2: {  	v6 =	vnsel vm12, $0x0, v6  }
0xe3: {  	v6 =	vmin.u32 v6, $0x2300  }
0xe4: {  	[tilespmem:$0x178C0] =	vst v6  }
0xe5: {  	v6 =	vld [tilespmem:s3+$0xFFFFFF90];
	_ =	sdelay $0x4  }
0xe6: {  	vm13 =	vgt.s32 v6, $0x0  }
0xe7: {  	v6 =	vnsel vm13, $0x0, v6  }
0xe8: {  	v6 =	vmin.u32 v6, $0x2300  }
0xe9: {  	[tilespmem:$0x178D0] =	vst v6  }
0xea: {  	v6 =	vld [tilespmem:s3+$0xFFFFFFA0];
	_ =	sdelay $0x4  }
0xeb: {  	vm14 =	vgt.s32 v6, $0x0  }
0xec: {  	v6 =	vnsel vm14, $0x0, v6  }
0xed: {  	v6 =	vmin.u32 v6, $0x2300  }
0xee: {  	[tilespmem:$0x178E0] =	vst v6  }
0xef: {  	v6 =	vld [tilespmem:s3+$0xFFFFFFB0];
	_ =	sdelay $0x4  }
0xf0: {  	vm15 =	vgt.s32 v6, $0x0  }
0xf1: {  	v6 =	vnsel vm15, $0x0, v6  }
0xf2: {  	v6 =	vmin.u32 v6, $0x2300  }
0xf3: {  	[tilespmem:$0x178F0] =	vst v6  }
0xf4: {  	v6 =	vld [tilespmem:s3+$0xFFFFFFC0];
	_ =	sdelay $0x4  }
0xf5: {  	vm4 =	vgt.s32 v6, $0x0  }
0xf6: {  	v6 =	vnsel vm4, $0x0, v6  }
0xf7: {  	v6 =	vmin.u32 v6, $0x2300  }
0xf8: {  	[tilespmem:$0x17900] =	vst v6  }
0xf9: {  	v6 =	vld [tilespmem:s3+$0xFFFFFFD0];
	_ =	sdelay $0x4  }
0xfa: {  	vm5 =	vgt.s32 v6, $0x0  }
0xfb: {  	v6 =	vnsel vm5, $0x0, v6  }
0xfc: {  	v6 =	vmin.u32 v6, $0x2300  }
0xfd: {  	[tilespmem:$0x17910] =	vst v6  }
0xfe: {  	v6 =	vld [tilespmem:s3+$0xFFFFFFE0];
	_ =	sdelay $0x4  }
0xff: {  	vm6 =	vgt.s32 v6, $0x0  }
0x100: {  	v6 =	vnsel vm6, $0x0, v6  }
0x101: {  	v6 =	vmin.u32 v6, $0x2300  }
0x102: {  	[tilespmem:$0x17920] =	vst v6  }
0x103: {  	v6 =	vld [tilespmem:s3+$0xFFFFFFF0];
	_ =	sdelay $0x4  }
0x104: {  	vm7 =	vgt.s32 v6, $0x0  }
0x105: {  	v6 =	vnsel vm7, $0x0, v6  }
0x106: {  	v6 =	vmin.u32 v6, $0x2300  }
0x107: {  	[tilespmem:$0x17930] =	vst v6  }
0x108: {  	v6 =	vld [tilespmem:s3+$0x0];
	_ =	sdelay $0x4  }
0x109: {  	vm8 =	vgt.s32 v6, $0x0  }
0x10a: {  	v6 =	vnsel vm8, $0x0, v6  }
0x10b: {  	v6 =	vmin.u32 v6, $0x2300  }
0x10c: {  	[tilespmem:$0x17940] =	vst v6  }
0x10d: {  	v6 =	vld [tilespmem:s3+$0x10];
	_ =	sdelay $0x4  }
0x10e: {  	vm9 =	vgt.s32 v6, $0x0  }
0x10f: {  	v6 =	vnsel vm9, $0x0, v6  }
0x110: {  	v6 =	vmin.u32 v6, $0x2300  }
0x111: {  	[tilespmem:$0x17950] =	vst v6  }
0x112: {  	v6 =	vld [tilespmem:s3+$0x20];
	_ =	sdelay $0x4  }
0x113: {  	vm10 =	vgt.s32 v6, $0x0  }
0x114: {  	v6 =	vnsel vm10, $0x0, v6  }
0x115: {  	v6 =	vmin.u32 v6, $0x2300  }
0x116: {  	[tilespmem:$0x17960] =	vst v6  }
0x117: {  	v6 =	vld [tilespmem:s3+$0x30];
	_ =	sdelay $0x4  }
0x118: {  	vm11 =	vgt.s32 v6, $0x0  }
0x119: {  	v6 =	vnsel vm11, $0x0, v6  }
0x11a: {  	v6 =	vmin.u32 v6, $0x2300  }
0x11b: {  	[tilespmem:$0x17970] =	vst v6  }
0x11c: {  	v6 =	vld [tilespmem:s3+$0x40];
	_ =	sdelay $0x4  }
0x11d: {  	vm12 =	vgt.s32 v6, $0x0  }
0x11e: {  	v6 =	vnsel vm12, $0x0, v6  }
0x11f: {  	v6 =	vmin.u32 v6, $0x2300  }
0x120: {  	[tilespmem:$0x17980] =	vst v6  }
0x121: {  	v6 =	vld [tilespmem:s3+$0x50];
	_ =	sdelay $0x4  }
0x122: {  	vm13 =	vgt.s32 v6, $0x0  }
0x123: {  	v6 =	vnsel vm13, $0x0, v6  }
0x124: {  	v6 =	vmin.u32 v6, $0x2300  }
0x125: {  	[tilespmem:$0x17990] =	vst v6  }
0x126: {  	v6 =	vld [tilespmem:s3+$0x60];
	_ =	sdelay $0x4  }
0x127: {  	vm14 =	vgt.s32 v6, $0x0  }
0x128: {  	v6 =	vnsel vm14, $0x0, v6  }
0x129: {  	v6 =	vmin.u32 v6, $0x2300  }
0x12a: {  	[tilespmem:$0x179A0] =	vst v6  }
0x12b: {  	v6 =	vld [tilespmem:s3+$0x70];
	_ =	sdelay $0x4  }
0x12c: {  	vm15 =	vgt.s32 v6, $0x0  }
0x12d: {  	v6 =	vnsel vm15, $0x0, v6  }
0x12e: {  	v6 =	vmin.u32 v6, $0x2300  }
0x12f: {  	[tilespmem:$0x179B0] =	vst v6  }
0x130: {  	_ =	swait.ge [sflag:s20], $0x8000  }
0x131: {  	p0 =	sne.s32 s0, $0x1;
	[sflag:s20] =	ssyncset.done $0x0  }
.Ltmp8:
0x132: {  	[sflag:s20] =	ssyncadd.s32 $0xFFFF8000;
	(pc) =	sbr.rel @p0 .LBB2_7-.Ltmp8, $4  }
0x133: {  	[spmem:s1] =	stream.indirect.scatter.add.f32 [tilespmem:s25], [sflag:$0x4], $0x80, s26, s23, $0xb8;
	[tilespmem:$0x1F9C0] =	vst v63  }
0x134: {  	_ =	swait.ge [sflag:s16], $0x8000  }
0x135: {  	s0 =	sadd.s32 $0xFFFFFFFF, s0;
	[sflag:s16] =	ssyncset.done $0x0  }
0x136: {  	s14 =	sadd.s32 $0x100, s14;
	s3 =	sadd.s32 $0x100, s3;
	[sflag:s16] =	ssyncadd.s32 $0xFFFF8000  }
.Ltmp9:
0x137: {  	_ = 	snop;
	(pc) =	sbr.rel .LBB2_8-.Ltmp9, $1  }
0x138: {  	_ =	sdelay $0x3  }
.LBB2_11:
0x139: {  	_ =	sfence.sel $0x180000  }
0x13a: {  	[bflag:$0x0] =	sbarrier.arrive $0xFFFF  }
0x13b: {  	_ =	strace $0x9000004A  }
0x13c: {  	s0 =	stileid.u32;
	[bflag:$0x2] =	sbarrier.arrive $0xFFFF  }
0x13d: {  	p0 =	sne.s32 s0, $0x0;
	s0 =	rddreg [dreg:$0x3]  }
0x13e: {  	s0 =	sadd.s32 @!p0 $0x100000, s0  }
0x13f: {  	[sflag:s0] =	ssyncadd.tile.s32 @!p0 $0x1;
	_ =	shalt  }
.Lfunc_end2:
_tile_overlayer_lowered:
.L_overlay_start_2:
0x140: {  	(tag) =	ssettag $0x2  }
0x141: {  	s0 =	rddreg [dreg:$0x0];
	s2 =	stileid.u32  }
0x142: {  	s1 =	rddreg [dreg:$0x1];
	p0 =	sne.s32 s2, $0x0  }
0x143: {  	s3 =	rddreg [dreg:$0x2];
	[bflag:$0x3] =	sbarrier.arrive $0xFFFF;
	s2 =	simm.s32 @!p0 $0x1C04  }
0x144: {  	[timem:s3], [sflag:s2] =	dma.local @!p0 [hbm:s0], s1  }
0x145: {  	s0 =	simm.s32 @!p0 $0x4  }
0x146: {  	_ =	swait.ge @!p0 [sflag:s0], s1  }
0x147: {  	s1 =	ssub.s32 @!p0 $0x0, s1;
	[sflag:s0] =	ssyncset.done @!p0 $0x0  }
0x148: {  	[sflag:s0] =	ssyncadd.s32 @!p0 s1  }
0x149: {  	[bflag:$0x3] =	sbarrier.arrive $0xFFFF  }
0x14a: {  	_ =	shalt  }

// kernel: kernel.7.cloned.1.call-start
scs
__scs_entry_jumppad:
0x0: {  	(pc) =	sbr.rel $0x88, $3  }
0x1: {  	(tag) =	ssettag $0x0;
	lr =	simm.s32 $0x1  }
0x2: {  	[smem:$0x3F9B] =	sst lr;
	_ =	strace $0xD0000000  }
0x3: {  	_ = 	snop  }
0x4: {  	_ = 	snop  }
0x5: {  	_ = 	snop  }
0x6: {  	_ = 	snop  }
0x7: {  	_ = 	snop  }
__scs_overlays_trampoline_lowered:
0x8: {  	[smem:$0x3FAA] =	sst s0  }
0x9: {  	[smem:$0x3FAB] =	sst s1  }
0xa: {  	[smem:$0x3FAC] =	sst s2  }
0xb: {  	[smem:$0x3FAD] =	sst s3  }
0xc: {  	[smem:$0x3FAE] =	sst s4  }
0xd: {  	[smem:$0x3FAF] =	sst s5  }
0xe: {  	[smem:$0x3FB0] =	sst s6  }
0xf: {  	[smem:$0x3FB1] =	sst s7  }
0x10: {  	[smem:$0x3FB2] =	sst s8  }
0x11: {  	[smem:$0x3FB3] =	sst s9;
	s0 =	simm.s32 @!p0 $0x0  }
0x12: {  	s1 =	sld [smem:$0x3F99];
	s0 =	simm.s32 @p0 $0x1  }
0x13: {  	[smem:$0x3FB4] =	sst s0;
	s0 =	simm.s32 @!p1 $0x0  }
0x14: {  	s2 =	sld [smem:$0x3F98];
	s0 =	simm.s32 @p1 $0x1  }
0x15: {  	[smem:$0x3FB5] =	sst s0;
	s0 =	simm.s32 @!p2 $0x0  }
0x16: {  	s3 =	sld [smem:$0x3FDB];
	s0 =	simm.s32 @p2 $0x1  }
0x17: {  	s4 =	simm.s32 $0x1BF5;
	[smem:$0x3FB7] =	sst s0  }
0x18: {  	s0 =	sld [smem:$0x3F9A];
	_ =	swait.ge [sflag:s4], $0x0  }
0x19: {  	s7 =	sld [smem:$0x3F9B]  }
0x1a: {  	s8 =	sadd.s32 $0xFFFFE003, lr  }
0x1b: {  	s9 =	sadd.s32 $0xFFFFFEF7, lr;
	s5 =	simm.s32 $0xFFFFFFFF;
	p2 =	slt.u32 s8, $0xFFFFF086  }
0x1c: {  	p1 =	slt.u32 s9, $0xF7A;
	s5 =	simm.s32 @!p2 $0x0  }
0x1d: {  	s5 =	simm.s32 @p1 $0x1;
	p0 =	seq.s32 s7, s2  }
0x1e: {  	s7 =	smul.u32 @!p0 $0xF7A, s2;
	p2 =	seq.s32 @!p0 s5, $0x0  }
0x1f: {  	s9 =	smul.u32 $0xF7A, s1;
	s8 =	simm.s32 @!p0 $0x1BF5;
	p2 =	por !p2, p0  }
0x20: {  	[sflag:s8] =	ssyncset.s32 @!p0 $0xFFFFF086;
	s6 =	sadd.s32 @!p0 s3, s7;
	s7 =	simm.s32 @!p0 $0x108  }
0x21: {  	s3 =	sadd.s32 s3, s9;
	s6 =	sadd.s32 @!p0 $0x88, s6;
	s7 =	simm.s32 @p2 $0x1082  }
0x22: {  	[simem:s7], [sflag:s8] =	dma.local @!p0 [hbm:s6], $0xF7A  }
0x23: {  	s9 =	sor.u32 $0xD0000000, s2;
	s6 =	simm.s32 $0x108;
	_ =	swait.ge @!p0 [sflag:s8], $0x0  }
0x24: {  	s3 =	sadd.s32 $0x88, s3;
	s6 =	simm.s32 @!p1 $0x1082;
	[sflag:s4] =	ssyncset.s32 $0xFFFFF086  }
0x25: {  	[simem:s6], [sflag:s4] =	dma.local [hbm:s3], $0xF7A  }
0x26: {  	[smem:$0x3F9B] =	sst s1;
	(tag) =	ssettag s2;
	_ =	strace s9  }
0x27: {  	s1 =	sld [smem:$0x3FAB]  }
0x28: {  	s2 =	sld [smem:$0x3FAC]  }
0x29: {  	s4 =	sld [smem:$0x3FAE]  }
0x2a: {  	p0 =	seq.s32 s5, $0x0;
	s5 =	sld [smem:$0x3FAF]  }
0x2b: {  	s6 =	sld [smem:$0x3FB0]  }
0x2c: {  	s7 =	sld [smem:$0x3FB1]  }
0x2d: {  	s3 =	simm.s32 $0x108;
	s8 =	sld [smem:$0x3FB2]  }
0x2e: {  	s3 =	simm.s32 @!p0 $0x1082;
	s9 =	sld [smem:$0x3FB3]  }
0x2f: {  	lr =	sadd.s32 s0, s3;
	s0 =	sld [smem:$0x3FAA]  }
0x30: {  	s3 =	sld [smem:$0x3FAD]  }
0x31: {  	[smem:$0x3FB6] =	sst s10  }
0x32: {  	s10 =	sld [smem:$0x3FB4];
	_ =	sdelay $0x3  }
0x33: {  	p0 =	seq.s32 s10, $0x1;
	s10 =	sld [smem:$0x3FB6];
	_ =	sdelay $0x3  }
0x34: {  	[smem:$0x3FB6] =	sst s10  }
0x35: {  	s10 =	sld [smem:$0x3FB5];
	_ =	sdelay $0x3  }
0x36: {  	p1 =	seq.s32 s10, $0x1;
	s10 =	sld [smem:$0x3FB6];
	_ =	sdelay $0x3  }
0x37: {  	[smem:$0x3FB6] =	sst s10  }
0x38: {  	s10 =	sld [smem:$0x3FB7]  }
0x39: {  	_ = 	snop;
	(pc) =	sbr.ind lr, $3  }
0x3a: {  	_ = 	snop  }
0x3b: {  	_ = 	snop  }
0x3c: {  	p2 =	seq.s32 s10, $0x1;
	s10 =	sld [smem:$0x3FB6]  }
0x3d: {  	_ =	shalt  }
0x3e: {  	_ =	shalt  }
0x3f: {  	_ =	shalt  }
0x40: {  	_ =	shalt  }
0x41: {  	_ =	shalt  }
0x42: {  	_ =	shalt  }
0x43: {  	_ =	shalt  }
0x44: {  	_ =	shalt  }
0x45: {  	_ =	shalt  }
0x46: {  	_ =	shalt  }
0x47: {  	_ =	shalt  }
0x48: {  	_ =	shalt  }
0x49: {  	_ =	shalt  }
0x4a: {  	_ =	shalt  }
0x4b: {  	_ =	shalt  }
0x4c: {  	_ =	shalt  }
0x4d: {  	_ =	shalt  }
0x4e: {  	_ =	shalt  }
0x4f: {  	_ =	shalt  }
0x50: {  	_ =	shalt  }
0x51: {  	_ =	shalt  }
0x52: {  	_ =	shalt  }
0x53: {  	_ =	shalt  }
0x54: {  	_ =	shalt  }
0x55: {  	_ =	shalt  }
0x56: {  	_ =	shalt  }
0x57: {  	_ =	shalt  }
0x58: {  	_ =	shalt  }
0x59: {  	_ =	shalt  }
0x5a: {  	_ =	shalt  }
0x5b: {  	_ =	shalt  }
0x5c: {  	_ =	shalt  }
0x5d: {  	_ =	shalt  }
0x5e: {  	_ =	shalt  }
0x5f: {  	_ =	shalt  }
0x60: {  	_ =	shalt  }
0x61: {  	_ =	shalt  }
0x62: {  	_ =	shalt  }
0x63: {  	_ =	shalt  }
0x64: {  	_ =	shalt  }
0x65: {  	_ =	shalt  }
0x66: {  	_ =	shalt  }
0x67: {  	_ =	shalt  }
0x68: {  	_ =	shalt  }
0x69: {  	_ =	shalt  }
0x6a: {  	_ =	shalt  }
0x6b: {  	_ =	shalt  }
0x6c: {  	_ =	shalt  }
0x6d: {  	_ =	shalt  }
0x6e: {  	_ =	shalt  }
0x6f: {  	_ =	shalt  }
0x70: {  	_ =	shalt  }
0x71: {  	_ =	shalt  }
0x72: {  	_ =	shalt  }
0x73: {  	_ =	shalt  }
0x74: {  	_ =	shalt  }
0x75: {  	_ =	shalt  }
0x76: {  	_ =	shalt  }
0x77: {  	_ =	shalt  }
0x78: {  	_ =	shalt  }
0x79: {  	_ =	shalt  }
0x7a: {  	_ =	shalt  }
0x7b: {  	_ =	shalt  }
0x7c: {  	_ =	shalt  }
0x7d: {  	_ =	shalt  }
0x7e: {  	_ =	shalt  }
0x7f: {  	_ =	shalt  }
0x80: {  	_ =	shalt  }
0x81: {  	_ =	shalt  }
0x82: {  	_ =	shalt  }
0x83: {  	_ =	shalt  }
0x84: {  	_ =	shalt  }
0x85: {  	_ =	shalt  }
0x86: {  	_ =	shalt  }
0x87: {  	_ =	shalt  }
.Lfunc_end0:
.L_simem_size_0:
called_computation_lowered:
.L_overlay_start_0:
0x88: {  	s2 =	sld [smem:$0x3FD9]  }
0x89: {  	s3 =	sld [smem:$0x3FFE];
	_ =	sdelay $0x1  }
0x8a: {  	s1 =	srdreg.scid  }
0x8b: {  	s0 =	sand.u32 $0x1, s1  }
0x8c: {  	s17 =	sshll.u32 s0, $0xA;
	s2 =	sadd.s32 s3, s2  }
0x8d: {  	s2 =	sadd.s32 s2, s17  }
0x8e: {  	[smem:$0x3FC2] =	sst s2  }
0x8f: {  	_ = 	snop  }
0x90: {  	s2 =	sld [smem:$0x3FD0];
	(tm) =	ssettm $0x1  }
0x91: {  	s18 =	sld [smem:$0x3FFB];
	_ =	sdelay $0x3  }
0x92: {  	_ =	strace s18  }
0x93: {  	s3 =	sld [smem:$0x3FFC];
	_ =	sdelay $0x3  }
0x94: {  	_ =	strace s3  }
0x95: {  	s3 =	sld [smem:$0x3FFD];
	_ =	sdelay $0x3  }
0x96: {  	_ =	strace s3  }
0x97: {  	_ =	strace $0x8FFFFFFF  }
0x98: {  	s19 =	sld [smem:$0x3FDB];
	_ =	sdelay $0x1  }
0x99: {  	s4 =	simm.s32 $_scs_section_size  }
0x9a: {  	s5 =	simm.s32 $_size__tile_overlayer_lowered;
	s6 =	simm.s32 $_tile_overlayer_lowered  }
0x9b: {  	s22 =	simm.s32 $0x1BFF;
	s21 =	sshll.u32 s6, $0x1;
	s3 =	sadd.s32 s4, s19  }
0x9c: {  	s7 =	simm.s32 $0x0;
	s20 =	sshll.u32 s5, $0x1;
	s5 =	sadd.s32 s21, s3  }
0x9d: {  	[timem:s7], [sflag:s22] =	dma.local [hbm:s5], s20  }
0x9e: {  	_ =	swait.ge [sflag:s22], s20  }
0x9f: {  	s4 =	ssub.s32 $0x0, s20;
	[sflag:s22] =	ssyncset.done $0x0  }
0xa0: {  	[sflag:s22] =	ssyncadd.s32 s4;
	_ =	sdelay $0x1  }
0xa1: {  	s23 =	simm.s32 $0x1B8B  }
0xa2: {  	_ =	swait.ge [sflag:s23], $0x1  }
0xa3: {  	[sflag:s23] =	ssyncset.done $0x0  }
0xa4: {  	s25 =	simm.s32 $0x1B8E;
	s24 =	sld [smem:$0x3FFE];
	[sflag:s23] =	ssyncadd.s32 $0xFFFFFFFF  }
0xa5: {  	s26 =	simm.s32 $execute0_lowered;
	[smem:$0x3FD2] =	sst s25  }
0xa6: {  	s5 =	sshll.u32 s26, $0x1;
	_ =	strace $0x80000046;
	[dreg:$0x1] =	wrdreg $0xFFFFFFFF  }
0xa7: {  	s28 =	simm.s32 $_size_execute0_lowered;
	s3 =	sadd.s32 s3, s5;
	[dreg:$0x0] =	wrdreg $0x0  }
0xa8: {  	s5 =	sshll.u32 s28, $0x1;
	[dreg:$0x2] =	wrdreg s3  }
0xa9: {  	[dreg:$0x3] =	wrdreg s5  }
0xaa: {  	[dreg:$0x4] =	wrdreg $0xC0  }
0xab: {  	_ =	task [dreg:s7], $0x5FFFF  }
0xac: {  	[dreg:$0x1] =	wrdreg $0xFFFFFFFF  }
0xad: {  	[dreg:$0x0] =	wrdreg $0x60  }
0xae: {  	[dreg:$0x2] =	wrdreg s24  }
0xaf: {  	[dreg:$0x3] =	wrdreg s2  }
0xb0: {  	[dreg:$0x4] =	wrdreg $0x0  }
0xb1: {  	[dreg:$0x5] =	wrdreg $0x9  }
0xb2: {  	_ =	task.clear_ibuf [dreg:s7], $0x6FFFF;
	_ =	strace $0x90000046  }
0xb3: {  	s29 =	simm.s32 $0x9;
	_ =	strace $0x80000048  }
0xb4: {  	_ =	swait.ge [sflag:s29], $0x1  }
0xb5: {  	[sflag:s29] =	ssyncadd.s32 $0xFFFFFFFF  }
0xb6: {  	_ =	strace $0x90000048  }
0xb7: {  	_ =	sfence  }
0xb8: {  	s30 =	sld [smem:$0x0];
	_ =	sdelay $0x2  }
0xb9: {  	s31 =	sshll.u32 s1, $0xD;
	s1 =	sshrl.u32 s1, $0x2  }
0xba: {  	s3 =	sand.u32 $0x4000, s31;
	s1 =	sadd.s32 s1, s30  }
0xbb: {  	s0 =	sor.u32 s3, s0;
	s1 =	sshll.u32 s1, $0x11  }
0xbc: {  	s0 =	sor.u32 s1, s0  }
0xbd: {  	s0 =	sadd.s32 $0x8F2B, s0  }
0xbe: {  	[sflag:s0] =	ssyncadd.remote.s32 $0x1  }
0xbf: {  	_ =	sfence.sel $0xFFFF  }
0xc0: {  	[dreg:$0x0] =	wrdreg $0xFFFFFFFF;
	(pc) =	sbr.abs _section_cstart, $3  }
0xc1: {  	[dreg:$0x1] =	wrdreg $0xFFFFFFFF  }
0xc2: {  	_ =	task.clear_ibuf [dreg:s7], $0x2FFFF;
	_ =	strace $0x9FFFFFFF  }
0xc3: {  	(tm) =	ssettm $0x7FFFFFFF  }
tec
execute0_lowered:
.L_overlay_start_1:
0x0: {  	(tag) =	ssettag $0x1  }
0x1: {  	s0 =	rddreg [dreg:$0x0]  }
0x2: {  	s3 =	rddreg [dreg:$0x1]  }
0x3: {  	s1 =	rddreg [dreg:$0x2];
	s2 =	simm.s32 $0x0  }
0x4: {  	s7 =	srdreg.scid;
	s15 =	stileid.u32;
	s16 =	simm.s32 $0x4  }
0x5: {  	s17 =	simm.s32 $0x11840;
	s18 =	simm.s32 $0x12AC0;
	s19 =	simm.s32 $0x13D40  }
0x6: {  	s20 =	simm.s32 $0x1;
	s21 =	simm.s32 $0x2;
	s22 =	simm.s32 $0x3  }
0x7: {  	s23 =	simm.s32 $0x100;
	s24 =	simm.s32 $0x177C0;
	s25 =	simm.s32 $0x179C0  }
0x8: {  	s26 =	simm.s32 $0x178C0;
	s30 =	simm.s32 $0x0;
	[smem:$0x7FF] =	sst s2  }
0x9: {  	s4 =	sadd.s32 $0x1CA00, s0;
	s5 =	sadd.s32 $0xA200, s0;
	s6 =	sadd.s32 $0xE00, s0  }
0xa: {  	s11 =	sand.u32 $0x1, s7;
	s9 =	smul.u32 $0x46000, s15;
	s7 =	sadd.s32 $0x13600, s0  }
0xb: {  	s8 =	sadd.s32 $0x329E00, s0;
	s13 =	smul.u32 $0x2300, s15;
	s31 =	sshll.u32 s15, $0x6  }
.Ltmp0:
0xc: {  	_ =	strace $0x80000047;
	s29 =	ssub.s32 $0x2, s11;
	(pc) =	sbr.rel .LBB2_1-.Ltmp0, $4  }
0xd: {  	s11 =	smul.u32 $0x124F8, s11;
	s10 =	sshrl.u32 s29, $0x1;
	s12 =	sshrl.u32 s9, $0x2  }
0xe: {  	s9 =	smul.u32 $0x230, s15;
	s0 =	ssub.s32 s29, s10;
	s14 =	sadd.s32 s12, s1  }
0xf: {  	v1 =	vlaneseq.u32;
	v2 =	vimm.s32 $0x0;
	s10 =	sadd.s32 s3, s13;
	s12 =	sor.u32 $0x1C04, s31;
	s0 =	smax.u32 s0, $0x1  }
0x10: {  	v3 =	vimm.s32 $0x2300;
	v0 =	vor.u32 $0x80000010, v1;
	v1 =	vor.u32 $0x80000000, v1;
	s13 =	smul.u32 $0x4940, s15;
	s15 =	sshrl.u32 s14, $0x3;
	[dreg:$0x5] =	wrdreg s0  }
.LBB2_10:
0x11: {  	s2 =	rddreg [dreg:$0x4]  }
0x12: {  	s0 =	rddreg [dreg:$0x5];
	s2 =	sadd.s32 $0x1, s2  }
0x13: {  	p0 =	sne.s32 s2, s0  }
.Ltmp1:
0x14: {  	_ = 	snop;
	(pc) =	sbr.rel @!p0 .LBB2_11-.Ltmp1, $1  }
0x15: {  	_ =	sdelay $0x3  }
.LBB2_1:
0x16: {  	[dreg:$0x4] =	wrdreg s2  }
0x17: {  	[spmem:s15], [sflag:s12] =	dma.local [hbm:s10], $0x2300  }
.Ltmp2:
0x18: {  	_ =	swait.ge [sflag:s16], $0x2300;
	(pc) =	sbr.rel .LBB2_2-.Ltmp2, $4  }
0x19: {  	[sflag:s16] =	ssyncset.done $0x0  }
0x1a: {  	[sflag:s16] =	ssyncadd.s32 $0xFFFFDD00  }
0x1b: {  	[bflag:$0x0] =	sbarrier.arrive $0xFFFF  }
0x1c: {  	s28 =	simm.s32 $0x0  }
.LBB2_9:
0x1d: {  	s0 =	sadd.s32 s9, s29  }
0x1e: {  	s0 =	sshll.u32 s0, $0x4  }
0x1f: {  	[bflag:$0x0] =	sbarrier.arrive $0xFFFF;
	s0 =	sadd.s32 s8, s0  }
0x20: {  	[hbm:s0], [sflag:s12] =	dma.local [spmem:s15], $0x2300  }
0x21: {  	_ =	swait.ge [sflag:s16], $0x2300  }
0x22: {  	s28 =	sadd.s32 $0x1, s28;
	[sflag:s16] =	ssyncset.done $0x0  }
0x23: {  	p0 =	sne.s32 s28, $0x9;
	[sflag:s16] =	ssyncadd.s32 $0xFFFFDD00  }
0x24: {  	[spmem:s15], [sflag:s12] =	dma.local [hbm:s10], $0x2300  }
.Ltmp3:
0x25: {  	_ =	swait.ge [sflag:s16], $0x2300;
	(pc) =	sbr.rel @!p0 .LBB2_10-.Ltmp3, $3  }
0x26: {  	[sflag:s16] =	ssyncset.done $0x0  }
0x27: {  	[sflag:s16] =	ssyncadd.s32 $0xFFFFDD00  }
0x28: {  	[bflag:$0x0] =	sbarrier.arrive $0xFFFF;
	_ =	sdelay $0x1  }
.LBB2_2:
0x29: {  	s0 =	smul.u32 $0x2300, s28  }
.Ltmp4:
0x2a: {  	_ = 	snop;
	(pc) =	sbr.rel .LBB2_3-.Ltmp4, $4  }
0x2b: {  	s0 =	smin.u32 s0, $0x101F8  }
0x2c: {  	s29 =	sadd.s32 s11, s0  }
0x2d: {  	s0 =	sadd.s32 $0x2300, s29  }
0x2e: {  	s31 =	simm.s32 $0x0;
	v4 =	vmov s29;
	v5 =	vmov s0  }
.LBB2_8:
0x2f: {  	s31 =	sadd.s32 $0x1, s31  }
0x30: {  	p0 =	sne.s32 s31, $0x4  }
.Ltmp5:
0x31: {  	_ = 	snop;
	(pc) =	sbr.rel @!p0 .LBB2_9-.Ltmp5, $1  }
0x32: {  	_ =	sdelay $0x3  }
.LBB2_3:
0x33: {  	s0 =	smul.u32 $0x1250, s31;
	_ =	sdelay $0x1  }
0x34: {  	s0 =	sadd.s32 s13, s0  }
0x35: {  	s0 =	sshrl.u32 s0, $0x3  }
0x36: {  	s3 =	sadd.s32 s6, s0  }
0x37: {  	[tilespmem:s17], [sflag:$0x1] =	stream.linear.gather [hbm4b:s3+s30], $0x1250, $0x38;
	[tilespmem:$0x1F9C0] =	vst v63  }
0x38: {  	s14 =	sadd.s32 s5, s0  }
0x39: {  	[tilespmem:s18], [sflag:$0x2] =	stream.linear.gather [hbm4b:s14+s30], $0x1250, $0x38;
	[tilespmem:$0x1F9C0] =	vst v63  }
0x3a: {  	s0 =	sadd.s32 s7, s0  }
0x3b: {  	[tilespmem:s19], [sflag:$0x3] =	stream.linear.gather [hbm4b:s0+s30], $0x1250, $0x38;
	[tilespmem:$0x1F9C0] =	vst v63  }
0x3c: {  	_ =	swait.ge [sflag:s20], $0x1250  }
0x3d: {  	[sflag:s20] =	ssyncset.done $0x0  }
0x3e: {  	[sflag:s20] =	ssyncadd.s32 $0xFFFFEDB0  }
0x3f: {  	_ =	swait.ge [sflag:s21], $0x1250  }
0x40: {  	[sflag:s21] =	ssyncset.done $0x0  }
0x41: {  	[sflag:s21] =	ssyncadd.s32 $0xFFFFEDB0  }
0x42: {  	_ =	swait.ge [sflag:s22], $0x1250  }
0x43: {  	[sflag:s22] =	ssyncset.done $0x0  }
0x44: {  	s2 =	simm.s32 $0x0;
	[sflag:s22] =	ssyncadd.s32 $0xFFFFEDB0  }
0x45: {  	v6 =	vld [tilespmem:s2+$0x12AC0]  }
0x46: {  	v7 =	vld [tilespmem:s2+$0x11840]  }
0x47: {  	v8 =	vld [tilespmem:s2+$0x13D40];
	_ =	sdelay $0x3  }
0x48: {  	vm0 =	vge.s32 v7, v4;
	vm1 =	vlt.s32 v7, v5  }
0x49: {  	vm15 =	vgt.f32 v8, $0.0e+00;
	v8 =	vadd.s32 $0x186A0, v6;
	vm0 =	vmand vm0, vm1  }
0x4a: {  	v6 =	vsel vm15, v6, v8;
	v8 =	vsel vm0, v1, v0;
	v9 =	vmpcnt.ones.xlane vm0  }
0x4b: {  	v7 =	vsub.s32 v7, v4;
	(xrf1) =	vsort.ascd.msk.u32 $0xffff, v8, v6  }
0x4c: {  	(xrf1) =	vsort.ascd.msk.u32 $0xffff, v8, v7;
	(v2sf) =	vpush v9, $0x0;
	_ =	sdelay $0xc  }
0x4d: {  	_, v6, _ =	vpop (xrf1)  }
0x4e: {  	[tilespmem:s30+$0x14FC0] =	vst v6;
	_, v6, _ =	vpop (xrf1)  }
0x4f: {  	s14 =	simm.s32 $0x10;
	[tilespmem:s30+$0x163C0] =	vst v6;
	s3 =	spop (v2sf)  }
0x50: {  	v7 =	vld [tilespmem:s14+$0x12AC0];
	s3 =	sadd.s32 $0x0, s3  }
0x51: {  	s0 =	simm.s32 $0x80;
	v6 =	vld [tilespmem:s14+$0x11840];
	p1 =	sgt.s32 s3, $0x0  }
.LBB2_4:
0x52: {  	p0 =	sne.s32 s0, $0x4900  }
0x53: {  	v8 =	vld [tilespmem:s14+$0x13D40];
	s3 =	simm.s32 @!p1 $0x0;
	s14 =	smov.u32 s0;
	s0 =	sadd.s32 $0x40, s0  }
0x54: {  	s3 =	smin.u32 s3, $0x1250;
	_ =	sdelay $0x2  }
0x55: {  	vm0 =	vge.s32 v6, v4;
	vm1 =	vlt.s32 v6, v5  }
0x56: {  	vm0 =	vmand vm0, vm1;
	vm1 =	vgt.f32 v8, $0.0e+00;
	v8 =	vadd.s32 $0x186A0, v7  }
0x57: {  	v7 =	vsel vm1, v7, v8;
	v8 =	vsel vm0, v1, v0;
	v9 =	vmpcnt.ones.xlane vm0  }
0x58: {  	v6 =	vsub.s32 v6, v4;
	(xrf1) =	vsort.ascd.msk.u32 $0xffff, v8, v7  }
0x59: {  	(xrf1) =	vsort.ascd.msk.u32 $0xffff, v8, v6;
	(v2sf) =	vpush v9, $0x0;
	_ =	sdelay $0xc  }
.Ltmp6:
0x5a: {  	_, v6, _ =	vpop (xrf1);
	(pc) =	sbr.rel @p0 .LBB2_4-.Ltmp6, $4  }
0x5b: {  	[tilespmem:s3+$0x14FC0] =	vst v6;
	_, v6, _ =	vpop (xrf1)  }
0x5c: {  	s14 =	sshra.s32 s14, $0x2;
	[tilespmem:s3+$0x163C0] =	vst v6;
	s2 =	spop (v2sf)  }
0x5d: {  	v7 =	vld [tilespmem:s14+$0x12AC0];
	s3 =	sadd.s32 s3, s2  }
0x5e: {  	v6 =	vld [tilespmem:s14+$0x11840];
	p1 =	sgt.s32 s3, $0x0  }
0x5f: {  	_ =	sdelay $0x3  }
0x60: {  	v8 =	vld [tilespmem:s14+$0x13D40];
	vm0 =	vge.s32 v6, v4;
	vm1 =	vlt.s32 v6, v5  }
0x61: {  	vm0 =	vmand vm0, vm1  }
0x62: {  	v9 =	vmpcnt.ones.xlane vm0;
	_ =	sdelay $0x1  }
0x63: {  	(v2sf) =	vpush v9, $0x0  }
0x64: {  	v62 =	vadd.s32 $0x186A0, v7;
	vm15 =	vgt.f32 v8, $0.0e+00  }
0x65: {  	v7 =	vsel vm15, v7, v62;
	v63 =	vsel vm0, v1, v0  }
0x66: {  	v6 =	vsub.s32 v6, v4;
	(xrf1) =	vsort.ascd.msk.u32 $0xffff, v63, v7  }
0x67: {  	(xrf1) =	vsort.ascd.msk.u32 $0xffff, v63, v6;
	_ =	sdelay $0x9  }
0x68: {  	s3 =	simm.s32 @!p1 $0x0  }
0x69: {  	s0 =	smin.u32 s3, $0x1250;
	s2 =	spop (v2sf)  }
0x6a: {  	s2 =	sadd.s32 s0, s2  }
0x6b: {  	_, v6, _ =	vpop (xrf1);
	p0 =	sgt.s32 s2, $0x0  }
0x6c: {  	[tilespmem:s0+$0x14FC0] =	vst v6;
	_, v6, _ =	vpop (xrf1);
	s2 =	simm.s32 @!p0 $0x0  }
0x6d: {  	[tilespmem:s0+$0x163C0] =	vst v6;
	s2 =	smin.u32 s2, $0x1250  }
0x6e: {  	[tilespmem:s2+$0x14FC0] =	vst v2  }
0x6f: {  	[tilespmem:s2+$0x163C0] =	vst v3  }
0x70: {  	[tilespmem:s2+$0x14FD0] =	vst v2  }
0x71: {  	[tilespmem:s2+$0x163D0] =	vst v3  }
0x72: {  	[tilespmem:s2+$0x14FE0] =	vst v2  }
0x73: {  	[tilespmem:s2+$0x163E0] =	vst v3  }
0x74: {  	[tilespmem:s2+$0x14FF0] =	vst v2  }
0x75: {  	[tilespmem:s2+$0x163F0] =	vst v3  }
0x76: {  	[tilespmem:s2+$0x15000] =	vst v2  }
0x77: {  	[tilespmem:s2+$0x16400] =	vst v3  }
0x78: {  	[tilespmem:s2+$0x15010] =	vst v2  }
0x79: {  	[tilespmem:s2+$0x16410] =	vst v3  }
0x7a: {  	[tilespmem:s2+$0x15020] =	vst v2  }
0x7b: {  	[tilespmem:s2+$0x16420] =	vst v3;
	s3 =	sadd.s32 $0x80, s2  }
0x7c: {  	[tilespmem:s2+$0x15030] =	vst v2;
	s14 =	sand.u32 $0x7F, s2;
	s0 =	sand.u32 $0x3F80, s3  }
0x7d: {  	[tilespmem:s2+$0x16430] =	vst v3;
	s0 =	sor.u32 s14, s0  }
0x7e: {  	[tilespmem:s0+$0x14FC0] =	vst v2  }
0x7f: {  	[tilespmem:s0+$0x163C0] =	vst v3  }
0x80: {  	[tilespmem:s2+$0x15050] =	vst v2  }
0x81: {  	[tilespmem:s2+$0x16450] =	vst v3  }
0x82: {  	[tilespmem:s2+$0x15060] =	vst v2  }
0x83: {  	[tilespmem:s2+$0x16460] =	vst v3  }
0x84: {  	[tilespmem:s2+$0x15070] =	vst v2  }
0x85: {  	[tilespmem:s2+$0x16470] =	vst v3  }
0x86: {  	s14 =	sadd.s32 $0xFF, s2;
	[tilespmem:s2+$0x15080] =	vst v2  }
0x87: {  	s0 =	sshrl.u32 s14, $0x8;
	[tilespmem:s2+$0x16480] =	vst v3  }
0x88: {  	[tilespmem:s2+$0x15090] =	vst v2;
	p0 =	seq.s32 s0, $0x0  }
.Ltmp7:
0x89: {  	[tilespmem:s2+$0x16490] =	vst v3;
	(pc) =	sbr.rel @p0 .LBB2_8-.Ltmp7, $4  }
0x8a: {  	[tilespmem:s2+$0x150A0] =	vst v2  }
0x8b: {  	[tilespmem:s2+$0x164A0] =	vst v3  }
0x8c: {  	[tilespmem:s2+$0x150B0] =	vst v2  }
0x8d: {  	[tilespmem:s2+$0x164B0] =	vst v3  }
0x8e: {  	s3 =	simm.s32 $0x16440;
	s14 =	simm.s32 $0x15040  }
.LBB2_7:
0x8f: {  	v6 =	vld [tilespmem:s14+$0xFFFFFF80];
	_ =	sdelay $0x4  }
0x90: {  	vm0 =	vgt.s32 v6, $0x0  }
0x91: {  	v6 =	vnsel vm0, $0x0, v6  }
0x92: {  	v6 =	vmin.u32 v6, $0x30D3F  }
0x93: {  	[tilespmem:$0x177C0] =	vst v6  }
0x94: {  	v6 =	vld [tilespmem:s14+$0xFFFFFF90];
	_ =	sdelay $0x4  }
0x95: {  	vm9 =	vgt.s32 v6, $0x0  }
0x96: {  	v6 =	vnsel vm9, $0x0, v6  }
0x97: {  	v6 =	vmin.u32 v6, $0x30D3F  }
0x98: {  	[tilespmem:$0x177D0] =	vst v6  }
0x99: {  	v6 =	vld [tilespmem:s14+$0xFFFFFFA0];
	_ =	sdelay $0x4  }
0x9a: {  	vm10 =	vgt.s32 v6, $0x0  }
0x9b: {  	v6 =	vnsel vm10, $0x0, v6  }
0x9c: {  	v6 =	vmin.u32 v6, $0x30D3F  }
0x9d: {  	[tilespmem:$0x177E0] =	vst v6  }
0x9e: {  	v6 =	vld [tilespmem:s14+$0xFFFFFFB0];
	_ =	sdelay $0x4  }
0x9f: {  	vm11 =	vgt.s32 v6, $0x0  }
0xa0: {  	v6 =	vnsel vm11, $0x0, v6  }
0xa1: {  	v6 =	vmin.u32 v6, $0x30D3F  }
0xa2: {  	[tilespmem:$0x177F0] =	vst v6  }
0xa3: {  	v6 =	vld [tilespmem:s14+$0xFFFFFFC0];
	_ =	sdelay $0x4  }
0xa4: {  	vm12 =	vgt.s32 v6, $0x0  }
0xa5: {  	v6 =	vnsel vm12, $0x0, v6  }
0xa6: {  	v6 =	vmin.u32 v6, $0x30D3F  }
0xa7: {  	[tilespmem:$0x17800] =	vst v6  }
0xa8: {  	v6 =	vld [tilespmem:s14+$0xFFFFFFD0];
	_ =	sdelay $0x4  }
0xa9: {  	vm13 =	vgt.s32 v6, $0x0  }
0xaa: {  	v6 =	vnsel vm13, $0x0, v6  }
0xab: {  	v6 =	vmin.u32 v6, $0x30D3F  }
0xac: {  	[tilespmem:$0x17810] =	vst v6  }
0xad: {  	v6 =	vld [tilespmem:s14+$0xFFFFFFE0];
	_ =	sdelay $0x4  }
0xae: {  	vm14 =	vgt.s32 v6, $0x0  }
0xaf: {  	v6 =	vnsel vm14, $0x0, v6  }
0xb0: {  	v6 =	vmin.u32 v6, $0x30D3F  }
0xb1: {  	[tilespmem:$0x17820] =	vst v6  }
0xb2: {  	v6 =	vld [tilespmem:s14+$0xFFFFFFF0];
	_ =	sdelay $0x4  }
0xb3: {  	vm15 =	vgt.s32 v6, $0x0  }
0xb4: {  	v6 =	vnsel vm15, $0x0, v6  }
0xb5: {  	v6 =	vmin.u32 v6, $0x30D3F  }
0xb6: {  	[tilespmem:$0x17830] =	vst v6  }
0xb7: {  	v6 =	vld [tilespmem:s14+$0x0];
	_ =	sdelay $0x4  }
0xb8: {  	vm4 =	vgt.s32 v6, $0x0  }
0xb9: {  	v6 =	vnsel vm4, $0x0, v6  }
0xba: {  	v6 =	vmin.u32 v6, $0x30D3F  }
0xbb: {  	[tilespmem:$0x17840] =	vst v6  }
0xbc: {  	v6 =	vld [tilespmem:s14+$0x10];
	_ =	sdelay $0x4  }
0xbd: {  	vm5 =	vgt.s32 v6, $0x0  }
0xbe: {  	v6 =	vnsel vm5, $0x0, v6  }
0xbf: {  	v6 =	vmin.u32 v6, $0x30D3F  }
0xc0: {  	[tilespmem:$0x17850] =	vst v6  }
0xc1: {  	v6 =	vld [tilespmem:s14+$0x20];
	_ =	sdelay $0x4  }
0xc2: {  	vm6 =	vgt.s32 v6, $0x0  }
0xc3: {  	v6 =	vnsel vm6, $0x0, v6  }
0xc4: {  	v6 =	vmin.u32 v6, $0x30D3F  }
0xc5: {  	[tilespmem:$0x17860] =	vst v6  }
0xc6: {  	v6 =	vld [tilespmem:s14+$0x30];
	_ =	sdelay $0x4  }
0xc7: {  	vm7 =	vgt.s32 v6, $0x0  }
0xc8: {  	v6 =	vnsel vm7, $0x0, v6  }
0xc9: {  	v6 =	vmin.u32 v6, $0x30D3F  }
0xca: {  	[tilespmem:$0x17870] =	vst v6  }
0xcb: {  	v6 =	vld [tilespmem:s14+$0x40];
	_ =	sdelay $0x4  }
0xcc: {  	vm8 =	vgt.s32 v6, $0x0  }
0xcd: {  	v6 =	vnsel vm8, $0x0, v6  }
0xce: {  	v6 =	vmin.u32 v6, $0x30D3F  }
0xcf: {  	[tilespmem:$0x17880] =	vst v6  }
0xd0: {  	v6 =	vld [tilespmem:s14+$0x50];
	_ =	sdelay $0x4  }
0xd1: {  	vm9 =	vgt.s32 v6, $0x0  }
0xd2: {  	v6 =	vnsel vm9, $0x0, v6  }
0xd3: {  	v6 =	vmin.u32 v6, $0x30D3F  }
0xd4: {  	[tilespmem:$0x17890] =	vst v6  }
0xd5: {  	v6 =	vld [tilespmem:s14+$0x60];
	_ =	sdelay $0x4  }
0xd6: {  	vm10 =	vgt.s32 v6, $0x0  }
0xd7: {  	v6 =	vnsel vm10, $0x0, v6  }
0xd8: {  	v6 =	vmin.u32 v6, $0x30D3F  }
0xd9: {  	[tilespmem:$0x178A0] =	vst v6  }
0xda: {  	v6 =	vld [tilespmem:s14+$0x70];
	_ =	sdelay $0x4  }
0xdb: {  	vm11 =	vgt.s32 v6, $0x0  }
0xdc: {  	v6 =	vnsel vm11, $0x0, v6  }
0xdd: {  	v6 =	vmin.u32 v6, $0x30D3F  }
0xde: {  	[tilespmem:$0x178B0] =	vst v6  }
0xdf: {  	[tilespmem:s25], [sflag:$0x1] =	stream.indirect.gather [hbm4b:s4+s23], $0x80, s24, s23, $0xb8;
	[tilespmem:$0x1F9C0] =	vst v63  }
0xe0: {  	v6 =	vld [tilespmem:s3+$0xFFFFFF80];
	_ =	sdelay $0x4  }
0xe1: {  	vm12 =	vgt.s32 v6, $0x0  }
0xe2: {  	v6 =	vnsel vm12, $0x0, v6  }
0xe3: {  	v6 =	vmin.u32 v6, $0x2300  }
0xe4: {  	[tilespmem:$0x178C0] =	vst v6  }
0xe5: {  	v6 =	vld [tilespmem:s3+$0xFFFFFF90];
	_ =	sdelay $0x4  }
0xe6: {  	vm13 =	vgt.s32 v6, $0x0  }
0xe7: {  	v6 =	vnsel vm13, $0x0, v6  }
0xe8: {  	v6 =	vmin.u32 v6, $0x2300  }
0xe9: {  	[tilespmem:$0x178D0] =	vst v6  }
0xea: {  	v6 =	vld [tilespmem:s3+$0xFFFFFFA0];
	_ =	sdelay $0x4  }
0xeb: {  	vm14 =	vgt.s32 v6, $0x0  }
0xec: {  	v6 =	vnsel vm14, $0x0, v6  }
0xed: {  	v6 =	vmin.u32 v6, $0x2300  }
0xee: {  	[tilespmem:$0x178E0] =	vst v6  }
0xef: {  	v6 =	vld [tilespmem:s3+$0xFFFFFFB0];
	_ =	sdelay $0x4  }
0xf0: {  	vm15 =	vgt.s32 v6, $0x0  }
0xf1: {  	v6 =	vnsel vm15, $0x0, v6  }
0xf2: {  	v6 =	vmin.u32 v6, $0x2300  }
0xf3: {  	[tilespmem:$0x178F0] =	vst v6  }
0xf4: {  	v6 =	vld [tilespmem:s3+$0xFFFFFFC0];
	_ =	sdelay $0x4  }
0xf5: {  	vm4 =	vgt.s32 v6, $0x0  }
0xf6: {  	v6 =	vnsel vm4, $0x0, v6  }
0xf7: {  	v6 =	vmin.u32 v6, $0x2300  }
0xf8: {  	[tilespmem:$0x17900] =	vst v6  }
0xf9: {  	v6 =	vld [tilespmem:s3+$0xFFFFFFD0];
	_ =	sdelay $0x4  }
0xfa: {  	vm5 =	vgt.s32 v6, $0x0  }
0xfb: {  	v6 =	vnsel vm5, $0x0, v6  }
0xfc: {  	v6 =	vmin.u32 v6, $0x2300  }
0xfd: {  	[tilespmem:$0x17910] =	vst v6  }
0xfe: {  	v6 =	vld [tilespmem:s3+$0xFFFFFFE0];
	_ =	sdelay $0x4  }
0xff: {  	vm6 =	vgt.s32 v6, $0x0  }
0x100: {  	v6 =	vnsel vm6, $0x0, v6  }
0x101: {  	v6 =	vmin.u32 v6, $0x2300  }
0x102: {  	[tilespmem:$0x17920] =	vst v6  }
0x103: {  	v6 =	vld [tilespmem:s3+$0xFFFFFFF0];
	_ =	sdelay $0x4  }
0x104: {  	vm7 =	vgt.s32 v6, $0x0  }
0x105: {  	v6 =	vnsel vm7, $0x0, v6  }
0x106: {  	v6 =	vmin.u32 v6, $0x2300  }
0x107: {  	[tilespmem:$0x17930] =	vst v6  }
0x108: {  	v6 =	vld [tilespmem:s3+$0x0];
	_ =	sdelay $0x4  }
0x109: {  	vm8 =	vgt.s32 v6, $0x0  }
0x10a: {  	v6 =	vnsel vm8, $0x0, v6  }
0x10b: {  	v6 =	vmin.u32 v6, $0x2300  }
0x10c: {  	[tilespmem:$0x17940] =	vst v6  }
0x10d: {  	v6 =	vld [tilespmem:s3+$0x10];
	_ =	sdelay $0x4  }
0x10e: {  	vm9 =	vgt.s32 v6, $0x0  }
0x10f: {  	v6 =	vnsel vm9, $0x0, v6  }
0x110: {  	v6 =	vmin.u32 v6, $0x2300  }
0x111: {  	[tilespmem:$0x17950] =	vst v6  }
0x112: {  	v6 =	vld [tilespmem:s3+$0x20];
	_ =	sdelay $0x4  }
0x113: {  	vm10 =	vgt.s32 v6, $0x0  }
0x114: {  	v6 =	vnsel vm10, $0x0, v6  }
0x115: {  	v6 =	vmin.u32 v6, $0x2300  }
0x116: {  	[tilespmem:$0x17960] =	vst v6  }
0x117: {  	v6 =	vld [tilespmem:s3+$0x30];
	_ =	sdelay $0x4  }
0x118: {  	vm11 =	vgt.s32 v6, $0x0  }
0x119: {  	v6 =	vnsel vm11, $0x0, v6  }
0x11a: {  	v6 =	vmin.u32 v6, $0x2300  }
0x11b: {  	[tilespmem:$0x17970] =	vst v6  }
0x11c: {  	v6 =	vld [tilespmem:s3+$0x40];
	_ =	sdelay $0x4  }
0x11d: {  	vm12 =	vgt.s32 v6, $0x0  }
0x11e: {  	v6 =	vnsel vm12, $0x0, v6  }
0x11f: {  	v6 =	vmin.u32 v6, $0x2300  }
0x120: {  	[tilespmem:$0x17980] =	vst v6  }
0x121: {  	v6 =	vld [tilespmem:s3+$0x50];
	_ =	sdelay $0x4  }
0x122: {  	vm13 =	vgt.s32 v6, $0x0  }
0x123: {  	v6 =	vnsel vm13, $0x0, v6  }
0x124: {  	v6 =	vmin.u32 v6, $0x2300  }
0x125: {  	[tilespmem:$0x17990] =	vst v6  }
0x126: {  	v6 =	vld [tilespmem:s3+$0x60];
	_ =	sdelay $0x4  }
0x127: {  	vm14 =	vgt.s32 v6, $0x0  }
0x128: {  	v6 =	vnsel vm14, $0x0, v6  }
0x129: {  	v6 =	vmin.u32 v6, $0x2300  }
0x12a: {  	[tilespmem:$0x179A0] =	vst v6  }
0x12b: {  	v6 =	vld [tilespmem:s3+$0x70];
	_ =	sdelay $0x4  }
0x12c: {  	vm15 =	vgt.s32 v6, $0x0  }
0x12d: {  	v6 =	vnsel vm15, $0x0, v6  }
0x12e: {  	v6 =	vmin.u32 v6, $0x2300  }
0x12f: {  	[tilespmem:$0x179B0] =	vst v6  }
0x130: {  	_ =	swait.ge [sflag:s20], $0x8000  }
0x131: {  	p0 =	sne.s32 s0, $0x1;
	[sflag:s20] =	ssyncset.done $0x0  }
.Ltmp8:
0x132: {  	[sflag:s20] =	ssyncadd.s32 $0xFFFF8000;
	(pc) =	sbr.rel @p0 .LBB2_7-.Ltmp8, $4  }
0x133: {  	[spmem:s1] =	stream.indirect.scatter.add.f32 [tilespmem:s25], [sflag:$0x4], $0x80, s26, s23, $0xb8;
	[tilespmem:$0x1F9C0] =	vst v63  }
0x134: {  	_ =	swait.ge [sflag:s16], $0x8000  }
0x135: {  	s0 =	sadd.s32 $0xFFFFFFFF, s0;
	[sflag:s16] =	ssyncset.done $0x0  }
0x136: {  	s14 =	sadd.s32 $0x100, s14;
	s3 =	sadd.s32 $0x100, s3;
	[sflag:s16] =	ssyncadd.s32 $0xFFFF8000  }
.Ltmp9:
0x137: {  	_ = 	snop;
	(pc) =	sbr.rel .LBB2_8-.Ltmp9, $1  }
0x138: {  	_ =	sdelay $0x3  }
.LBB2_11:
0x139: {  	_ =	sfence.sel $0x180000  }
0x13a: {  	[bflag:$0x0] =	sbarrier.arrive $0xFFFF  }
0x13b: {  	_ =	strace $0x90000047  }
0x13c: {  	s0 =	stileid.u32;
	[bflag:$0x2] =	sbarrier.arrive $0xFFFF  }
0x13d: {  	p0 =	sne.s32 s0, $0x0;
	s0 =	rddreg [dreg:$0x3]  }
0x13e: {  	s0 =	sadd.s32 @!p0 $0x100000, s0  }
0x13f: {  	[sflag:s0] =	ssyncadd.tile.s32 @!p0 $0x1;
	_ =	shalt  }
.Lfunc_end2:
_tile_overlayer_lowered:
.L_overlay_start_2:
0x140: {  	(tag) =	ssettag $0x2  }
0x141: {  	s0 =	rddreg [dreg:$0x0];
	s2 =	stileid.u32  }
0x142: {  	s1 =	rddreg [dreg:$0x1];
	p0 =	sne.s32 s2, $0x0  }
0x143: {  	s3 =	rddreg [dreg:$0x2];
	[bflag:$0x3] =	sbarrier.arrive $0xFFFF;
	s2 =	simm.s32 @!p0 $0x1C04  }
0x144: {  	[timem:s3], [sflag:s2] =	dma.local @!p0 [hbm:s0], s1  }
0x145: {  	s0 =	simm.s32 @!p0 $0x4  }
0x146: {  	_ =	swait.ge @!p0 [sflag:s0], s1  }
0x147: {  	s1 =	ssub.s32 @!p0 $0x0, s1;
	[sflag:s0] =	ssyncset.done @!p0 $0x0  }
0x148: {  	[sflag:s0] =	ssyncadd.s32 @!p0 s1  }
0x149: {  	[bflag:$0x3] =	sbarrier.arrive $0xFFFF  }
0x14a: {  	_ =	shalt  }

</sc_bundles>
